<compile_context>
chip_gen: v7x
topology: tpu7x:2x2x1
jax: 0.10.2.dev20260603
libtpu: 0.0.44.dev20260713+nightly
codegen_flags: <defaults>
</compile_context>

<pallas_src>
import functools

import jax
import jax.numpy as jnp
import numpy as np
from jax import lax
from jax.experimental import pallas as pl
from jax.experimental.pallas import tpu as pltpu
from jax.experimental.pallas import tpu_sc as plsc

NS = 16
NV = 4
N_NODES = 10000
N_EDGES = 160000
SH_DIM = 9
EDGE_FEAT = 3 * NS
MSG_W = 128
OUT_W = NS + 3 * NV + 5 * NV
INV = 1.0 / np.sqrt(NS)

_SC_PARAMS = pltpu.CompilerParams(use_tc_tiling_on_sc=False)

NUM_WORKERS = 32
PER_W = N_EDGES // NUM_WORKERS
CHUNK = 128
NCH = PER_W // CHUNK
TAIL = PER_W - NCH * CHUNK

_E1 = np.zeros((NS, NS * NS), np.float32)
_E2 = np.zeros((NS, NS * NS), np.float32)
for _k in range(NS):
    _E1[_k, _k * NS:(_k + 1) * NS] = 1.0
    for _i in range(NS):
        _E2[_i, _k * NS + _i] = 1.0


_ESH = np.zeros((SH_DIM, MSG_W), np.float32)
_ESH[0, 0:NS] = 1.0
for _v in range(NV):
    for _j in range(3):
        _ESH[1 + _j, NS + _v * 3 + _j] = 1.0
    for _j in range(5):
        _ESH[4 + _j, NS + 3 * NV + _v * 5 + _j] = 1.0

def _assemble_weights(fc_w2, fc_b2):
    w0 = fc_w2[:, :NS * NS].reshape(NS * NS, NS)
    w1 = jnp.repeat(fc_w2[:, NS * NS:NS * NS + NS * NV].reshape(NS * NS, NV),
                    3, axis=1)
    w2 = jnp.repeat(fc_w2[:, NS * NS + NS * NV:].reshape(NS * NS, NV),
                    5, axis=1)
    wc = jnp.concatenate([w0, w1, w2], axis=1) * INV
    b0 = fc_b2[:NS * NS].reshape(NS, NS)
    b1 = jnp.repeat(fc_b2[NS * NS:NS * NS + NS * NV].reshape(NS, NV), 3,
                    axis=1)
    b2 = jnp.repeat(fc_b2[NS * NS + NS * NV:].reshape(NS, NV), 5, axis=1)
    wb = jnp.concatenate([b0, b1, b2], axis=1) * INV
    wc = jnp.pad(wc, ((0, 0), (0, MSG_W - OUT_W)))
    wb = jnp.pad(wb, ((0, 0), (0, MSG_W - OUT_W)))
    return wc, wb


def _sc_gather(node_pad, src, n_e):
    mesh = plsc.VectorSubcoreMesh(core_axis_name="c", subcore_axis_name="s")
    per_w = n_e // NUM_WORKERS
    assert per_w % 8 == 0
    nch = per_w // CHUNK
    assert nch % 2 == 0 and nch >= 2
    tail = per_w - nch * CHUNK

    @functools.partial(
        pl.kernel,
        out_type=jax.ShapeDtypeStruct((n_e, 128), jnp.float32),
        mesh=mesh,
        scratch_types=[
            pltpu.VMEM((CHUNK,), jnp.int32),
            pltpu.VMEM((CHUNK, 128), jnp.float32),
            pltpu.VMEM((CHUNK,), jnp.int32),
            pltpu.VMEM((CHUNK, 128), jnp.float32),
            pltpu.VMEM((tail,), jnp.int32),
            pltpu.VMEM((tail, 128), jnp.float32),
            pltpu.SemaphoreType.DMA,
            pltpu.SemaphoreType.DMA,
            pltpu.SemaphoreType.DMA,
            pltpu.SemaphoreType.DMA,
        ],
        compiler_params=_SC_PARAMS,
    )
    def k(node_hbm, src_hbm, out_hbm, idx0, rows0, idx1, rows1, idxt, rowst,
          sg0, sg1, sw0, sw1):
        cid = lax.axis_index("c")
        sid = lax.axis_index("s")
        base = (sid * 2 + cid) * per_w

        def fire(c, idx_v, rows_v, sg):
            off = base + c * CHUNK
            pltpu.sync_copy(src_hbm.at[pl.ds(off, CHUNK)], idx_v)
            pltpu.async_copy(node_hbm.at[idx_v], rows_v, sg)

        def flush(c, idx_v, rows_v, sg, sw):
            pltpu.make_async_copy(node_hbm.at[idx_v], rows_v, sg).wait()
            off = base + c * CHUNK
            pltpu.async_copy(rows_v, out_hbm.at[pl.ds(off, CHUNK)], sw)

        def wait_wb(rows_v, sw):
            pltpu.make_async_copy(rows_v, out_hbm.at[pl.ds(base, CHUNK)],
                                  sw).wait()

        fire(0, idx0, rows0, sg0)
        fire(1, idx1, rows1, sg1)

        @pl.loop(0, nch - 2, step=2)
        def _(c):
            flush(c, idx0, rows0, sg0, sw0)
            flush(c + 1, idx1, rows1, sg1, sw1)
            wait_wb(rows0, sw0)
            fire(c + 2, idx0, rows0, sg0)
            wait_wb(rows1, sw1)
            fire(c + 3, idx1, rows1, sg1)

        flush(nch - 2, idx0, rows0, sg0, sw0)
        flush(nch - 1, idx1, rows1, sg1, sw1)
        off = base + nch * CHUNK
        pltpu.sync_copy(src_hbm.at[pl.ds(off, tail)], idxt)
        pltpu.async_copy(node_hbm.at[idxt], rowst, sg0).wait()
        pltpu.sync_copy(rowst, out_hbm.at[pl.ds(off, tail)])
        wait_wb(rows1, sw1)
        wait_wb(rows0, sw0)

    return k(node_pad, src)


_B_EDGE = 3200


def _tc_msg_body(x_ref, eat_ref, sht_ref, w1t_ref, b1_ref, e1_ref, e2_ref,
                 wc_ref, wb_ref, esh_ref, out_ref):
    f32 = jnp.float32
    dot = functools.partial(jnp.dot, preferred_element_type=f32)
    ht = jnp.maximum(dot(w1t_ref[...], eat_ref[...]) + b1_ref[...], 0.0)
    h = ht.T
    sh = sht_ref[...].T
    x16 = x_ref[:, 0:NS]
    he = dot(h, e1_ref[...])
    xe = dot(x16, e2_ref[...])
    pre = dot(xe * he, wc_ref[...]) + dot(x16, wb_ref[...])
    s = dot(sh, esh_ref[...])
    lane = lax.broadcasted_iota(jnp.int32, out_ref.shape, 1)
    out_ref[...] = pre * s + jnp.where(lane == OUT_W, 1.0, 0.0)


def _tc_msg(x128, eat, sht, w1t, fc_b1, wc, wb, n_e, blk_off):
    grid = (n_e // _B_EDGE,)
    full = lambda i: (0, 0)
    return pl.pallas_call(
        _tc_msg_body,
        grid=grid,
        in_specs=[
            pl.BlockSpec((_B_EDGE, 128), lambda i: (i, 0)),
            pl.BlockSpec((EDGE_FEAT, _B_EDGE), lambda i: (0, i + blk_off)),
            pl.BlockSpec((SH_DIM, _B_EDGE), lambda i: (0, i + blk_off)),
            pl.BlockSpec((NS, EDGE_FEAT), full),
            pl.BlockSpec((NS, 1), full),
            pl.BlockSpec((NS, NS * NS), full),
            pl.BlockSpec((NS, NS * NS), full),
            pl.BlockSpec((NS * NS, MSG_W), full),
            pl.BlockSpec((NS, MSG_W), full),
            pl.BlockSpec((SH_DIM, MSG_W), full),
        ],
        out_specs=pl.BlockSpec((_B_EDGE, MSG_W), lambda i: (i, 0)),
        out_shape=jax.ShapeDtypeStruct((n_e, MSG_W), jnp.float32),
    )(x128, eat, sht, w1t, fc_b1.reshape(NS, 1), jnp.asarray(_E1),
      jnp.asarray(_E2), wc, wb, jnp.asarray(_ESH))


def _sc_scatter(msg, dst, zer, n_e):
    mesh = plsc.VectorSubcoreMesh(core_axis_name="c", subcore_axis_name="s")
    half = n_e // 2
    per_s = half // 16
    assert per_s % 8 == 0
    nch = per_s // CHUNK
    assert nch % 2 == 0 and nch >= 2
    tail = per_s - nch * CHUNK

    @functools.partial(
        pl.kernel,
        out_type=jax.ShapeDtypeStruct((2, N_NODES, MSG_W), jnp.float32),
        mesh=mesh,
        scratch_types=[
            pltpu.VMEM_SHARED((N_NODES, MSG_W), jnp.float32),
            pltpu.VMEM((CHUNK,), jnp.int32),
            pltpu.VMEM((CHUNK, MSG_W), jnp.float32),
            pltpu.VMEM((CHUNK,), jnp.int32),
            pltpu.VMEM((CHUNK, MSG_W), jnp.float32),
            pltpu.VMEM((tail,), jnp.int32),
            pltpu.VMEM((tail, MSG_W), jnp.float32),
            pltpu.SemaphoreType.DMA,
            pltpu.SemaphoreType.DMA,
            pltpu.SemaphoreType.DMA,
            pltpu.SemaphoreType.DMA,
        ],
        compiler_params=_SC_PARAMS,
    )
    def k(msg_hbm, dst_hbm, zer_hbm, out_hbm, acc, idx0, msg0, idx1, msg1,
          idxt_v, msgt_v, sl0, sl1, ss0, ss1):
        cid = lax.axis_index("c")
        sid = lax.axis_index("s")

        @pl.when(sid == 0)
        def _():
            pltpu.sync_copy(zer_hbm, acc)

        plsc.subcore_barrier()
        base = cid * half + sid * per_s

        def fire_load(c, idx_v, msg_v, sem):
            off = base + c * CHUNK
            pltpu.async_copy(dst_hbm.at[pl.ds(off, CHUNK)], idx_v, sem)
            pltpu.async_copy(msg_hbm.at[pl.ds(off, CHUNK)], msg_v, sem)

        def wait_load(idx_v, msg_v, sem):
            pltpu.make_async_copy(dst_hbm.at[pl.ds(base, CHUNK)], idx_v,
                                  sem).wait()
            pltpu.make_async_copy(msg_hbm.at[pl.ds(base, CHUNK)], msg_v,
                                  sem).wait()

        def fire_scatter(idx_v, msg_v, sem):
            pltpu.async_copy(msg_v, acc.at[idx_v], sem, add=True)

        def wait_scatter(idx_v, msg_v, sem):
            pltpu.make_async_copy(msg_v, acc.at[idx_v], sem).wait()

        fire_load(0, idx0, msg0, sl0)
        fire_load(1, idx1, msg1, sl1)

        @pl.loop(0, nch - 2, step=2)
        def _(c):
            wait_load(idx0, msg0, sl0)
            fire_scatter(idx0, msg0, ss0)
            wait_load(idx1, msg1, sl1)
            fire_scatter(idx1, msg1, ss1)
            wait_scatter(idx0, msg0, ss0)
            fire_load(c + 2, idx0, msg0, sl0)
            wait_scatter(idx1, msg1, ss1)
            fire_load(c + 3, idx1, msg1, sl1)

        wait_load(idx0, msg0, sl0)
        fire_scatter(idx0, msg0, ss0)
        wait_load(idx1, msg1, sl1)
        fire_scatter(idx1, msg1, ss1)
        off = base + nch * CHUNK
        pltpu.sync_copy(dst_hbm.at[pl.ds(off, tail)], idxt_v)
        pltpu.sync_copy(msg_hbm.at[pl.ds(off, tail)], msgt_v)
        pltpu.sync_copy(msgt_v, acc.at[idxt_v], add=True)
        wait_scatter(idx1, msg1, ss1)
        wait_scatter(idx0, msg0, ss0)

        plsc.subcore_barrier()

        @pl.when(sid == 0)
        def _():
            pltpu.sync_copy(acc, out_hbm.at[cid])

    return k(msg, dst, zer)


_B_NODE = 2000


def _tc_fin_body(p_ref, q_ref, out_ref):
    s = p_ref[0] + p_ref[1] + q_ref[0] + q_ref[1]
    cnt = jnp.clip(s[:, OUT_W:OUT_W + 1], 1.0, None)
    out_ref[...] = s[:, 0:OUT_W] / cnt


def _tc_finalize(part1, part2):
    spec = pl.BlockSpec((2, _B_NODE, MSG_W), lambda i: (0, i, 0))
    return pl.pallas_call(
        _tc_fin_body,
        grid=(N_NODES // _B_NODE,),
        in_specs=[spec, spec],
        out_specs=pl.BlockSpec((_B_NODE, OUT_W), lambda i: (i, 0)),
        out_shape=jax.ShapeDtypeStruct((N_NODES, OUT_W), jnp.float32),
    )(part1, part2)


def kernel(node_attr, edge_index, edge_attr, edge_sh, fc_w1, fc_b1, fc_w2,
           fc_b2):
    src = edge_index[0]
    dst = edge_index[1]
    node_pad = jnp.pad(node_attr, ((0, 0), (0, 128 - NS)))
    wc, wb = _assemble_weights(fc_w2, fc_b2)
    zer = jnp.zeros((N_NODES, MSG_W), jnp.float32)
    eat, sht, w1t = edge_attr.T, edge_sh.T, fc_w1.T
    e1 = 76800
    e2 = N_EDGES - e1
    x1 = _sc_gather(node_pad, src[:e1], e1)
    msg1 = _tc_msg(x1, eat, sht, w1t, fc_b1, wc, wb, e1, 0)
    x2 = _sc_gather(node_pad, src[e1:], e2)
    part1 = _sc_scatter(msg1, dst[:e1], zer, e1)
    msg2 = _tc_msg(x2, eat, sht, w1t, fc_b1, wc, wb, e2, e1 // _B_EDGE)
    part2 = _sc_scatter(msg2, dst[e1:], zer, e2)
    return _tc_finalize(part1, part2)

# --- scband reference (transcript-rebuilt; emitter-appended) ---
"""Pipeline reference for scband-tensor-product-score-model-74071005987396 (READ-ONLY COPY).

The authoritative reference and input builder live on the scoring server;
editing this copy changes nothing except your own understanding.
"""

import jax, jax.numpy as jnp
import numpy as np

NS = 16
NV = 4
N_NODES = 10000
N_EDGES = 160000
SH_DIM = 9  # lmax=2 spherical harmonics: 1 + 3 + 5
EDGE_FEAT = 3 * NS
W_NUMEL = NS * NS + 2 * NS * NV  # tp path weights: 0e->0e, 0e->1o, 0e->2e


def setup_inputs(seed: int = 0) -> dict:
    key = jax.random.key(seed)
    ks = jax.random.split(key, 8)
    node_attr = jax.random.normal(ks[0], (N_NODES, NS), dtype=jnp.float32)
    edge_index = jax.random.randint(ks[1], (2, N_EDGES), 0, N_NODES, dtype=jnp.int32)
    edge_attr = jax.random.normal(ks[2], (N_EDGES, EDGE_FEAT), dtype=jnp.float32)
    edge_sh = jax.random.normal(ks[3], (N_EDGES, SH_DIM), dtype=jnp.float32)
    # learned parameters of the per-edge weight MLP (fc of TensorProductConvLayer)
    fc_w1 = jax.random.normal(ks[4], (EDGE_FEAT, NS), dtype=jnp.float32) / np.sqrt(EDGE_FEAT)
    fc_b1 = jnp.zeros((NS,), dtype=jnp.float32)
    fc_w2 = jax.random.normal(ks[5], (NS, W_NUMEL), dtype=jnp.float32) / np.sqrt(NS)
    fc_b2 = jnp.zeros((W_NUMEL,), dtype=jnp.float32)
    return {"node_attr": node_attr, "edge_index": edge_index, "edge_attr": edge_attr,
            "edge_sh": edge_sh, "fc_w1": fc_w1, "fc_b1": fc_b1, "fc_w2": fc_w2, "fc_b2": fc_b2}


def reference(node_attr, edge_index, edge_attr, edge_sh, fc_w1, fc_b1, fc_w2, fc_b2):
    # First TensorProductConvLayer of TensorProductScoreModel:
    #   in_irreps = ns x 0e (scalars), sh_irreps = 1x0e+1x1o+1x2e,
    #   out_irreps = ns x 0e + nv x 1o + nv x 2e
    # Per-edge tensor-product weights produced by an MLP over edge features,
    # messages = tp(x[src], edge_sh, fc(edge_attr)), scatter-mean onto dst nodes.
    src = edge_index[0]
    dst = edge_index[1]
    # edge weight MLP
    h = jax.nn.relu(edge_attr @ fc_w1 + fc_b1)
    w = h @ fc_w2 + fc_b2  # [E, W_NUMEL]
    w0 = w[:, : NS * NS].reshape(-1, NS, NS)
    w1 = w[:, NS * NS : NS * NS + NS * NV].reshape(-1, NS, NV)
    w2 = w[:, NS * NS + NS * NV :].reshape(-1, NS, NV)
    x_src = jnp.take(node_attr, src, axis=0)  # gather [E, NS]
    inv = 1.0 / np.sqrt(NS)
    # 0e (x) 0e -> 0e
    m0 = jnp.einsum('ei,eio->eo', x_src, w0) * edge_sh[:, 0:1] * inv  # [E, NS]
    # 0e (x) 1o -> 1o
    m1 = jnp.einsum('ei,eio->eo', x_src, w1)[:, :, None] * edge_sh[:, None, 1:4] * inv  # [E, NV, 3]
    # 0e (x) 2e -> 2e
    m2 = jnp.einsum('ei,eio->eo', x_src, w2)[:, :, None] * edge_sh[:, None, 4:9] * inv  # [E, NV, 5]
    msg = jnp.concatenate([m0, m1.reshape(-1, NV * 3), m2.reshape(-1, NV * 5)], axis=1)
    summed = jax.ops.segment_sum(msg, dst, num_segments=N_NODES)
    counts = jax.ops.segment_sum(jnp.ones((msg.shape[0],), dtype=jnp.float32), dst, num_segments=N_NODES)
    out = summed / jnp.clip(counts, 1.0, None)[:, None]  # scatter mean -> [N, NS + 3*NV + 5*NV]
    return out

if __name__ == "__main__":
    import jax
    _d = setup_inputs()
    print(jax.jit(kernel)(*tuple(_d.values())))

</pallas_src>

<mosaic_0001>
#map = affine_map<(d0, d1) -> (0, 0)>
#map1 = affine_map<(d0, d1) -> (0)>
module attributes {stable_mosaic.version = 14 : i64} {
  func.func @k(%arg0: i32, %arg1: i32, %arg2: memref<10000x128xf32, #tpu.memory_space<hbm>>, %arg3: memref<76800xi32, #tpu.memory_space<hbm>>, %arg4: memref<76800x128xf32, #tpu.memory_space<hbm>>, %arg5: memref<128xi32, #tpu.memory_space<vmem>>, %arg6: memref<128x128xf32, #tpu.memory_space<vmem>>, %arg7: memref<128xi32, #tpu.memory_space<vmem>>, %arg8: memref<128x128xf32, #tpu.memory_space<vmem>>, %arg9: memref<96xi32, #tpu.memory_space<vmem>>, %arg10: memref<96x128xf32, #tpu.memory_space<vmem>>, %arg11: memref<!tpu.dma_semaphore, #tpu.memory_space<semaphore_mem>>, %arg12: memref<!tpu.dma_semaphore, #tpu.memory_space<semaphore_mem>>, %arg13: memref<!tpu.dma_semaphore, #tpu.memory_space<semaphore_mem>>, %arg14: memref<!tpu.dma_semaphore, #tpu.memory_space<semaphore_mem>>) attributes {dimension_semantics = [#tpu.dimension_semantics<core_parallel>, #tpu.dimension_semantics<subcore_parallel>], iteration_bounds = array<i64: 2, 16>, scalar_prefetch = 0 : i64, scratch_operands = 10 : i64, tpu.core_type = #tpu.core_type<sc_vector_subcore>, window_params = [{transform_indices = #map}, {transform_indices = #map1}, {transform_indices = #map}]} {
    %mul3A = arith.constant 2 : i32
    %mul3A_0 = arith.muli %arg1, %mul3A : i32
    %add3A = arith.addi %mul3A_0, %arg0 : i32
    %mul3A_1 = arith.constant 2400 : i32
    %mul3A_2 = arith.muli %add3A, %mul3A_1 : i32
    %add3A_3 = arith.constant 0 : i32
    %add3A_4 = arith.addi %mul3A_2, %add3A_3 : i32
    "tpu.region"() ({
      %run_scoped3A = tpu.sem_alloc : memref<!tpu.dma_semaphore, #tpu.memory_space<semaphore_mem>>
      %dma_start3A_49 = tpu.memref_slice %arg3[%add3A_4] : memref<76800xi32, #tpu.memory_space<hbm>> -> memref<128xi32, #tpu.memory_space<hbm>>
      %dma_start3A_50 = tpu.memref_slice %arg3[%add3A_4] : memref<76800xi32, #tpu.memory_space<hbm>> -> memref<128xi32, #tpu.memory_space<hbm>>
      tpu.enqueue_dma source(%dma_start3A_50 : memref<128xi32, #tpu.memory_space<hbm>>) target(%arg5 : memref<128xi32, #tpu.memory_space<vmem>>) target_semaphore(%run_scoped3A : memref<!tpu.dma_semaphore, #tpu.memory_space<semaphore_mem>>)
      %dma_wait3A_51 = tpu.memref_slice %arg3[%add3A_4] : memref<76800xi32, #tpu.memory_space<hbm>> -> memref<128xi32, #tpu.memory_space<hbm>>
      %dma_wait3A_52 = tpu.memref_slice %arg3[%add3A_4] : memref<76800xi32, #tpu.memory_space<hbm>> -> memref<128xi32, #tpu.memory_space<hbm>>
      tpu.wait_dma2 semaphore(%run_scoped3A : memref<!tpu.dma_semaphore, #tpu.memory_space<semaphore_mem>>) src(%dma_wait3A_52 : memref<128xi32, #tpu.memory_space<hbm>>) dst(%arg5 : memref<128xi32, #tpu.memory_space<vmem>>)
      tpu.yield
    }) : () -> ()
    %dma_start3A = arith.constant 0 : i32
    %dma_start3A_5 = arith.constant 0 : i32
    %dma_start3A_6 = tpu.memref_slice %arg2[%dma_start3A, %dma_start3A_5] : memref<10000x128xf32, #tpu.memory_space<hbm>> -> memref<10000x128xf32, #tpu.memory_space<hbm>>
    tpu.enqueue_indirect_dma source(%dma_start3A_6 : memref<10000x128xf32, #tpu.memory_space<hbm>>) target(%arg6 : memref<128x128xf32, #tpu.memory_space<vmem>>) offsets(%arg5 : memref<128xi32, #tpu.memory_space<vmem>>) semaphore(%arg11 : memref<!tpu.dma_semaphore, #tpu.memory_space<semaphore_mem>>)
    %add3A_7 = arith.constant 128 : i32
    %add3A_8 = arith.addi %mul3A_2, %add3A_7 : i32
    "tpu.region"() ({
      %run_scoped3A = tpu.sem_alloc : memref<!tpu.dma_semaphore, #tpu.memory_space<semaphore_mem>>
      %dma_start3A_49 = tpu.memref_slice %arg3[%add3A_8] : memref<76800xi32, #tpu.memory_space<hbm>> -> memref<128xi32, #tpu.memory_space<hbm>>
      %dma_start3A_50 = tpu.memref_slice %arg3[%add3A_8] : memref<76800xi32, #tpu.memory_space<hbm>> -> memref<128xi32, #tpu.memory_space<hbm>>
      tpu.enqueue_dma source(%dma_start3A_50 : memref<128xi32, #tpu.memory_space<hbm>>) target(%arg7 : memref<128xi32, #tpu.memory_space<vmem>>) target_semaphore(%run_scoped3A : memref<!tpu.dma_semaphore, #tpu.memory_space<semaphore_mem>>)
      %dma_wait3A_51 = tpu.memref_slice %arg3[%add3A_8] : memref<76800xi32, #tpu.memory_space<hbm>> -> memref<128xi32, #tpu.memory_space<hbm>>
      %dma_wait3A_52 = tpu.memref_slice %arg3[%add3A_8] : memref<76800xi32, #tpu.memory_space<hbm>> -> memref<128xi32, #tpu.memory_space<hbm>>
      tpu.wait_dma2 semaphore(%run_scoped3A : memref<!tpu.dma_semaphore, #tpu.memory_space<semaphore_mem>>) src(%dma_wait3A_52 : memref<128xi32, #tpu.memory_space<hbm>>) dst(%arg7 : memref<128xi32, #tpu.memory_space<vmem>>)
      tpu.yield
    }) : () -> ()
    %dma_start3A_9 = arith.constant 0 : i32
    %dma_start3A_10 = arith.constant 0 : i32
    %dma_start3A_11 = tpu.memref_slice %arg2[%dma_start3A_9, %dma_start3A_10] : memref<10000x128xf32, #tpu.memory_space<hbm>> -> memref<10000x128xf32, #tpu.memory_space<hbm>>
    tpu.enqueue_indirect_dma source(%dma_start3A_11 : memref<10000x128xf32, #tpu.memory_space<hbm>>) target(%arg8 : memref<128x128xf32, #tpu.memory_space<vmem>>) offsets(%arg7 : memref<128xi32, #tpu.memory_space<vmem>>) semaphore(%arg12 : memref<!tpu.dma_semaphore, #tpu.memory_space<semaphore_mem>>)
    %scan3A = arith.constant 0 : i32
    %scan3A_12 = arith.constant 8 : i32
    %scan3A_13 = arith.addi %scan3A, %scan3A_12 : i32
    %scan3A_14 = arith.constant 1 : i32
    scf.for %scan3A_49 = %scan3A to %scan3A_13 step %scan3A_14  : i32 {
      %mul3A_50 = arith.constant 2 : i32
      %mul3A_51 = arith.muli %scan3A_49, %mul3A_50 : i32
      %add3A_52 = arith.constant 0 : i32
      %add3A_53 = arith.addi %add3A_52, %mul3A_51 : i32
      %dma_wait3A_54 = arith.constant 0 : i32
      %dma_wait3A_55 = arith.constant 0 : i32
      %dma_wait3A_56 = tpu.memref_slice %arg2[%dma_wait3A_54, %dma_wait3A_55] : memref<10000x128xf32, #tpu.memory_space<hbm>> -> memref<10000x128xf32, #tpu.memory_space<hbm>>
      tpu.wait_indirect_dma semaphore(%arg11 : memref<!tpu.dma_semaphore, #tpu.memory_space<semaphore_mem>>) src(%dma_wait3A_56 : memref<10000x128xf32, #tpu.memory_space<hbm>>) dst(%arg6 : memref<128x128xf32, #tpu.memory_space<vmem>>)
      %mul3A_57 = arith.constant 128 : i32
      %mul3A_58 = arith.muli %add3A_53, %mul3A_57 : i32
      %add3A_59 = arith.addi %mul3A_2, %mul3A_58 : i32
      %dma_start3A_60 = arith.constant 0 : i32
      %dma_start3A_61 = tpu.memref_slice %arg4[%add3A_59, %dma_start3A_60] : memref<76800x128xf32, #tpu.memory_space<hbm>> -> memref<128x128xf32, #tpu.memory_space<hbm>>
      %dma_start3A_62 = arith.constant 0 : i32
      %dma_start3A_63 = tpu.memref_slice %arg4[%add3A_59, %dma_start3A_62] : memref<76800x128xf32, #tpu.memory_space<hbm>> -> memref<128x128xf32, #tpu.memory_space<hbm>>
      tpu.enqueue_dma source(%arg6 : memref<128x128xf32, #tpu.memory_space<vmem>>) target(%dma_start3A_63 : memref<128x128xf32, #tpu.memory_space<hbm>>) target_semaphore(%arg13 : memref<!tpu.dma_semaphore, #tpu.memory_space<semaphore_mem>>)
      %add3A_64 = arith.constant 1 : i32
      %add3A_65 = arith.addi %add3A_53, %add3A_64 : i32
      %dma_wait3A_66 = arith.constant 0 : i32
      %dma_wait3A_67 = arith.constant 0 : i32
      %dma_wait3A_68 = tpu.memref_slice %arg2[%dma_wait3A_66, %dma_wait3A_67] : memref<10000x128xf32, #tpu.memory_space<hbm>> -> memref<10000x128xf32, #tpu.memory_space<hbm>>
      tpu.wait_indirect_dma semaphore(%arg12 : memref<!tpu.dma_semaphore, #tpu.memory_space<semaphore_mem>>) src(%dma_wait3A_68 : memref<10000x128xf32, #tpu.memory_space<hbm>>) dst(%arg8 : memref<128x128xf32, #tpu.memory_space<vmem>>)
      %mul3A_69 = arith.constant 128 : i32
      %mul3A_70 = arith.muli %add3A_65, %mul3A_69 : i32
      %add3A_71 = arith.addi %mul3A_2, %mul3A_70 : i32
      %dma_start3A_72 = arith.constant 0 : i32
      %dma_start3A_73 = tpu.memref_slice %arg4[%add3A_71, %dma_start3A_72] : memref<76800x128xf32, #tpu.memory_space<hbm>> -> memref<128x128xf32, #tpu.memory_space<hbm>>
      %dma_start3A_74 = arith.constant 0 : i32
      %dma_start3A_75 = tpu.memref_slice %arg4[%add3A_71, %dma_start3A_74] : memref<76800x128xf32, #tpu.memory_space<hbm>> -> memref<128x128xf32, #tpu.memory_space<hbm>>
      tpu.enqueue_dma source(%arg8 : memref<128x128xf32, #tpu.memory_space<vmem>>) target(%dma_start3A_75 : memref<128x128xf32, #tpu.memory_space<hbm>>) target_semaphore(%arg14 : memref<!tpu.dma_semaphore, #tpu.memory_space<semaphore_mem>>)
      %dma_wait3A_76 = arith.constant 0 : i32
      %dma_wait3A_77 = tpu.memref_slice %arg4[%mul3A_2, %dma_wait3A_76] : memref<76800x128xf32, #tpu.memory_space<hbm>> -> memref<128x128xf32, #tpu.memory_space<hbm>>
      %dma_wait3A_78 = arith.constant 0 : i32
      %dma_wait3A_79 = tpu.memref_slice %arg4[%mul3A_2, %dma_wait3A_78] : memref<76800x128xf32, #tpu.memory_space<hbm>> -> memref<128x128xf32, #tpu.memory_space<hbm>>
      tpu.wait_dma2 semaphore(%arg13 : memref<!tpu.dma_semaphore, #tpu.memory_space<semaphore_mem>>) src(%arg6 : memref<128x128xf32, #tpu.memory_space<vmem>>) dst(%dma_wait3A_79 : memref<128x128xf32, #tpu.memory_space<hbm>>)
      %add3A_80 = arith.constant 2 : i32
      %add3A_81 = arith.addi %add3A_53, %add3A_80 : i32
      %mul3A_82 = arith.constant 128 : i32
      %mul3A_83 = arith.muli %add3A_81, %mul3A_82 : i32
      %add3A_84 = arith.addi %mul3A_2, %mul3A_83 : i32
      "tpu.region"() ({
        %run_scoped3A = tpu.sem_alloc : memref<!tpu.dma_semaphore, #tpu.memory_space<semaphore_mem>>
        %dma_start3A_100 = tpu.memref_slice %arg3[%add3A_84] : memref<76800xi32, #tpu.memory_space<hbm>> -> memref<128xi32, #tpu.memory_space<hbm>>
        %dma_start3A_101 = tpu.memref_slice %arg3[%add3A_84] : memref<76800xi32, #tpu.memory_space<hbm>> -> memref<128xi32, #tpu.memory_space<hbm>>
        tpu.enqueue_dma source(%dma_start3A_101 : memref<128xi32, #tpu.memory_space<hbm>>) target(%arg5 : memref<128xi32, #tpu.memory_space<vmem>>) target_semaphore(%run_scoped3A : memref<!tpu.dma_semaphore, #tpu.memory_space<semaphore_mem>>)
        %dma_wait3A_102 = tpu.memref_slice %arg3[%add3A_84] : memref<76800xi32, #tpu.memory_space<hbm>> -> memref<128xi32, #tpu.memory_space<hbm>>
        %dma_wait3A_103 = tpu.memref_slice %arg3[%add3A_84] : memref<76800xi32, #tpu.memory_space<hbm>> -> memref<128xi32, #tpu.memory_space<hbm>>
        tpu.wait_dma2 semaphore(%run_scoped3A : memref<!tpu.dma_semaphore, #tpu.memory_space<semaphore_mem>>) src(%dma_wait3A_103 : memref<128xi32, #tpu.memory_space<hbm>>) dst(%arg5 : memref<128xi32, #tpu.memory_space<vmem>>)
        tpu.yield
      }) : () -> ()
      %dma_start3A_85 = arith.constant 0 : i32
      %dma_start3A_86 = arith.constant 0 : i32
      %dma_start3A_87 = tpu.memref_slice %arg2[%dma_start3A_85, %dma_start3A_86] : memref<10000x128xf32, #tpu.memory_space<hbm>> -> memref<10000x128xf32, #tpu.memory_space<hbm>>
      tpu.enqueue_indirect_dma source(%dma_start3A_87 : memref<10000x128xf32, #tpu.memory_space<hbm>>) target(%arg6 : memref<128x128xf32, #tpu.memory_space<vmem>>) offsets(%arg5 : memref<128xi32, #tpu.memory_space<vmem>>) semaphore(%arg11 : memref<!tpu.dma_semaphore, #tpu.memory_space<semaphore_mem>>)
      %dma_wait3A_88 = arith.constant 0 : i32
      %dma_wait3A_89 = tpu.memref_slice %arg4[%mul3A_2, %dma_wait3A_88] : memref<76800x128xf32, #tpu.memory_space<hbm>> -> memref<128x128xf32, #tpu.memory_space<hbm>>
      %dma_wait3A_90 = arith.constant 0 : i32
      %dma_wait3A_91 = tpu.memref_slice %arg4[%mul3A_2, %dma_wait3A_90] : memref<76800x128xf32, #tpu.memory_space<hbm>> -> memref<128x128xf32, #tpu.memory_space<hbm>>
      tpu.wait_dma2 semaphore(%arg14 : memref<!tpu.dma_semaphore, #tpu.memory_space<semaphore_mem>>) src(%arg8 : memref<128x128xf32, #tpu.memory_space<vmem>>) dst(%dma_wait3A_91 : memref<128x128xf32, #tpu.memory_space<hbm>>)
      %add3A_92 = arith.constant 3 : i32
      %add3A_93 = arith.addi %add3A_53, %add3A_92 : i32
      %mul3A_94 = arith.constant 128 : i32
      %mul3A_95 = arith.muli %add3A_93, %mul3A_94 : i32
      %add3A_96 = arith.addi %mul3A_2, %mul3A_95 : i32
      "tpu.region"() ({
        %run_scoped3A = tpu.sem_alloc : memref<!tpu.dma_semaphore, #tpu.memory_space<semaphore_mem>>
        %dma_start3A_100 = tpu.memref_slice %arg3[%add3A_96] : memref<76800xi32, #tpu.memory_space<hbm>> -> memref<128xi32, #tpu.memory_space<hbm>>
        %dma_start3A_101 = tpu.memref_slice %arg3[%add3A_96] : memref<76800xi32, #tpu.memory_space<hbm>> -> memref<128xi32, #tpu.memory_space<hbm>>
        tpu.enqueue_dma source(%dma_start3A_101 : memref<128xi32, #tpu.memory_space<hbm>>) target(%arg7 : memref<128xi32, #tpu.memory_space<vmem>>) target_semaphore(%run_scoped3A : memref<!tpu.dma_semaphore, #tpu.memory_space<semaphore_mem>>)
        %dma_wait3A_102 = tpu.memref_slice %arg3[%add3A_96] : memref<76800xi32, #tpu.memory_space<hbm>> -> memref<128xi32, #tpu.memory_space<hbm>>
        %dma_wait3A_103 = tpu.memref_slice %arg3[%add3A_96] : memref<76800xi32, #tpu.memory_space<hbm>> -> memref<128xi32, #tpu.memory_space<hbm>>
        tpu.wait_dma2 semaphore(%run_scoped3A : memref<!tpu.dma_semaphore, #tpu.memory_space<semaphore_mem>>) src(%dma_wait3A_103 : memref<128xi32, #tpu.memory_space<hbm>>) dst(%arg7 : memref<128xi32, #tpu.memory_space<vmem>>)
        tpu.yield
      }) : () -> ()
      %dma_start3A_97 = arith.constant 0 : i32
      %dma_start3A_98 = arith.constant 0 : i32
      %dma_start3A_99 = tpu.memref_slice %arg2[%dma_start3A_97, %dma_start3A_98] : memref<10000x128xf32, #tpu.memory_space<hbm>> -> memref<10000x128xf32, #tpu.memory_space<hbm>>
      tpu.enqueue_indirect_dma source(%dma_start3A_99 : memref<10000x128xf32, #tpu.memory_space<hbm>>) target(%arg8 : memref<128x128xf32, #tpu.memory_space<vmem>>) offsets(%arg7 : memref<128xi32, #tpu.memory_space<vmem>>) semaphore(%arg12 : memref<!tpu.dma_semaphore, #tpu.memory_space<semaphore_mem>>)
    }
    %scan3A_15 = arith.constant 8 : i32
    %dma_wait3A = arith.constant 0 : i32
    %dma_wait3A_16 = arith.constant 0 : i32
    %dma_wait3A_17 = tpu.memref_slice %arg2[%dma_wait3A, %dma_wait3A_16] : memref<10000x128xf32, #tpu.memory_space<hbm>> -> memref<10000x128xf32, #tpu.memory_space<hbm>>
    tpu.wait_indirect_dma semaphore(%arg11 : memref<!tpu.dma_semaphore, #tpu.memory_space<semaphore_mem>>) src(%dma_wait3A_17 : memref<10000x128xf32, #tpu.memory_space<hbm>>) dst(%arg6 : memref<128x128xf32, #tpu.memory_space<vmem>>)
    %add3A_18 = arith.constant 2048 : i32
    %add3A_19 = arith.addi %mul3A_2, %add3A_18 : i32
    %dma_start3A_20 = arith.constant 0 : i32
    %dma_start3A_21 = tpu.memref_slice %arg4[%add3A_19, %dma_start3A_20] : memref<76800x128xf32, #tpu.memory_space<hbm>> -> memref<128x128xf32, #tpu.memory_space<hbm>>
    %dma_start3A_22 = arith.constant 0 : i32
    %dma_start3A_23 = tpu.memref_slice %arg4[%add3A_19, %dma_start3A_22] : memref<76800x128xf32, #tpu.memory_space<hbm>> -> memref<128x128xf32, #tpu.memory_space<hbm>>
    tpu.enqueue_dma source(%arg6 : memref<128x128xf32, #tpu.memory_space<vmem>>) target(%dma_start3A_23 : memref<128x128xf32, #tpu.memory_space<hbm>>) target_semaphore(%arg13 : memref<!tpu.dma_semaphore, #tpu.memory_space<semaphore_mem>>)
    %dma_wait3A_24 = arith.constant 0 : i32
    %dma_wait3A_25 = arith.constant 0 : i32
    %dma_wait3A_26 = tpu.memref_slice %arg2[%dma_wait3A_24, %dma_wait3A_25] : memref<10000x128xf32, #tpu.memory_space<hbm>> -> memref<10000x128xf32, #tpu.memory_space<hbm>>
    tpu.wait_indirect_dma semaphore(%arg12 : memref<!tpu.dma_semaphore, #tpu.memory_space<semaphore_mem>>) src(%dma_wait3A_26 : memref<10000x128xf32, #tpu.memory_space<hbm>>) dst(%arg8 : memref<128x128xf32, #tpu.memory_space<vmem>>)
    %add3A_27 = arith.constant 2176 : i32
    %add3A_28 = arith.addi %mul3A_2, %add3A_27 : i32
    %dma_start3A_29 = arith.constant 0 : i32
    %dma_start3A_30 = tpu.memref_slice %arg4[%add3A_28, %dma_start3A_29] : memref<76800x128xf32, #tpu.memory_space<hbm>> -> memref<128x128xf32, #tpu.memory_space<hbm>>
    %dma_start3A_31 = arith.constant 0 : i32
    %dma_start3A_32 = tpu.memref_slice %arg4[%add3A_28, %dma_start3A_31] : memref<76800x128xf32, #tpu.memory_space<hbm>> -> memref<128x128xf32, #tpu.memory_space<hbm>>
    tpu.enqueue_dma source(%arg8 : memref<128x128xf32, #tpu.memory_space<vmem>>) target(%dma_start3A_32 : memref<128x128xf32, #tpu.memory_space<hbm>>) target_semaphore(%arg14 : memref<!tpu.dma_semaphore, #tpu.memory_space<semaphore_mem>>)
    %add3A_33 = arith.constant 2304 : i32
    %add3A_34 = arith.addi %mul3A_2, %add3A_33 : i32
    "tpu.region"() ({
      %run_scoped3A = tpu.sem_alloc : memref<!tpu.dma_semaphore, #tpu.memory_space<semaphore_mem>>
      %dma_start3A_49 = tpu.memref_slice %arg3[%add3A_34] : memref<76800xi32, #tpu.memory_space<hbm>> -> memref<96xi32, #tpu.memory_space<hbm>>
      %dma_start3A_50 = tpu.memref_slice %arg3[%add3A_34] : memref<76800xi32, #tpu.memory_space<hbm>> -> memref<96xi32, #tpu.memory_space<hbm>>
      tpu.enqueue_dma source(%dma_start3A_50 : memref<96xi32, #tpu.memory_space<hbm>>) target(%arg9 : memref<96xi32, #tpu.memory_space<vmem>>) target_semaphore(%run_scoped3A : memref<!tpu.dma_semaphore, #tpu.memory_space<semaphore_mem>>)
      %dma_wait3A_51 = tpu.memref_slice %arg3[%add3A_34] : memref<76800xi32, #tpu.memory_space<hbm>> -> memref<96xi32, #tpu.memory_space<hbm>>
      %dma_wait3A_52 = tpu.memref_slice %arg3[%add3A_34] : memref<76800xi32, #tpu.memory_space<hbm>> -> memref<96xi32, #tpu.memory_space<hbm>>
      tpu.wait_dma2 semaphore(%run_scoped3A : memref<!tpu.dma_semaphore, #tpu.memory_space<semaphore_mem>>) src(%dma_wait3A_52 : memref<96xi32, #tpu.memory_space<hbm>>) dst(%arg9 : memref<96xi32, #tpu.memory_space<vmem>>)
      tpu.yield
    }) : () -> ()
    %dma_start3A_35 = arith.constant 0 : i32
    %dma_start3A_36 = arith.constant 0 : i32
    %dma_start3A_37 = tpu.memref_slice %arg2[%dma_start3A_35, %dma_start3A_36] : memref<10000x128xf32, #tpu.memory_space<hbm>> -> memref<10000x128xf32, #tpu.memory_space<hbm>>
    tpu.enqueue_indirect_dma source(%dma_start3A_37 : memref<10000x128xf32, #tpu.memory_space<hbm>>) target(%arg10 : memref<96x128xf32, #tpu.memory_space<vmem>>) offsets(%arg9 : memref<96xi32, #tpu.memory_space<vmem>>) semaphore(%arg11 : memref<!tpu.dma_semaphore, #tpu.memory_space<semaphore_mem>>)
    %dma_wait3A_38 = arith.constant 0 : i32
    %dma_wait3A_39 = arith.constant 0 : i32
    %dma_wait3A_40 = tpu.memref_slice %arg2[%dma_wait3A_38, %dma_wait3A_39] : memref<10000x128xf32, #tpu.memory_space<hbm>> -> memref<10000x128xf32, #tpu.memory_space<hbm>>
    tpu.wait_indirect_dma semaphore(%arg11 : memref<!tpu.dma_semaphore, #tpu.memory_space<semaphore_mem>>) src(%dma_wait3A_40 : memref<10000x128xf32, #tpu.memory_space<hbm>>) dst(%arg10 : memref<96x128xf32, #tpu.memory_space<vmem>>)
    "tpu.region"() ({
      %run_scoped3A = tpu.sem_alloc : memref<!tpu.dma_semaphore, #tpu.memory_space<semaphore_mem>>
      %dma_start3A_49 = arith.constant 0 : i32
      %dma_start3A_50 = tpu.memref_slice %arg4[%add3A_34, %dma_start3A_49] : memref<76800x128xf32, #tpu.memory_space<hbm>> -> memref<96x128xf32, #tpu.memory_space<hbm>>
      %dma_start3A_51 = arith.constant 0 : i32
      %dma_start3A_52 = tpu.memref_slice %arg4[%add3A_34, %dma_start3A_51] : memref<76800x128xf32, #tpu.memory_space<hbm>> -> memref<96x128xf32, #tpu.memory_space<hbm>>
      tpu.enqueue_dma source(%arg10 : memref<96x128xf32, #tpu.memory_space<vmem>>) target(%dma_start3A_52 : memref<96x128xf32, #tpu.memory_space<hbm>>) target_semaphore(%run_scoped3A : memref<!tpu.dma_semaphore, #tpu.memory_space<semaphore_mem>>)
      %dma_wait3A_53 = arith.constant 0 : i32
      %dma_wait3A_54 = tpu.memref_slice %arg4[%add3A_34, %dma_wait3A_53] : memref<76800x128xf32, #tpu.memory_space<hbm>> -> memref<96x128xf32, #tpu.memory_space<hbm>>
      %dma_wait3A_55 = arith.constant 0 : i32
      %dma_wait3A_56 = tpu.memref_slice %arg4[%add3A_34, %dma_wait3A_55] : memref<76800x128xf32, #tpu.memory_space<hbm>> -> memref<96x128xf32, #tpu.memory_space<hbm>>
      tpu.wait_dma2 semaphore(%run_scoped3A : memref<!tpu.dma_semaphore, #tpu.memory_space<semaphore_mem>>) src(%arg10 : memref<96x128xf32, #tpu.memory_space<vmem>>) dst(%dma_wait3A_56 : memref<96x128xf32, #tpu.memory_space<hbm>>)
      tpu.yield
    }) : () -> ()
    %dma_wait3A_41 = arith.constant 0 : i32
    %dma_wait3A_42 = tpu.memref_slice %arg4[%mul3A_2, %dma_wait3A_41] : memref<76800x128xf32, #tpu.memory_space<hbm>> -> memref<128x128xf32, #tpu.memory_space<hbm>>
    %dma_wait3A_43 = arith.constant 0 : i32
    %dma_wait3A_44 = tpu.memref_slice %arg4[%mul3A_2, %dma_wait3A_43] : memref<76800x128xf32, #tpu.memory_space<hbm>> -> memref<128x128xf32, #tpu.memory_space<hbm>>
    tpu.wait_dma2 semaphore(%arg14 : memref<!tpu.dma_semaphore, #tpu.memory_space<semaphore_mem>>) src(%arg8 : memref<128x128xf32, #tpu.memory_space<vmem>>) dst(%dma_wait3A_44 : memref<128x128xf32, #tpu.memory_space<hbm>>)
    %dma_wait3A_45 = arith.constant 0 : i32
    %dma_wait3A_46 = tpu.memref_slice %arg4[%mul3A_2, %dma_wait3A_45] : memref<76800x128xf32, #tpu.memory_space<hbm>> -> memref<128x128xf32, #tpu.memory_space<hbm>>
    %dma_wait3A_47 = arith.constant 0 : i32
    %dma_wait3A_48 = tpu.memref_slice %arg4[%mul3A_2, %dma_wait3A_47] : memref<76800x128xf32, #tpu.memory_space<hbm>> -> memref<128x128xf32, #tpu.memory_space<hbm>>
    tpu.wait_dma2 semaphore(%arg13 : memref<!tpu.dma_semaphore, #tpu.memory_space<semaphore_mem>>) src(%arg6 : memref<128x128xf32, #tpu.memory_space<vmem>>) dst(%dma_wait3A_48 : memref<128x128xf32, #tpu.memory_space<hbm>>)
    return
  }
}

#map = affine_map<(d0, d1) -> (0, 0)>
#map1 = affine_map<(d0, d1) -> (0)>
#map2 = affine_map<(d0, d1) -> (0, 0, 0)>
module attributes {stable_mosaic.version = 14 : i64} {
  func.func @k(%arg0: i32, %arg1: i32, %arg2: memref<83200x128xf32, #tpu.memory_space<hbm>>, %arg3: memref<83200xi32, #tpu.memory_space<hbm>>, %arg4: memref<10000x128xf32, #tpu.memory_space<hbm>>, %arg5: memref<2x10000x128xf32, #tpu.memory_space<hbm>>, %arg6: memref<10000x128xf32, #tpu.memory_space<vmem_shared>>, %arg7: memref<128xi32, #tpu.memory_space<vmem>>, %arg8: memref<128x128xf32, #tpu.memory_space<vmem>>, %arg9: memref<128xi32, #tpu.memory_space<vmem>>, %arg10: memref<128x128xf32, #tpu.memory_space<vmem>>, %arg11: memref<40xi32, #tpu.memory_space<vmem>>, %arg12: memref<40x128xf32, #tpu.memory_space<vmem>>, %arg13: memref<!tpu.dma_semaphore, #tpu.memory_space<semaphore_mem>>, %arg14: memref<!tpu.dma_semaphore, #tpu.memory_space<semaphore_mem>>, %arg15: memref<!tpu.dma_semaphore, #tpu.memory_space<semaphore_mem>>, %arg16: memref<!tpu.dma_semaphore, #tpu.memory_space<semaphore_mem>>) attributes {dimension_semantics = [#tpu.dimension_semantics<core_parallel>, #tpu.dimension_semantics<subcore_parallel>], iteration_bounds = array<i64: 2, 16>, scalar_prefetch = 0 : i64, scratch_operands = 11 : i64, tpu.core_type = #tpu.core_type<sc_vector_subcore>, window_params = [{transform_indices = #map}, {transform_indices = #map1}, {transform_indices = #map}, {transform_indices = #map2}]} {
    %eq3A = arith.constant 0 : i32
    %eq3A_0 = arith.cmpi eq, %arg1, %eq3A : i32
    %convert_element_type3A = arith.extui %eq3A_0 : i1 to i32
    %cond3A = arith.constant 0 : i32
    %cond3A_1 = arith.cmpi ne, %convert_element_type3A, %cond3A : i32
    scf.if %cond3A_1 {
      "tpu.region"() ({
        %run_scoped3A = tpu.sem_alloc : memref<!tpu.dma_semaphore, #tpu.memory_space<semaphore_mem>>
        tpu.enqueue_dma source(%arg4 : memref<10000x128xf32, #tpu.memory_space<hbm>>) target(%arg6 : memref<10000x128xf32, #tpu.memory_space<vmem_shared>>) target_semaphore(%run_scoped3A : memref<!tpu.dma_semaphore, #tpu.memory_space<semaphore_mem>>)
        tpu.wait_dma2 semaphore(%run_scoped3A : memref<!tpu.dma_semaphore, #tpu.memory_space<semaphore_mem>>) src(%arg4 : memref<10000x128xf32, #tpu.memory_space<hbm>>) dst(%arg6 : memref<10000x128xf32, #tpu.memory_space<vmem_shared>>)
        tpu.yield
      }) : () -> ()
    } else {
    }
    %barrier3A = arith.constant 0 : index
    tpu.barrier barrier_id(%barrier3A)
    %mul3A = arith.constant 41600 : i32
    %mul3A_2 = arith.muli %arg0, %mul3A : i32
    %mul3A_3 = arith.constant 2600 : i32
    %mul3A_4 = arith.muli %arg1, %mul3A_3 : i32
    %add3A = arith.addi %mul3A_2, %mul3A_4 : i32
    %add3A_5 = arith.constant 0 : i32
    %add3A_6 = arith.addi %add3A, %add3A_5 : i32
    %dma_start3A = tpu.memref_slice %arg3[%add3A_6] : memref<83200xi32, #tpu.memory_space<hbm>> -> memref<128xi32, #tpu.memory_space<hbm>>
    %dma_start3A_7 = tpu.memref_slice %arg3[%add3A_6] : memref<83200xi32, #tpu.memory_space<hbm>> -> memref<128xi32, #tpu.memory_space<hbm>>
    tpu.enqueue_dma source(%dma_start3A_7 : memref<128xi32, #tpu.memory_space<hbm>>) target(%arg7 : memref<128xi32, #tpu.memory_space<vmem>>) target_semaphore(%arg13 : memref<!tpu.dma_semaphore, #tpu.memory_space<semaphore_mem>>)
    %dma_start3A_8 = arith.constant 0 : i32
    %dma_start3A_9 = tpu.memref_slice %arg2[%add3A_6, %dma_start3A_8] : memref<83200x128xf32, #tpu.memory_space<hbm>> -> memref<128x128xf32, #tpu.memory_space<hbm>>
    %dma_start3A_10 = arith.constant 0 : i32
    %dma_start3A_11 = tpu.memref_slice %arg2[%add3A_6, %dma_start3A_10] : memref<83200x128xf32, #tpu.memory_space<hbm>> -> memref<128x128xf32, #tpu.memory_space<hbm>>
    tpu.enqueue_dma source(%dma_start3A_11 : memref<128x128xf32, #tpu.memory_space<hbm>>) target(%arg8 : memref<128x128xf32, #tpu.memory_space<vmem>>) target_semaphore(%arg13 : memref<!tpu.dma_semaphore, #tpu.memory_space<semaphore_mem>>)
    %add3A_12 = arith.constant 128 : i32
    %add3A_13 = arith.addi %add3A, %add3A_12 : i32
    %dma_start3A_14 = tpu.memref_slice %arg3[%add3A_13] : memref<83200xi32, #tpu.memory_space<hbm>> -> memref<128xi32, #tpu.memory_space<hbm>>
    %dma_start3A_15 = tpu.memref_slice %arg3[%add3A_13] : memref<83200xi32, #tpu.memory_space<hbm>> -> memref<128xi32, #tpu.memory_space<hbm>>
    tpu.enqueue_dma source(%dma_start3A_15 : memref<128xi32, #tpu.memory_space<hbm>>) target(%arg9 : memref<128xi32, #tpu.memory_space<vmem>>) target_semaphore(%arg14 : memref<!tpu.dma_semaphore, #tpu.memory_space<semaphore_mem>>)
    %dma_start3A_16 = arith.constant 0 : i32
    %dma_start3A_17 = tpu.memref_slice %arg2[%add3A_13, %dma_start3A_16] : memref<83200x128xf32, #tpu.memory_space<hbm>> -> memref<128x128xf32, #tpu.memory_space<hbm>>
    %dma_start3A_18 = arith.constant 0 : i32
    %dma_start3A_19 = tpu.memref_slice %arg2[%add3A_13, %dma_start3A_18] : memref<83200x128xf32, #tpu.memory_space<hbm>> -> memref<128x128xf32, #tpu.memory_space<hbm>>
    tpu.enqueue_dma source(%dma_start3A_19 : memref<128x128xf32, #tpu.memory_space<hbm>>) target(%arg10 : memref<128x128xf32, #tpu.memory_space<vmem>>) target_semaphore(%arg14 : memref<!tpu.dma_semaphore, #tpu.memory_space<semaphore_mem>>)
    %scan3A = arith.constant 0 : i32
    %scan3A_20 = arith.constant 9 : i32
    %scan3A_21 = arith.addi %scan3A, %scan3A_20 : i32
    %scan3A_22 = arith.constant 1 : i32
    scf.for %scan3A_55 = %scan3A to %scan3A_21 step %scan3A_22  : i32 {
      %mul3A_56 = arith.constant 2 : i32
      %mul3A_57 = arith.muli %scan3A_55, %mul3A_56 : i32
      %add3A_58 = arith.constant 0 : i32
      %add3A_59 = arith.addi %add3A_58, %mul3A_57 : i32
      %dma_wait3A_60 = tpu.memref_slice %arg3[%add3A] : memref<83200xi32, #tpu.memory_space<hbm>> -> memref<128xi32, #tpu.memory_space<hbm>>
      %dma_wait3A_61 = tpu.memref_slice %arg3[%add3A] : memref<83200xi32, #tpu.memory_space<hbm>> -> memref<128xi32, #tpu.memory_space<hbm>>
      tpu.wait_dma2 semaphore(%arg13 : memref<!tpu.dma_semaphore, #tpu.memory_space<semaphore_mem>>) src(%dma_wait3A_61 : memref<128xi32, #tpu.memory_space<hbm>>) dst(%arg7 : memref<128xi32, #tpu.memory_space<vmem>>)
      %dma_wait3A_62 = arith.constant 0 : i32
      %dma_wait3A_63 = tpu.memref_slice %arg2[%add3A, %dma_wait3A_62] : memref<83200x128xf32, #tpu.memory_space<hbm>> -> memref<128x128xf32, #tpu.memory_space<hbm>>
      %dma_wait3A_64 = arith.constant 0 : i32
      %dma_wait3A_65 = tpu.memref_slice %arg2[%add3A, %dma_wait3A_64] : memref<83200x128xf32, #tpu.memory_space<hbm>> -> memref<128x128xf32, #tpu.memory_space<hbm>>
      tpu.wait_dma2 semaphore(%arg13 : memref<!tpu.dma_semaphore, #tpu.memory_space<semaphore_mem>>) src(%dma_wait3A_65 : memref<128x128xf32, #tpu.memory_space<hbm>>) dst(%arg8 : memref<128x128xf32, #tpu.memory_space<vmem>>)
      %dma_start3A_66 = arith.constant 0 : i32
      %dma_start3A_67 = arith.constant 0 : i32
      %dma_start3A_68 = tpu.memref_slice %arg6[%dma_start3A_66, %dma_start3A_67] : memref<10000x128xf32, #tpu.memory_space<vmem_shared>> -> memref<10000x128xf32, #tpu.memory_space<vmem_shared>>
      tpu.enqueue_indirect_dma source(%arg8 : memref<128x128xf32, #tpu.memory_space<vmem>>) target(%dma_start3A_68 : memref<10000x128xf32, #tpu.memory_space<vmem_shared>>) offsets(%arg7 : memref<128xi32, #tpu.memory_space<vmem>>) semaphore(%arg15 : memref<!tpu.dma_semaphore, #tpu.memory_space<semaphore_mem>>) {add = true}
      %dma_wait3A_69 = tpu.memref_slice %arg3[%add3A] : memref<83200xi32, #tpu.memory_space<hbm>> -> memref<128xi32, #tpu.memory_space<hbm>>
      %dma_wait3A_70 = tpu.memref_slice %arg3[%add3A] : memref<83200xi32, #tpu.memory_space<hbm>> -> memref<128xi32, #tpu.memory_space<hbm>>
      tpu.wait_dma2 semaphore(%arg14 : memref<!tpu.dma_semaphore, #tpu.memory_space<semaphore_mem>>) src(%dma_wait3A_70 : memref<128xi32, #tpu.memory_space<hbm>>) dst(%arg9 : memref<128xi32, #tpu.memory_space<vmem>>)
      %dma_wait3A_71 = arith.constant 0 : i32
      %dma_wait3A_72 = tpu.memref_slice %arg2[%add3A, %dma_wait3A_71] : memref<83200x128xf32, #tpu.memory_space<hbm>> -> memref<128x128xf32, #tpu.memory_space<hbm>>
      %dma_wait3A_73 = arith.constant 0 : i32
      %dma_wait3A_74 = tpu.memref_slice %arg2[%add3A, %dma_wait3A_73] : memref<83200x128xf32, #tpu.memory_space<hbm>> -> memref<128x128xf32, #tpu.memory_space<hbm>>
      tpu.wait_dma2 semaphore(%arg14 : memref<!tpu.dma_semaphore, #tpu.memory_space<semaphore_mem>>) src(%dma_wait3A_74 : memref<128x128xf32, #tpu.memory_space<hbm>>) dst(%arg10 : memref<128x128xf32, #tpu.memory_space<vmem>>)
      %dma_start3A_75 = arith.constant 0 : i32
      %dma_start3A_76 = arith.constant 0 : i32
      %dma_start3A_77 = tpu.memref_slice %arg6[%dma_start3A_75, %dma_start3A_76] : memref<10000x128xf32, #tpu.memory_space<vmem_shared>> -> memref<10000x128xf32, #tpu.memory_space<vmem_shared>>
      tpu.enqueue_indirect_dma source(%arg10 : memref<128x128xf32, #tpu.memory_space<vmem>>) target(%dma_start3A_77 : memref<10000x128xf32, #tpu.memory_space<vmem_shared>>) offsets(%arg9 : memref<128xi32, #tpu.memory_space<vmem>>) semaphore(%arg16 : memref<!tpu.dma_semaphore, #tpu.memory_space<semaphore_mem>>) {add = true}
      %dma_wait3A_78 = arith.constant 0 : i32
      %dma_wait3A_79 = arith.constant 0 : i32
      %dma_wait3A_80 = tpu.memref_slice %arg6[%dma_wait3A_78, %dma_wait3A_79] : memref<10000x128xf32, #tpu.memory_space<vmem_shared>> -> memref<10000x128xf32, #tpu.memory_space<vmem_shared>>
      tpu.wait_indirect_dma semaphore(%arg15 : memref<!tpu.dma_semaphore, #tpu.memory_space<semaphore_mem>>) src(%arg8 : memref<128x128xf32, #tpu.memory_space<vmem>>) dst(%dma_wait3A_80 : memref<10000x128xf32, #tpu.memory_space<vmem_shared>>)
      %add3A_81 = arith.constant 2 : i32
      %add3A_82 = arith.addi %add3A_59, %add3A_81 : i32
      %mul3A_83 = arith.constant 128 : i32
      %mul3A_84 = arith.muli %add3A_82, %mul3A_83 : i32
      %add3A_85 = arith.addi %add3A, %mul3A_84 : i32
      %dma_start3A_86 = tpu.memref_slice %arg3[%add3A_85] : memref<83200xi32, #tpu.memory_space<hbm>> -> memref<128xi32, #tpu.memory_space<hbm>>
      %dma_start3A_87 = tpu.memref_slice %arg3[%add3A_85] : memref<83200xi32, #tpu.memory_space<hbm>> -> memref<128xi32, #tpu.memory_space<hbm>>
      tpu.enqueue_dma source(%dma_start3A_87 : memref<128xi32, #tpu.memory_space<hbm>>) target(%arg7 : memref<128xi32, #tpu.memory_space<vmem>>) target_semaphore(%arg13 : memref<!tpu.dma_semaphore, #tpu.memory_space<semaphore_mem>>)
      %dma_start3A_88 = arith.constant 0 : i32
      %dma_start3A_89 = tpu.memref_slice %arg2[%add3A_85, %dma_start3A_88] : memref<83200x128xf32, #tpu.memory_space<hbm>> -> memref<128x128xf32, #tpu.memory_space<hbm>>
      %dma_start3A_90 = arith.constant 0 : i32
      %dma_start3A_91 = tpu.memref_slice %arg2[%add3A_85, %dma_start3A_90] : memref<83200x128xf32, #tpu.memory_space<hbm>> -> memref<128x128xf32, #tpu.memory_space<hbm>>
      tpu.enqueue_dma source(%dma_start3A_91 : memref<128x128xf32, #tpu.memory_space<hbm>>) target(%arg8 : memref<128x128xf32, #tpu.memory_space<vmem>>) target_semaphore(%arg13 : memref<!tpu.dma_semaphore, #tpu.memory_space<semaphore_mem>>)
      %dma_wait3A_92 = arith.constant 0 : i32
      %dma_wait3A_93 = arith.constant 0 : i32
      %dma_wait3A_94 = tpu.memref_slice %arg6[%dma_wait3A_92, %dma_wait3A_93] : memref<10000x128xf32, #tpu.memory_space<vmem_shared>> -> memref<10000x128xf32, #tpu.memory_space<vmem_shared>>
      tpu.wait_indirect_dma semaphore(%arg16 : memref<!tpu.dma_semaphore, #tpu.memory_space<semaphore_mem>>) src(%arg10 : memref<128x128xf32, #tpu.memory_space<vmem>>) dst(%dma_wait3A_94 : memref<10000x128xf32, #tpu.memory_space<vmem_shared>>)
      %add3A_95 = arith.constant 3 : i32
      %add3A_96 = arith.addi %add3A_59, %add3A_95 : i32
      %mul3A_97 = arith.constant 128 : i32
      %mul3A_98 = arith.muli %add3A_96, %mul3A_97 : i32
      %add3A_99 = arith.addi %add3A, %mul3A_98 : i32
      %dma_start3A_100 = tpu.memref_slice %arg3[%add3A_99] : memref<83200xi32, #tpu.memory_space<hbm>> -> memref<128xi32, #tpu.memory_space<hbm>>
      %dma_start3A_101 = tpu.memref_slice %arg3[%add3A_99] : memref<83200xi32, #tpu.memory_space<hbm>> -> memref<128xi32, #tpu.memory_space<hbm>>
      tpu.enqueue_dma source(%dma_start3A_101 : memref<128xi32, #tpu.memory_space<hbm>>) target(%arg9 : memref<128xi32, #tpu.memory_space<vmem>>) target_semaphore(%arg14 : memref<!tpu.dma_semaphore, #tpu.memory_space<semaphore_mem>>)
      %dma_start3A_102 = arith.constant 0 : i32
      %dma_start3A_103 = tpu.memref_slice %arg2[%add3A_99, %dma_start3A_102] : memref<83200x128xf32, #tpu.memory_space<hbm>> -> memref<128x128xf32, #tpu.memory_space<hbm>>
      %dma_start3A_104 = arith.constant 0 : i32
      %dma_start3A_105 = tpu.memref_slice %arg2[%add3A_99, %dma_start3A_104] : memref<83200x128xf32, #tpu.memory_space<hbm>> -> memref<128x128xf32, #tpu.memory_space<hbm>>
      tpu.enqueue_dma source(%dma_start3A_105 : memref<128x128xf32, #tpu.memory_space<hbm>>) target(%arg10 : memref<128x128xf32, #tpu.memory_space<vmem>>) target_semaphore(%arg14 : memref<!tpu.dma_semaphore, #tpu.memory_space<semaphore_mem>>)
    }
    %scan3A_23 = arith.constant 9 : i32
    %dma_wait3A = tpu.memref_slice %arg3[%add3A] : memref<83200xi32, #tpu.memory_space<hbm>> -> memref<128xi32, #tpu.memory_space<hbm>>
    %dma_wait3A_24 = tpu.memref_slice %arg3[%add3A] : memref<83200xi32, #tpu.memory_space<hbm>> -> memref<128xi32, #tpu.memory_space<hbm>>
    tpu.wait_dma2 semaphore(%arg13 : memref<!tpu.dma_semaphore, #tpu.memory_space<semaphore_mem>>) src(%dma_wait3A_24 : memref<128xi32, #tpu.memory_space<hbm>>) dst(%arg7 : memref<128xi32, #tpu.memory_space<vmem>>)
    %dma_wait3A_25 = arith.constant 0 : i32
    %dma_wait3A_26 = tpu.memref_slice %arg2[%add3A, %dma_wait3A_25] : memref<83200x128xf32, #tpu.memory_space<hbm>> -> memref<128x128xf32, #tpu.memory_space<hbm>>
    %dma_wait3A_27 = arith.constant 0 : i32
    %dma_wait3A_28 = tpu.memref_slice %arg2[%add3A, %dma_wait3A_27] : memref<83200x128xf32, #tpu.memory_space<hbm>> -> memref<128x128xf32, #tpu.memory_space<hbm>>
    tpu.wait_dma2 semaphore(%arg13 : memref<!tpu.dma_semaphore, #tpu.memory_space<semaphore_mem>>) src(%dma_wait3A_28 : memref<128x128xf32, #tpu.memory_space<hbm>>) dst(%arg8 : memref<128x128xf32, #tpu.memory_space<vmem>>)
    %dma_start3A_29 = arith.constant 0 : i32
    %dma_start3A_30 = arith.constant 0 : i32
    %dma_start3A_31 = tpu.memref_slice %arg6[%dma_start3A_29, %dma_start3A_30] : memref<10000x128xf32, #tpu.memory_space<vmem_shared>> -> memref<10000x128xf32, #tpu.memory_space<vmem_shared>>
    tpu.enqueue_indirect_dma source(%arg8 : memref<128x128xf32, #tpu.memory_space<vmem>>) target(%dma_start3A_31 : memref<10000x128xf32, #tpu.memory_space<vmem_shared>>) offsets(%arg7 : memref<128xi32, #tpu.memory_space<vmem>>) semaphore(%arg15 : memref<!tpu.dma_semaphore, #tpu.memory_space<semaphore_mem>>) {add = true}
    %dma_wait3A_32 = tpu.memref_slice %arg3[%add3A] : memref<83200xi32, #tpu.memory_space<hbm>> -> memref<128xi32, #tpu.memory_space<hbm>>
    %dma_wait3A_33 = tpu.memref_slice %arg3[%add3A] : memref<83200xi32, #tpu.memory_space<hbm>> -> memref<128xi32, #tpu.memory_space<hbm>>
    tpu.wait_dma2 semaphore(%arg14 : memref<!tpu.dma_semaphore, #tpu.memory_space<semaphore_mem>>) src(%dma_wait3A_33 : memref<128xi32, #tpu.memory_space<hbm>>) dst(%arg9 : memref<128xi32, #tpu.memory_space<vmem>>)
    %dma_wait3A_34 = arith.constant 0 : i32
    %dma_wait3A_35 = tpu.memref_slice %arg2[%add3A, %dma_wait3A_34] : memref<83200x128xf32, #tpu.memory_space<hbm>> -> memref<128x128xf32, #tpu.memory_space<hbm>>
    %dma_wait3A_36 = arith.constant 0 : i32
    %dma_wait3A_37 = tpu.memref_slice %arg2[%add3A, %dma_wait3A_36] : memref<83200x128xf32, #tpu.memory_space<hbm>> -> memref<128x128xf32, #tpu.memory_space<hbm>>
    tpu.wait_dma2 semaphore(%arg14 : memref<!tpu.dma_semaphore, #tpu.memory_space<semaphore_mem>>) src(%dma_wait3A_37 : memref<128x128xf32, #tpu.memory_space<hbm>>) dst(%arg10 : memref<128x128xf32, #tpu.memory_space<vmem>>)
    %dma_start3A_38 = arith.constant 0 : i32
    %dma_start3A_39 = arith.constant 0 : i32
    %dma_start3A_40 = tpu.memref_slice %arg6[%dma_start3A_38, %dma_start3A_39] : memref<10000x128xf32, #tpu.memory_space<vmem_shared>> -> memref<10000x128xf32, #tpu.memory_space<vmem_shared>>
    tpu.enqueue_indirect_dma source(%arg10 : memref<128x128xf32, #tpu.memory_space<vmem>>) target(%dma_start3A_40 : memref<10000x128xf32, #tpu.memory_space<vmem_shared>>) offsets(%arg9 : memref<128xi32, #tpu.memory_space<vmem>>) semaphore(%arg16 : memref<!tpu.dma_semaphore, #tpu.memory_space<semaphore_mem>>) {add = true}
    %add3A_41 = arith.constant 2560 : i32
    %add3A_42 = arith.addi %add3A, %add3A_41 : i32
    "tpu.region"() ({
      %run_scoped3A = tpu.sem_alloc : memref<!tpu.dma_semaphore, #tpu.memory_space<semaphore_mem>>
      %dma_start3A_55 = tpu.memref_slice %arg3[%add3A_42] : memref<83200xi32, #tpu.memory_space<hbm>> -> memref<40xi32, #tpu.memory_space<hbm>>
      %dma_start3A_56 = tpu.memref_slice %arg3[%add3A_42] : memref<83200xi32, #tpu.memory_space<hbm>> -> memref<40xi32, #tpu.memory_space<hbm>>
      tpu.enqueue_dma source(%dma_start3A_56 : memref<40xi32, #tpu.memory_space<hbm>>) target(%arg11 : memref<40xi32, #tpu.memory_space<vmem>>) target_semaphore(%run_scoped3A : memref<!tpu.dma_semaphore, #tpu.memory_space<semaphore_mem>>)
      %dma_wait3A_57 = tpu.memref_slice %arg3[%add3A_42] : memref<83200xi32, #tpu.memory_space<hbm>> -> memref<40xi32, #tpu.memory_space<hbm>>
      %dma_wait3A_58 = tpu.memref_slice %arg3[%add3A_42] : memref<83200xi32, #tpu.memory_space<hbm>> -> memref<40xi32, #tpu.memory_space<hbm>>
      tpu.wait_dma2 semaphore(%run_scoped3A : memref<!tpu.dma_semaphore, #tpu.memory_space<semaphore_mem>>) src(%dma_wait3A_58 : memref<40xi32, #tpu.memory_space<hbm>>) dst(%arg11 : memref<40xi32, #tpu.memory_space<vmem>>)
      tpu.yield
    }) : () -> ()
    "tpu.region"() ({
      %run_scoped3A = tpu.sem_alloc : memref<!tpu.dma_semaphore, #tpu.memory_space<semaphore_mem>>
      %dma_start3A_55 = arith.constant 0 : i32
      %dma_start3A_56 = tpu.memref_slice %arg2[%add3A_42, %dma_start3A_55] : memref<83200x128xf32, #tpu.memory_space<hbm>> -> memref<40x128xf32, #tpu.memory_space<hbm>>
      %dma_start3A_57 = arith.constant 0 : i32
      %dma_start3A_58 = tpu.memref_slice %arg2[%add3A_42, %dma_start3A_57] : memref<83200x128xf32, #tpu.memory_space<hbm>> -> memref<40x128xf32, #tpu.memory_space<hbm>>
      tpu.enqueue_dma source(%dma_start3A_58 : memref<40x128xf32, #tpu.memory_space<hbm>>) target(%arg12 : memref<40x128xf32, #tpu.memory_space<vmem>>) target_semaphore(%run_scoped3A : memref<!tpu.dma_semaphore, #tpu.memory_space<semaphore_mem>>)
      %dma_wait3A_59 = arith.constant 0 : i32
      %dma_wait3A_60 = tpu.memref_slice %arg2[%add3A_42, %dma_wait3A_59] : memref<83200x128xf32, #tpu.memory_space<hbm>> -> memref<40x128xf32, #tpu.memory_space<hbm>>
      %dma_wait3A_61 = arith.constant 0 : i32
      %dma_wait3A_62 = tpu.memref_slice %arg2[%add3A_42, %dma_wait3A_61] : memref<83200x128xf32, #tpu.memory_space<hbm>> -> memref<40x128xf32, #tpu.memory_space<hbm>>
      tpu.wait_dma2 semaphore(%run_scoped3A : memref<!tpu.dma_semaphore, #tpu.memory_space<semaphore_mem>>) src(%dma_wait3A_62 : memref<40x128xf32, #tpu.memory_space<hbm>>) dst(%arg12 : memref<40x128xf32, #tpu.memory_space<vmem>>)
      tpu.yield
    }) : () -> ()
    "tpu.region"() ({
      %run_scoped3A = tpu.sem_alloc : memref<!tpu.dma_semaphore, #tpu.memory_space<semaphore_mem>>
      %dma_start3A_55 = arith.constant 0 : i32
      %dma_start3A_56 = arith.constant 0 : i32
      %dma_start3A_57 = tpu.memref_slice %arg6[%dma_start3A_55, %dma_start3A_56] : memref<10000x128xf32, #tpu.memory_space<vmem_shared>> -> memref<10000x128xf32, #tpu.memory_space<vmem_shared>>
      tpu.enqueue_indirect_dma source(%arg12 : memref<40x128xf32, #tpu.memory_space<vmem>>) target(%dma_start3A_57 : memref<10000x128xf32, #tpu.memory_space<vmem_shared>>) offsets(%arg11 : memref<40xi32, #tpu.memory_space<vmem>>) semaphore(%run_scoped3A : memref<!tpu.dma_semaphore, #tpu.memory_space<semaphore_mem>>) {add = true}
      %dma_wait3A_58 = arith.constant 0 : i32
      %dma_wait3A_59 = arith.constant 0 : i32
      %dma_wait3A_60 = tpu.memref_slice %arg6[%dma_wait3A_58, %dma_wait3A_59] : memref<10000x128xf32, #tpu.memory_space<vmem_shared>> -> memref<10000x128xf32, #tpu.memory_space<vmem_shared>>
      tpu.wait_indirect_dma semaphore(%run_scoped3A : memref<!tpu.dma_semaphore, #tpu.memory_space<semaphore_mem>>) src(%arg12 : memref<40x128xf32, #tpu.memory_space<vmem>>) dst(%dma_wait3A_60 : memref<10000x128xf32, #tpu.memory_space<vmem_shared>>)
      tpu.yield
    }) : () -> ()
    %dma_wait3A_43 = arith.constant 0 : i32
    %dma_wait3A_44 = arith.constant 0 : i32
    %dma_wait3A_45 = tpu.memref_slice %arg6[%dma_wait3A_43, %dma_wait3A_44] : memref<10000x128xf32, #tpu.memory_space<vmem_shared>> -> memref<10000x128xf32, #tpu.memory_space<vmem_shared>>
    tpu.wait_indirect_dma semaphore(%arg16 : memref<!tpu.dma_semaphore, #tpu.memory_space<semaphore_mem>>) src(%arg10 : memref<128x128xf32, #tpu.memory_space<vmem>>) dst(%dma_wait3A_45 : memref<10000x128xf32, #tpu.memory_space<vmem_shared>>)
    %dma_wait3A_46 = arith.constant 0 : i32
    %dma_wait3A_47 = arith.constant 0 : i32
    %dma_wait3A_48 = tpu.memref_slice %arg6[%dma_wait3A_46, %dma_wait3A_47] : memref<10000x128xf32, #tpu.memory_space<vmem_shared>> -> memref<10000x128xf32, #tpu.memory_space<vmem_shared>>
    tpu.wait_indirect_dma semaphore(%arg15 : memref<!tpu.dma_semaphore, #tpu.memory_space<semaphore_mem>>) src(%arg8 : memref<128x128xf32, #tpu.memory_space<vmem>>) dst(%dma_wait3A_48 : memref<10000x128xf32, #tpu.memory_space<vmem_shared>>)
    %barrier3A_49 = arith.constant 0 : index
    tpu.barrier barrier_id(%barrier3A_49)
    %eq3A_50 = arith.constant 0 : i32
    %eq3A_51 = arith.cmpi eq, %arg1, %eq3A_50 : i32
    %convert_element_type3A_52 = arith.extui %eq3A_51 : i1 to i32
    %cond3A_53 = arith.constant 0 : i32
    %cond3A_54 = arith.cmpi ne, %convert_element_type3A_52, %cond3A_53 : i32
    scf.if %cond3A_54 {
      "tpu.region"() ({
        %run_scoped3A = tpu.sem_alloc : memref<!tpu.dma_semaphore, #tpu.memory_space<semaphore_mem>>
        %dma_start3A_55 = arith.constant 0 : i32
        %dma_start3A_56 = arith.constant 0 : i32
        %dma_start3A_57 = tpu.memref_slice %arg5[%arg0, %dma_start3A_55, %dma_start3A_56] : memref<2x10000x128xf32, #tpu.memory_space<hbm>> -> memref<1x10000x128xf32, #tpu.memory_space<hbm>>
        %dma_start3A_58 = tpu.memref_squeeze %dma_start3A_57 : memref<1x10000x128xf32, #tpu.memory_space<hbm>> -> memref<10000x128xf32, #tpu.memory_space<hbm>>
        tpu.enqueue_dma source(%arg6 : memref<10000x128xf32, #tpu.memory_space<vmem_shared>>) target(%dma_start3A_58 : memref<10000x128xf32, #tpu.memory_space<hbm>>) target_semaphore(%run_scoped3A : memref<!tpu.dma_semaphore, #tpu.memory_space<semaphore_mem>>)
        %dma_wait3A_59 = arith.constant 0 : i32
        %dma_wait3A_60 = arith.constant 0 : i32
        %dma_wait3A_61 = tpu.memref_slice %arg5[%arg0, %dma_wait3A_59, %dma_wait3A_60] : memref<2x10000x128xf32, #tpu.memory_space<hbm>> -> memref<1x10000x128xf32, #tpu.memory_space<hbm>>
        %dma_wait3A_62 = tpu.memref_squeeze %dma_wait3A_61 : memref<1x10000x128xf32, #tpu.memory_space<hbm>> -> memref<10000x128xf32, #tpu.memory_space<hbm>>
        tpu.wait_dma2 semaphore(%run_scoped3A : memref<!tpu.dma_semaphore, #tpu.memory_space<semaphore_mem>>) src(%arg6 : memref<10000x128xf32, #tpu.memory_space<vmem_shared>>) dst(%dma_wait3A_62 : memref<10000x128xf32, #tpu.memory_space<hbm>>)
        tpu.yield
      }) : () -> ()
    } else {
    }
    return
  }
}

#map = affine_map<(d0, d1) -> (0, 0)>
#map1 = affine_map<(d0, d1) -> (0)>
#map2 = affine_map<(d0, d1) -> (0, 0, 0)>
module attributes {stable_mosaic.version = 14 : i64} {
  func.func @k(%arg0: i32, %arg1: i32, %arg2: memref<76800x128xf32, #tpu.memory_space<hbm>>, %arg3: memref<76800xi32, #tpu.memory_space<hbm>>, %arg4: memref<10000x128xf32, #tpu.memory_space<hbm>>, %arg5: memref<2x10000x128xf32, #tpu.memory_space<hbm>>, %arg6: memref<10000x128xf32, #tpu.memory_space<vmem_shared>>, %arg7: memref<128xi32, #tpu.memory_space<vmem>>, %arg8: memref<128x128xf32, #tpu.memory_space<vmem>>, %arg9: memref<128xi32, #tpu.memory_space<vmem>>, %arg10: memref<128x128xf32, #tpu.memory_space<vmem>>, %arg11: memref<96xi32, #tpu.memory_space<vmem>>, %arg12: memref<96x128xf32, #tpu.memory_space<vmem>>, %arg13: memref<!tpu.dma_semaphore, #tpu.memory_space<semaphore_mem>>, %arg14: memref<!tpu.dma_semaphore, #tpu.memory_space<semaphore_mem>>, %arg15: memref<!tpu.dma_semaphore, #tpu.memory_space<semaphore_mem>>, %arg16: memref<!tpu.dma_semaphore, #tpu.memory_space<semaphore_mem>>) attributes {dimension_semantics = [#tpu.dimension_semantics<core_parallel>, #tpu.dimension_semantics<subcore_parallel>], iteration_bounds = array<i64: 2, 16>, scalar_prefetch = 0 : i64, scratch_operands = 11 : i64, tpu.core_type = #tpu.core_type<sc_vector_subcore>, window_params = [{transform_indices = #map}, {transform_indices = #map1}, {transform_indices = #map}, {transform_indices = #map2}]} {
    %eq3A = arith.constant 0 : i32
    %eq3A_0 = arith.cmpi eq, %arg1, %eq3A : i32
    %convert_element_type3A = arith.extui %eq3A_0 : i1 to i32
    %cond3A = arith.constant 0 : i32
    %cond3A_1 = arith.cmpi ne, %convert_element_type3A, %cond3A : i32
    scf.if %cond3A_1 {
      "tpu.region"() ({
        %run_scoped3A = tpu.sem_alloc : memref<!tpu.dma_semaphore, #tpu.memory_space<semaphore_mem>>
        tpu.enqueue_dma source(%arg4 : memref<10000x128xf32, #tpu.memory_space<hbm>>) target(%arg6 : memref<10000x128xf32, #tpu.memory_space<vmem_shared>>) target_semaphore(%run_scoped3A : memref<!tpu.dma_semaphore, #tpu.memory_space<semaphore_mem>>)
        tpu.wait_dma2 semaphore(%run_scoped3A : memref<!tpu.dma_semaphore, #tpu.memory_space<semaphore_mem>>) src(%arg4 : memref<10000x128xf32, #tpu.memory_space<hbm>>) dst(%arg6 : memref<10000x128xf32, #tpu.memory_space<vmem_shared>>)
        tpu.yield
      }) : () -> ()
    } else {
    }
    %barrier3A = arith.constant 0 : index
    tpu.barrier barrier_id(%barrier3A)
    %mul3A = arith.constant 38400 : i32
    %mul3A_2 = arith.muli %arg0, %mul3A : i32
    %mul3A_3 = arith.constant 2400 : i32
    %mul3A_4 = arith.muli %arg1, %mul3A_3 : i32
    %add3A = arith.addi %mul3A_2, %mul3A_4 : i32
    %add3A_5 = arith.constant 0 : i32
    %add3A_6 = arith.addi %add3A, %add3A_5 : i32
    %dma_start3A = tpu.memref_slice %arg3[%add3A_6] : memref<76800xi32, #tpu.memory_space<hbm>> -> memref<128xi32, #tpu.memory_space<hbm>>
    %dma_start3A_7 = tpu.memref_slice %arg3[%add3A_6] : memref<76800xi32, #tpu.memory_space<hbm>> -> memref<128xi32, #tpu.memory_space<hbm>>
    tpu.enqueue_dma source(%dma_start3A_7 : memref<128xi32, #tpu.memory_space<hbm>>) target(%arg7 : memref<128xi32, #tpu.memory_space<vmem>>) target_semaphore(%arg13 : memref<!tpu.dma_semaphore, #tpu.memory_space<semaphore_mem>>)
    %dma_start3A_8 = arith.constant 0 : i32
    %dma_start3A_9 = tpu.memref_slice %arg2[%add3A_6, %dma_start3A_8] : memref<76800x128xf32, #tpu.memory_space<hbm>> -> memref<128x128xf32, #tpu.memory_space<hbm>>
    %dma_start3A_10 = arith.constant 0 : i32
    %dma_start3A_11 = tpu.memref_slice %arg2[%add3A_6, %dma_start3A_10] : memref<76800x128xf32, #tpu.memory_space<hbm>> -> memref<128x128xf32, #tpu.memory_space<hbm>>
    tpu.enqueue_dma source(%dma_start3A_11 : memref<128x128xf32, #tpu.memory_space<hbm>>) target(%arg8 : memref<128x128xf32, #tpu.memory_space<vmem>>) target_semaphore(%arg13 : memref<!tpu.dma_semaphore, #tpu.memory_space<semaphore_mem>>)
    %add3A_12 = arith.constant 128 : i32
    %add3A_13 = arith.addi %add3A, %add3A_12 : i32
    %dma_start3A_14 = tpu.memref_slice %arg3[%add3A_13] : memref<76800xi32, #tpu.memory_space<hbm>> -> memref<128xi32, #tpu.memory_space<hbm>>
    %dma_start3A_15 = tpu.memref_slice %arg3[%add3A_13] : memref<76800xi32, #tpu.memory_space<hbm>> -> memref<128xi32, #tpu.memory_space<hbm>>
    tpu.enqueue_dma source(%dma_start3A_15 : memref<128xi32, #tpu.memory_space<hbm>>) target(%arg9 : memref<128xi32, #tpu.memory_space<vmem>>) target_semaphore(%arg14 : memref<!tpu.dma_semaphore, #tpu.memory_space<semaphore_mem>>)
    %dma_start3A_16 = arith.constant 0 : i32
    %dma_start3A_17 = tpu.memref_slice %arg2[%add3A_13, %dma_start3A_16] : memref<76800x128xf32, #tpu.memory_space<hbm>> -> memref<128x128xf32, #tpu.memory_space<hbm>>
    %dma_start3A_18 = arith.constant 0 : i32
    %dma_start3A_19 = tpu.memref_slice %arg2[%add3A_13, %dma_start3A_18] : memref<76800x128xf32, #tpu.memory_space<hbm>> -> memref<128x128xf32, #tpu.memory_space<hbm>>
    tpu.enqueue_dma source(%dma_start3A_19 : memref<128x128xf32, #tpu.memory_space<hbm>>) target(%arg10 : memref<128x128xf32, #tpu.memory_space<vmem>>) target_semaphore(%arg14 : memref<!tpu.dma_semaphore, #tpu.memory_space<semaphore_mem>>)
    %scan3A = arith.constant 0 : i32
    %scan3A_20 = arith.constant 8 : i32
    %scan3A_21 = arith.addi %scan3A, %scan3A_20 : i32
    %scan3A_22 = arith.constant 1 : i32
    scf.for %scan3A_55 = %scan3A to %scan3A_21 step %scan3A_22  : i32 {
      %mul3A_56 = arith.constant 2 : i32
      %mul3A_57 = arith.muli %scan3A_55, %mul3A_56 : i32
      %add3A_58 = arith.constant 0 : i32
      %add3A_59 = arith.addi %add3A_58, %mul3A_57 : i32
      %dma_wait3A_60 = tpu.memref_slice %arg3[%add3A] : memref<76800xi32, #tpu.memory_space<hbm>> -> memref<128xi32, #tpu.memory_space<hbm>>
      %dma_wait3A_61 = tpu.memref_slice %arg3[%add3A] : memref<76800xi32, #tpu.memory_space<hbm>> -> memref<128xi32, #tpu.memory_space<hbm>>
      tpu.wait_dma2 semaphore(%arg13 : memref<!tpu.dma_semaphore, #tpu.memory_space<semaphore_mem>>) src(%dma_wait3A_61 : memref<128xi32, #tpu.memory_space<hbm>>) dst(%arg7 : memref<128xi32, #tpu.memory_space<vmem>>)
      %dma_wait3A_62 = arith.constant 0 : i32
      %dma_wait3A_63 = tpu.memref_slice %arg2[%add3A, %dma_wait3A_62] : memref<76800x128xf32, #tpu.memory_space<hbm>> -> memref<128x128xf32, #tpu.memory_space<hbm>>
      %dma_wait3A_64 = arith.constant 0 : i32
      %dma_wait3A_65 = tpu.memref_slice %arg2[%add3A, %dma_wait3A_64] : memref<76800x128xf32, #tpu.memory_space<hbm>> -> memref<128x128xf32, #tpu.memory_space<hbm>>
      tpu.wait_dma2 semaphore(%arg13 : memref<!tpu.dma_semaphore, #tpu.memory_space<semaphore_mem>>) src(%dma_wait3A_65 : memref<128x128xf32, #tpu.memory_space<hbm>>) dst(%arg8 : memref<128x128xf32, #tpu.memory_space<vmem>>)
      %dma_start3A_66 = arith.constant 0 : i32
      %dma_start3A_67 = arith.constant 0 : i32
      %dma_start3A_68 = tpu.memref_slice %arg6[%dma_start3A_66, %dma_start3A_67] : memref<10000x128xf32, #tpu.memory_space<vmem_shared>> -> memref<10000x128xf32, #tpu.memory_space<vmem_shared>>
      tpu.enqueue_indirect_dma source(%arg8 : memref<128x128xf32, #tpu.memory_space<vmem>>) target(%dma_start3A_68 : memref<10000x128xf32, #tpu.memory_space<vmem_shared>>) offsets(%arg7 : memref<128xi32, #tpu.memory_space<vmem>>) semaphore(%arg15 : memref<!tpu.dma_semaphore, #tpu.memory_space<semaphore_mem>>) {add = true}
      %dma_wait3A_69 = tpu.memref_slice %arg3[%add3A] : memref<76800xi32, #tpu.memory_space<hbm>> -> memref<128xi32, #tpu.memory_space<hbm>>
      %dma_wait3A_70 = tpu.memref_slice %arg3[%add3A] : memref<76800xi32, #tpu.memory_space<hbm>> -> memref<128xi32, #tpu.memory_space<hbm>>
      tpu.wait_dma2 semaphore(%arg14 : memref<!tpu.dma_semaphore, #tpu.memory_space<semaphore_mem>>) src(%dma_wait3A_70 : memref<128xi32, #tpu.memory_space<hbm>>) dst(%arg9 : memref<128xi32, #tpu.memory_space<vmem>>)
      %dma_wait3A_71 = arith.constant 0 : i32
      %dma_wait3A_72 = tpu.memref_slice %arg2[%add3A, %dma_wait3A_71] : memref<76800x128xf32, #tpu.memory_space<hbm>> -> memref<128x128xf32, #tpu.memory_space<hbm>>
      %dma_wait3A_73 = arith.constant 0 : i32
      %dma_wait3A_74 = tpu.memref_slice %arg2[%add3A, %dma_wait3A_73] : memref<76800x128xf32, #tpu.memory_space<hbm>> -> memref<128x128xf32, #tpu.memory_space<hbm>>
      tpu.wait_dma2 semaphore(%arg14 : memref<!tpu.dma_semaphore, #tpu.memory_space<semaphore_mem>>) src(%dma_wait3A_74 : memref<128x128xf32, #tpu.memory_space<hbm>>) dst(%arg10 : memref<128x128xf32, #tpu.memory_space<vmem>>)
      %dma_start3A_75 = arith.constant 0 : i32
      %dma_start3A_76 = arith.constant 0 : i32
      %dma_start3A_77 = tpu.memref_slice %arg6[%dma_start3A_75, %dma_start3A_76] : memref<10000x128xf32, #tpu.memory_space<vmem_shared>> -> memref<10000x128xf32, #tpu.memory_space<vmem_shared>>
      tpu.enqueue_indirect_dma source(%arg10 : memref<128x128xf32, #tpu.memory_space<vmem>>) target(%dma_start3A_77 : memref<10000x128xf32, #tpu.memory_space<vmem_shared>>) offsets(%arg9 : memref<128xi32, #tpu.memory_space<vmem>>) semaphore(%arg16 : memref<!tpu.dma_semaphore, #tpu.memory_space<semaphore_mem>>) {add = true}
      %dma_wait3A_78 = arith.constant 0 : i32
      %dma_wait3A_79 = arith.constant 0 : i32
      %dma_wait3A_80 = tpu.memref_slice %arg6[%dma_wait3A_78, %dma_wait3A_79] : memref<10000x128xf32, #tpu.memory_space<vmem_shared>> -> memref<10000x128xf32, #tpu.memory_space<vmem_shared>>
      tpu.wait_indirect_dma semaphore(%arg15 : memref<!tpu.dma_semaphore, #tpu.memory_space<semaphore_mem>>) src(%arg8 : memref<128x128xf32, #tpu.memory_space<vmem>>) dst(%dma_wait3A_80 : memref<10000x128xf32, #tpu.memory_space<vmem_shared>>)
      %add3A_81 = arith.constant 2 : i32
      %add3A_82 = arith.addi %add3A_59, %add3A_81 : i32
      %mul3A_83 = arith.constant 128 : i32
      %mul3A_84 = arith.muli %add3A_82, %mul3A_83 : i32
      %add3A_85 = arith.addi %add3A, %mul3A_84 : i32
      %dma_start3A_86 = tpu.memref_slice %arg3[%add3A_85] : memref<76800xi32, #tpu.memory_space<hbm>> -> memref<128xi32, #tpu.memory_space<hbm>>
      %dma_start3A_87 = tpu.memref_slice %arg3[%add3A_85] : memref<76800xi32, #tpu.memory_space<hbm>> -> memref<128xi32, #tpu.memory_space<hbm>>
      tpu.enqueue_dma source(%dma_start3A_87 : memref<128xi32, #tpu.memory_space<hbm>>) target(%arg7 : memref<128xi32, #tpu.memory_space<vmem>>) target_semaphore(%arg13 : memref<!tpu.dma_semaphore, #tpu.memory_space<semaphore_mem>>)
      %dma_start3A_88 = arith.constant 0 : i32
      %dma_start3A_89 = tpu.memref_slice %arg2[%add3A_85, %dma_start3A_88] : memref<76800x128xf32, #tpu.memory_space<hbm>> -> memref<128x128xf32, #tpu.memory_space<hbm>>
      %dma_start3A_90 = arith.constant 0 : i32
      %dma_start3A_91 = tpu.memref_slice %arg2[%add3A_85, %dma_start3A_90] : memref<76800x128xf32, #tpu.memory_space<hbm>> -> memref<128x128xf32, #tpu.memory_space<hbm>>
      tpu.enqueue_dma source(%dma_start3A_91 : memref<128x128xf32, #tpu.memory_space<hbm>>) target(%arg8 : memref<128x128xf32, #tpu.memory_space<vmem>>) target_semaphore(%arg13 : memref<!tpu.dma_semaphore, #tpu.memory_space<semaphore_mem>>)
      %dma_wait3A_92 = arith.constant 0 : i32
      %dma_wait3A_93 = arith.constant 0 : i32
      %dma_wait3A_94 = tpu.memref_slice %arg6[%dma_wait3A_92, %dma_wait3A_93] : memref<10000x128xf32, #tpu.memory_space<vmem_shared>> -> memref<10000x128xf32, #tpu.memory_space<vmem_shared>>
      tpu.wait_indirect_dma semaphore(%arg16 : memref<!tpu.dma_semaphore, #tpu.memory_space<semaphore_mem>>) src(%arg10 : memref<128x128xf32, #tpu.memory_space<vmem>>) dst(%dma_wait3A_94 : memref<10000x128xf32, #tpu.memory_space<vmem_shared>>)
      %add3A_95 = arith.constant 3 : i32
      %add3A_96 = arith.addi %add3A_59, %add3A_95 : i32
      %mul3A_97 = arith.constant 128 : i32
      %mul3A_98 = arith.muli %add3A_96, %mul3A_97 : i32
      %add3A_99 = arith.addi %add3A, %mul3A_98 : i32
      %dma_start3A_100 = tpu.memref_slice %arg3[%add3A_99] : memref<76800xi32, #tpu.memory_space<hbm>> -> memref<128xi32, #tpu.memory_space<hbm>>
      %dma_start3A_101 = tpu.memref_slice %arg3[%add3A_99] : memref<76800xi32, #tpu.memory_space<hbm>> -> memref<128xi32, #tpu.memory_space<hbm>>
      tpu.enqueue_dma source(%dma_start3A_101 : memref<128xi32, #tpu.memory_space<hbm>>) target(%arg9 : memref<128xi32, #tpu.memory_space<vmem>>) target_semaphore(%arg14 : memref<!tpu.dma_semaphore, #tpu.memory_space<semaphore_mem>>)
      %dma_start3A_102 = arith.constant 0 : i32
      %dma_start3A_103 = tpu.memref_slice %arg2[%add3A_99, %dma_start3A_102] : memref<76800x128xf32, #tpu.memory_space<hbm>> -> memref<128x128xf32, #tpu.memory_space<hbm>>
      %dma_start3A_104 = arith.constant 0 : i32
      %dma_start3A_105 = tpu.memref_slice %arg2[%add3A_99, %dma_start3A_104] : memref<76800x128xf32, #tpu.memory_space<hbm>> -> memref<128x128xf32, #tpu.memory_space<hbm>>
      tpu.enqueue_dma source(%dma_start3A_105 : memref<128x128xf32, #tpu.memory_space<hbm>>) target(%arg10 : memref<128x128xf32, #tpu.memory_space<vmem>>) target_semaphore(%arg14 : memref<!tpu.dma_semaphore, #tpu.memory_space<semaphore_mem>>)
    }
    %scan3A_23 = arith.constant 8 : i32
    %dma_wait3A = tpu.memref_slice %arg3[%add3A] : memref<76800xi32, #tpu.memory_space<hbm>> -> memref<128xi32, #tpu.memory_space<hbm>>
    %dma_wait3A_24 = tpu.memref_slice %arg3[%add3A] : memref<76800xi32, #tpu.memory_space<hbm>> -> memref<128xi32, #tpu.memory_space<hbm>>
    tpu.wait_dma2 semaphore(%arg13 : memref<!tpu.dma_semaphore, #tpu.memory_space<semaphore_mem>>) src(%dma_wait3A_24 : memref<128xi32, #tpu.memory_space<hbm>>) dst(%arg7 : memref<128xi32, #tpu.memory_space<vmem>>)
    %dma_wait3A_25 = arith.constant 0 : i32
    %dma_wait3A_26 = tpu.memref_slice %arg2[%add3A, %dma_wait3A_25] : memref<76800x128xf32, #tpu.memory_space<hbm>> -> memref<128x128xf32, #tpu.memory_space<hbm>>
    %dma_wait3A_27 = arith.constant 0 : i32
    %dma_wait3A_28 = tpu.memref_slice %arg2[%add3A, %dma_wait3A_27] : memref<76800x128xf32, #tpu.memory_space<hbm>> -> memref<128x128xf32, #tpu.memory_space<hbm>>
    tpu.wait_dma2 semaphore(%arg13 : memref<!tpu.dma_semaphore, #tpu.memory_space<semaphore_mem>>) src(%dma_wait3A_28 : memref<128x128xf32, #tpu.memory_space<hbm>>) dst(%arg8 : memref<128x128xf32, #tpu.memory_space<vmem>>)
    %dma_start3A_29 = arith.constant 0 : i32
    %dma_start3A_30 = arith.constant 0 : i32
    %dma_start3A_31 = tpu.memref_slice %arg6[%dma_start3A_29, %dma_start3A_30] : memref<10000x128xf32, #tpu.memory_space<vmem_shared>> -> memref<10000x128xf32, #tpu.memory_space<vmem_shared>>
    tpu.enqueue_indirect_dma source(%arg8 : memref<128x128xf32, #tpu.memory_space<vmem>>) target(%dma_start3A_31 : memref<10000x128xf32, #tpu.memory_space<vmem_shared>>) offsets(%arg7 : memref<128xi32, #tpu.memory_space<vmem>>) semaphore(%arg15 : memref<!tpu.dma_semaphore, #tpu.memory_space<semaphore_mem>>) {add = true}
    %dma_wait3A_32 = tpu.memref_slice %arg3[%add3A] : memref<76800xi32, #tpu.memory_space<hbm>> -> memref<128xi32, #tpu.memory_space<hbm>>
    %dma_wait3A_33 = tpu.memref_slice %arg3[%add3A] : memref<76800xi32, #tpu.memory_space<hbm>> -> memref<128xi32, #tpu.memory_space<hbm>>
    tpu.wait_dma2 semaphore(%arg14 : memref<!tpu.dma_semaphore, #tpu.memory_space<semaphore_mem>>) src(%dma_wait3A_33 : memref<128xi32, #tpu.memory_space<hbm>>) dst(%arg9 : memref<128xi32, #tpu.memory_space<vmem>>)
    %dma_wait3A_34 = arith.constant 0 : i32
    %dma_wait3A_35 = tpu.memref_slice %arg2[%add3A, %dma_wait3A_34] : memref<76800x128xf32, #tpu.memory_space<hbm>> -> memref<128x128xf32, #tpu.memory_space<hbm>>
    %dma_wait3A_36 = arith.constant 0 : i32
    %dma_wait3A_37 = tpu.memref_slice %arg2[%add3A, %dma_wait3A_36] : memref<76800x128xf32, #tpu.memory_space<hbm>> -> memref<128x128xf32, #tpu.memory_space<hbm>>
    tpu.wait_dma2 semaphore(%arg14 : memref<!tpu.dma_semaphore, #tpu.memory_space<semaphore_mem>>) src(%dma_wait3A_37 : memref<128x128xf32, #tpu.memory_space<hbm>>) dst(%arg10 : memref<128x128xf32, #tpu.memory_space<vmem>>)
    %dma_start3A_38 = arith.constant 0 : i32
    %dma_start3A_39 = arith.constant 0 : i32
    %dma_start3A_40 = tpu.memref_slice %arg6[%dma_start3A_38, %dma_start3A_39] : memref<10000x128xf32, #tpu.memory_space<vmem_shared>> -> memref<10000x128xf32, #tpu.memory_space<vmem_shared>>
    tpu.enqueue_indirect_dma source(%arg10 : memref<128x128xf32, #tpu.memory_space<vmem>>) target(%dma_start3A_40 : memref<10000x128xf32, #tpu.memory_space<vmem_shared>>) offsets(%arg9 : memref<128xi32, #tpu.memory_space<vmem>>) semaphore(%arg16 : memref<!tpu.dma_semaphore, #tpu.memory_space<semaphore_mem>>) {add = true}
    %add3A_41 = arith.constant 2304 : i32
    %add3A_42 = arith.addi %add3A, %add3A_41 : i32
    "tpu.region"() ({
      %run_scoped3A = tpu.sem_alloc : memref<!tpu.dma_semaphore, #tpu.memory_space<semaphore_mem>>
      %dma_start3A_55 = tpu.memref_slice %arg3[%add3A_42] : memref<76800xi32, #tpu.memory_space<hbm>> -> memref<96xi32, #tpu.memory_space<hbm>>
      %dma_start3A_56 = tpu.memref_slice %arg3[%add3A_42] : memref<76800xi32, #tpu.memory_space<hbm>> -> memref<96xi32, #tpu.memory_space<hbm>>
      tpu.enqueue_dma source(%dma_start3A_56 : memref<96xi32, #tpu.memory_space<hbm>>) target(%arg11 : memref<96xi32, #tpu.memory_space<vmem>>) target_semaphore(%run_scoped3A : memref<!tpu.dma_semaphore, #tpu.memory_space<semaphore_mem>>)
      %dma_wait3A_57 = tpu.memref_slice %arg3[%add3A_42] : memref<76800xi32, #tpu.memory_space<hbm>> -> memref<96xi32, #tpu.memory_space<hbm>>
      %dma_wait3A_58 = tpu.memref_slice %arg3[%add3A_42] : memref<76800xi32, #tpu.memory_space<hbm>> -> memref<96xi32, #tpu.memory_space<hbm>>
      tpu.wait_dma2 semaphore(%run_scoped3A : memref<!tpu.dma_semaphore, #tpu.memory_space<semaphore_mem>>) src(%dma_wait3A_58 : memref<96xi32, #tpu.memory_space<hbm>>) dst(%arg11 : memref<96xi32, #tpu.memory_space<vmem>>)
      tpu.yield
    }) : () -> ()
    "tpu.region"() ({
      %run_scoped3A = tpu.sem_alloc : memref<!tpu.dma_semaphore, #tpu.memory_space<semaphore_mem>>
      %dma_start3A_55 = arith.constant 0 : i32
      %dma_start3A_56 = tpu.memref_slice %arg2[%add3A_42, %dma_start3A_55] : memref<76800x128xf32, #tpu.memory_space<hbm>> -> memref<96x128xf32, #tpu.memory_space<hbm>>
      %dma_start3A_57 = arith.constant 0 : i32
      %dma_start3A_58 = tpu.memref_slice %arg2[%add3A_42, %dma_start3A_57] : memref<76800x128xf32, #tpu.memory_space<hbm>> -> memref<96x128xf32, #tpu.memory_space<hbm>>
      tpu.enqueue_dma source(%dma_start3A_58 : memref<96x128xf32, #tpu.memory_space<hbm>>) target(%arg12 : memref<96x128xf32, #tpu.memory_space<vmem>>) target_semaphore(%run_scoped3A : memref<!tpu.dma_semaphore, #tpu.memory_space<semaphore_mem>>)
      %dma_wait3A_59 = arith.constant 0 : i32
      %dma_wait3A_60 = tpu.memref_slice %arg2[%add3A_42, %dma_wait3A_59] : memref<76800x128xf32, #tpu.memory_space<hbm>> -> memref<96x128xf32, #tpu.memory_space<hbm>>
      %dma_wait3A_61 = arith.constant 0 : i32
      %dma_wait3A_62 = tpu.memref_slice %arg2[%add3A_42, %dma_wait3A_61] : memref<76800x128xf32, #tpu.memory_space<hbm>> -> memref<96x128xf32, #tpu.memory_space<hbm>>
      tpu.wait_dma2 semaphore(%run_scoped3A : memref<!tpu.dma_semaphore, #tpu.memory_space<semaphore_mem>>) src(%dma_wait3A_62 : memref<96x128xf32, #tpu.memory_space<hbm>>) dst(%arg12 : memref<96x128xf32, #tpu.memory_space<vmem>>)
      tpu.yield
    }) : () -> ()
    "tpu.region"() ({
      %run_scoped3A = tpu.sem_alloc : memref<!tpu.dma_semaphore, #tpu.memory_space<semaphore_mem>>
      %dma_start3A_55 = arith.constant 0 : i32
      %dma_start3A_56 = arith.constant 0 : i32
      %dma_start3A_57 = tpu.memref_slice %arg6[%dma_start3A_55, %dma_start3A_56] : memref<10000x128xf32, #tpu.memory_space<vmem_shared>> -> memref<10000x128xf32, #tpu.memory_space<vmem_shared>>
      tpu.enqueue_indirect_dma source(%arg12 : memref<96x128xf32, #tpu.memory_space<vmem>>) target(%dma_start3A_57 : memref<10000x128xf32, #tpu.memory_space<vmem_shared>>) offsets(%arg11 : memref<96xi32, #tpu.memory_space<vmem>>) semaphore(%run_scoped3A : memref<!tpu.dma_semaphore, #tpu.memory_space<semaphore_mem>>) {add = true}
      %dma_wait3A_58 = arith.constant 0 : i32
      %dma_wait3A_59 = arith.constant 0 : i32
      %dma_wait3A_60 = tpu.memref_slice %arg6[%dma_wait3A_58, %dma_wait3A_59] : memref<10000x128xf32, #tpu.memory_space<vmem_shared>> -> memref<10000x128xf32, #tpu.memory_space<vmem_shared>>
      tpu.wait_indirect_dma semaphore(%run_scoped3A : memref<!tpu.dma_semaphore, #tpu.memory_space<semaphore_mem>>) src(%arg12 : memref<96x128xf32, #tpu.memory_space<vmem>>) dst(%dma_wait3A_60 : memref<10000x128xf32, #tpu.memory_space<vmem_shared>>)
      tpu.yield
    }) : () -> ()
    %dma_wait3A_43 = arith.constant 0 : i32
    %dma_wait3A_44 = arith.constant 0 : i32
    %dma_wait3A_45 = tpu.memref_slice %arg6[%dma_wait3A_43, %dma_wait3A_44] : memref<10000x128xf32, #tpu.memory_space<vmem_shared>> -> memref<10000x128xf32, #tpu.memory_space<vmem_shared>>
    tpu.wait_indirect_dma semaphore(%arg16 : memref<!tpu.dma_semaphore, #tpu.memory_space<semaphore_mem>>) src(%arg10 : memref<128x128xf32, #tpu.memory_space<vmem>>) dst(%dma_wait3A_45 : memref<10000x128xf32, #tpu.memory_space<vmem_shared>>)
    %dma_wait3A_46 = arith.constant 0 : i32
    %dma_wait3A_47 = arith.constant 0 : i32
    %dma_wait3A_48 = tpu.memref_slice %arg6[%dma_wait3A_46, %dma_wait3A_47] : memref<10000x128xf32, #tpu.memory_space<vmem_shared>> -> memref<10000x128xf32, #tpu.memory_space<vmem_shared>>
    tpu.wait_indirect_dma semaphore(%arg15 : memref<!tpu.dma_semaphore, #tpu.memory_space<semaphore_mem>>) src(%arg8 : memref<128x128xf32, #tpu.memory_space<vmem>>) dst(%dma_wait3A_48 : memref<10000x128xf32, #tpu.memory_space<vmem_shared>>)
    %barrier3A_49 = arith.constant 0 : index
    tpu.barrier barrier_id(%barrier3A_49)
    %eq3A_50 = arith.constant 0 : i32
    %eq3A_51 = arith.cmpi eq, %arg1, %eq3A_50 : i32
    %convert_element_type3A_52 = arith.extui %eq3A_51 : i1 to i32
    %cond3A_53 = arith.constant 0 : i32
    %cond3A_54 = arith.cmpi ne, %convert_element_type3A_52, %cond3A_53 : i32
    scf.if %cond3A_54 {
      "tpu.region"() ({
        %run_scoped3A = tpu.sem_alloc : memref<!tpu.dma_semaphore, #tpu.memory_space<semaphore_mem>>
        %dma_start3A_55 = arith.constant 0 : i32
        %dma_start3A_56 = arith.constant 0 : i32
        %dma_start3A_57 = tpu.memref_slice %arg5[%arg0, %dma_start3A_55, %dma_start3A_56] : memref<2x10000x128xf32, #tpu.memory_space<hbm>> -> memref<1x10000x128xf32, #tpu.memory_space<hbm>>
        %dma_start3A_58 = tpu.memref_squeeze %dma_start3A_57 : memref<1x10000x128xf32, #tpu.memory_space<hbm>> -> memref<10000x128xf32, #tpu.memory_space<hbm>>
        tpu.enqueue_dma source(%arg6 : memref<10000x128xf32, #tpu.memory_space<vmem_shared>>) target(%dma_start3A_58 : memref<10000x128xf32, #tpu.memory_space<hbm>>) target_semaphore(%run_scoped3A : memref<!tpu.dma_semaphore, #tpu.memory_space<semaphore_mem>>)
        %dma_wait3A_59 = arith.constant 0 : i32
        %dma_wait3A_60 = arith.constant 0 : i32
        %dma_wait3A_61 = tpu.memref_slice %arg5[%arg0, %dma_wait3A_59, %dma_wait3A_60] : memref<2x10000x128xf32, #tpu.memory_space<hbm>> -> memref<1x10000x128xf32, #tpu.memory_space<hbm>>
        %dma_wait3A_62 = tpu.memref_squeeze %dma_wait3A_61 : memref<1x10000x128xf32, #tpu.memory_space<hbm>> -> memref<10000x128xf32, #tpu.memory_space<hbm>>
        tpu.wait_dma2 semaphore(%run_scoped3A : memref<!tpu.dma_semaphore, #tpu.memory_space<semaphore_mem>>) src(%arg6 : memref<10000x128xf32, #tpu.memory_space<vmem_shared>>) dst(%dma_wait3A_62 : memref<10000x128xf32, #tpu.memory_space<hbm>>)
        tpu.yield
      }) : () -> ()
    } else {
    }
    return
  }
}

#map = affine_map<(d0, d1) -> (0, 0)>
#map1 = affine_map<(d0, d1) -> (0)>
module attributes {stable_mosaic.version = 14 : i64} {
  func.func @k(%arg0: i32, %arg1: i32, %arg2: memref<10000x128xf32, #tpu.memory_space<hbm>>, %arg3: memref<83200xi32, #tpu.memory_space<hbm>>, %arg4: memref<83200x128xf32, #tpu.memory_space<hbm>>, %arg5: memref<128xi32, #tpu.memory_space<vmem>>, %arg6: memref<128x128xf32, #tpu.memory_space<vmem>>, %arg7: memref<128xi32, #tpu.memory_space<vmem>>, %arg8: memref<128x128xf32, #tpu.memory_space<vmem>>, %arg9: memref<40xi32, #tpu.memory_space<vmem>>, %arg10: memref<40x128xf32, #tpu.memory_space<vmem>>, %arg11: memref<!tpu.dma_semaphore, #tpu.memory_space<semaphore_mem>>, %arg12: memref<!tpu.dma_semaphore, #tpu.memory_space<semaphore_mem>>, %arg13: memref<!tpu.dma_semaphore, #tpu.memory_space<semaphore_mem>>, %arg14: memref<!tpu.dma_semaphore, #tpu.memory_space<semaphore_mem>>) attributes {dimension_semantics = [#tpu.dimension_semantics<core_parallel>, #tpu.dimension_semantics<subcore_parallel>], iteration_bounds = array<i64: 2, 16>, scalar_prefetch = 0 : i64, scratch_operands = 10 : i64, tpu.core_type = #tpu.core_type<sc_vector_subcore>, window_params = [{transform_indices = #map}, {transform_indices = #map1}, {transform_indices = #map}]} {
    %mul3A = arith.constant 2 : i32
    %mul3A_0 = arith.muli %arg1, %mul3A : i32
    %add3A = arith.addi %mul3A_0, %arg0 : i32
    %mul3A_1 = arith.constant 2600 : i32
    %mul3A_2 = arith.muli %add3A, %mul3A_1 : i32
    %add3A_3 = arith.constant 0 : i32
    %add3A_4 = arith.addi %mul3A_2, %add3A_3 : i32
    "tpu.region"() ({
      %run_scoped3A = tpu.sem_alloc : memref<!tpu.dma_semaphore, #tpu.memory_space<semaphore_mem>>
      %dma_start3A_49 = tpu.memref_slice %arg3[%add3A_4] : memref<83200xi32, #tpu.memory_space<hbm>> -> memref<128xi32, #tpu.memory_space<hbm>>
      %dma_start3A_50 = tpu.memref_slice %arg3[%add3A_4] : memref<83200xi32, #tpu.memory_space<hbm>> -> memref<128xi32, #tpu.memory_space<hbm>>
      tpu.enqueue_dma source(%dma_start3A_50 : memref<128xi32, #tpu.memory_space<hbm>>) target(%arg5 : memref<128xi32, #tpu.memory_space<vmem>>) target_semaphore(%run_scoped3A : memref<!tpu.dma_semaphore, #tpu.memory_space<semaphore_mem>>)
      %dma_wait3A_51 = tpu.memref_slice %arg3[%add3A_4] : memref<83200xi32, #tpu.memory_space<hbm>> -> memref<128xi32, #tpu.memory_space<hbm>>
      %dma_wait3A_52 = tpu.memref_slice %arg3[%add3A_4] : memref<83200xi32, #tpu.memory_space<hbm>> -> memref<128xi32, #tpu.memory_space<hbm>>
      tpu.wait_dma2 semaphore(%run_scoped3A : memref<!tpu.dma_semaphore, #tpu.memory_space<semaphore_mem>>) src(%dma_wait3A_52 : memref<128xi32, #tpu.memory_space<hbm>>) dst(%arg5 : memref<128xi32, #tpu.memory_space<vmem>>)
      tpu.yield
    }) : () -> ()
    %dma_start3A = arith.constant 0 : i32
    %dma_start3A_5 = arith.constant 0 : i32
    %dma_start3A_6 = tpu.memref_slice %arg2[%dma_start3A, %dma_start3A_5] : memref<10000x128xf32, #tpu.memory_space<hbm>> -> memref<10000x128xf32, #tpu.memory_space<hbm>>
    tpu.enqueue_indirect_dma source(%dma_start3A_6 : memref<10000x128xf32, #tpu.memory_space<hbm>>) target(%arg6 : memref<128x128xf32, #tpu.memory_space<vmem>>) offsets(%arg5 : memref<128xi32, #tpu.memory_space<vmem>>) semaphore(%arg11 : memref<!tpu.dma_semaphore, #tpu.memory_space<semaphore_mem>>)
    %add3A_7 = arith.constant 128 : i32
    %add3A_8 = arith.addi %mul3A_2, %add3A_7 : i32
    "tpu.region"() ({
      %run_scoped3A = tpu.sem_alloc : memref<!tpu.dma_semaphore, #tpu.memory_space<semaphore_mem>>
      %dma_start3A_49 = tpu.memref_slice %arg3[%add3A_8] : memref<83200xi32, #tpu.memory_space<hbm>> -> memref<128xi32, #tpu.memory_space<hbm>>
      %dma_start3A_50 = tpu.memref_slice %arg3[%add3A_8] : memref<83200xi32, #tpu.memory_space<hbm>> -> memref<128xi32, #tpu.memory_space<hbm>>
      tpu.enqueue_dma source(%dma_start3A_50 : memref<128xi32, #tpu.memory_space<hbm>>) target(%arg7 : memref<128xi32, #tpu.memory_space<vmem>>) target_semaphore(%run_scoped3A : memref<!tpu.dma_semaphore, #tpu.memory_space<semaphore_mem>>)
      %dma_wait3A_51 = tpu.memref_slice %arg3[%add3A_8] : memref<83200xi32, #tpu.memory_space<hbm>> -> memref<128xi32, #tpu.memory_space<hbm>>
      %dma_wait3A_52 = tpu.memref_slice %arg3[%add3A_8] : memref<83200xi32, #tpu.memory_space<hbm>> -> memref<128xi32, #tpu.memory_space<hbm>>
      tpu.wait_dma2 semaphore(%run_scoped3A : memref<!tpu.dma_semaphore, #tpu.memory_space<semaphore_mem>>) src(%dma_wait3A_52 : memref<128xi32, #tpu.memory_space<hbm>>) dst(%arg7 : memref<128xi32, #tpu.memory_space<vmem>>)
      tpu.yield
    }) : () -> ()
    %dma_start3A_9 = arith.constant 0 : i32
    %dma_start3A_10 = arith.constant 0 : i32
    %dma_start3A_11 = tpu.memref_slice %arg2[%dma_start3A_9, %dma_start3A_10] : memref<10000x128xf32, #tpu.memory_space<hbm>> -> memref<10000x128xf32, #tpu.memory_space<hbm>>
    tpu.enqueue_indirect_dma source(%dma_start3A_11 : memref<10000x128xf32, #tpu.memory_space<hbm>>) target(%arg8 : memref<128x128xf32, #tpu.memory_space<vmem>>) offsets(%arg7 : memref<128xi32, #tpu.memory_space<vmem>>) semaphore(%arg12 : memref<!tpu.dma_semaphore, #tpu.memory_space<semaphore_mem>>)
    %scan3A = arith.constant 0 : i32
    %scan3A_12 = arith.constant 9 : i32
    %scan3A_13 = arith.addi %scan3A, %scan3A_12 : i32
    %scan3A_14 = arith.constant 1 : i32
    scf.for %scan3A_49 = %scan3A to %scan3A_13 step %scan3A_14  : i32 {
      %mul3A_50 = arith.constant 2 : i32
      %mul3A_51 = arith.muli %scan3A_49, %mul3A_50 : i32
      %add3A_52 = arith.constant 0 : i32
      %add3A_53 = arith.addi %add3A_52, %mul3A_51 : i32
      %dma_wait3A_54 = arith.constant 0 : i32
      %dma_wait3A_55 = arith.constant 0 : i32
      %dma_wait3A_56 = tpu.memref_slice %arg2[%dma_wait3A_54, %dma_wait3A_55] : memref<10000x128xf32, #tpu.memory_space<hbm>> -> memref<10000x128xf32, #tpu.memory_space<hbm>>
      tpu.wait_indirect_dma semaphore(%arg11 : memref<!tpu.dma_semaphore, #tpu.memory_space<semaphore_mem>>) src(%dma_wait3A_56 : memref<10000x128xf32, #tpu.memory_space<hbm>>) dst(%arg6 : memref<128x128xf32, #tpu.memory_space<vmem>>)
      %mul3A_57 = arith.constant 128 : i32
      %mul3A_58 = arith.muli %add3A_53, %mul3A_57 : i32
      %add3A_59 = arith.addi %mul3A_2, %mul3A_58 : i32
      %dma_start3A_60 = arith.constant 0 : i32
      %dma_start3A_61 = tpu.memref_slice %arg4[%add3A_59, %dma_start3A_60] : memref<83200x128xf32, #tpu.memory_space<hbm>> -> memref<128x128xf32, #tpu.memory_space<hbm>>
      %dma_start3A_62 = arith.constant 0 : i32
      %dma_start3A_63 = tpu.memref_slice %arg4[%add3A_59, %dma_start3A_62] : memref<83200x128xf32, #tpu.memory_space<hbm>> -> memref<128x128xf32, #tpu.memory_space<hbm>>
      tpu.enqueue_dma source(%arg6 : memref<128x128xf32, #tpu.memory_space<vmem>>) target(%dma_start3A_63 : memref<128x128xf32, #tpu.memory_space<hbm>>) target_semaphore(%arg13 : memref<!tpu.dma_semaphore, #tpu.memory_space<semaphore_mem>>)
      %add3A_64 = arith.constant 1 : i32
      %add3A_65 = arith.addi %add3A_53, %add3A_64 : i32
      %dma_wait3A_66 = arith.constant 0 : i32
      %dma_wait3A_67 = arith.constant 0 : i32
      %dma_wait3A_68 = tpu.memref_slice %arg2[%dma_wait3A_66, %dma_wait3A_67] : memref<10000x128xf32, #tpu.memory_space<hbm>> -> memref<10000x128xf32, #tpu.memory_space<hbm>>
      tpu.wait_indirect_dma semaphore(%arg12 : memref<!tpu.dma_semaphore, #tpu.memory_space<semaphore_mem>>) src(%dma_wait3A_68 : memref<10000x128xf32, #tpu.memory_space<hbm>>) dst(%arg8 : memref<128x128xf32, #tpu.memory_space<vmem>>)
      %mul3A_69 = arith.constant 128 : i32
      %mul3A_70 = arith.muli %add3A_65, %mul3A_69 : i32
      %add3A_71 = arith.addi %mul3A_2, %mul3A_70 : i32
      %dma_start3A_72 = arith.constant 0 : i32
      %dma_start3A_73 = tpu.memref_slice %arg4[%add3A_71, %dma_start3A_72] : memref<83200x128xf32, #tpu.memory_space<hbm>> -> memref<128x128xf32, #tpu.memory_space<hbm>>
      %dma_start3A_74 = arith.constant 0 : i32
      %dma_start3A_75 = tpu.memref_slice %arg4[%add3A_71, %dma_start3A_74] : memref<83200x128xf32, #tpu.memory_space<hbm>> -> memref<128x128xf32, #tpu.memory_space<hbm>>
      tpu.enqueue_dma source(%arg8 : memref<128x128xf32, #tpu.memory_space<vmem>>) target(%dma_start3A_75 : memref<128x128xf32, #tpu.memory_space<hbm>>) target_semaphore(%arg14 : memref<!tpu.dma_semaphore, #tpu.memory_space<semaphore_mem>>)
      %dma_wait3A_76 = arith.constant 0 : i32
      %dma_wait3A_77 = tpu.memref_slice %arg4[%mul3A_2, %dma_wait3A_76] : memref<83200x128xf32, #tpu.memory_space<hbm>> -> memref<128x128xf32, #tpu.memory_space<hbm>>
      %dma_wait3A_78 = arith.constant 0 : i32
      %dma_wait3A_79 = tpu.memref_slice %arg4[%mul3A_2, %dma_wait3A_78] : memref<83200x128xf32, #tpu.memory_space<hbm>> -> memref<128x128xf32, #tpu.memory_space<hbm>>
      tpu.wait_dma2 semaphore(%arg13 : memref<!tpu.dma_semaphore, #tpu.memory_space<semaphore_mem>>) src(%arg6 : memref<128x128xf32, #tpu.memory_space<vmem>>) dst(%dma_wait3A_79 : memref<128x128xf32, #tpu.memory_space<hbm>>)
      %add3A_80 = arith.constant 2 : i32
      %add3A_81 = arith.addi %add3A_53, %add3A_80 : i32
      %mul3A_82 = arith.constant 128 : i32
      %mul3A_83 = arith.muli %add3A_81, %mul3A_82 : i32
      %add3A_84 = arith.addi %mul3A_2, %mul3A_83 : i32
      "tpu.region"() ({
        %run_scoped3A = tpu.sem_alloc : memref<!tpu.dma_semaphore, #tpu.memory_space<semaphore_mem>>
        %dma_start3A_100 = tpu.memref_slice %arg3[%add3A_84] : memref<83200xi32, #tpu.memory_space<hbm>> -> memref<128xi32, #tpu.memory_space<hbm>>
        %dma_start3A_101 = tpu.memref_slice %arg3[%add3A_84] : memref<83200xi32, #tpu.memory_space<hbm>> -> memref<128xi32, #tpu.memory_space<hbm>>
        tpu.enqueue_dma source(%dma_start3A_101 : memref<128xi32, #tpu.memory_space<hbm>>) target(%arg5 : memref<128xi32, #tpu.memory_space<vmem>>) target_semaphore(%run_scoped3A : memref<!tpu.dma_semaphore, #tpu.memory_space<semaphore_mem>>)
        %dma_wait3A_102 = tpu.memref_slice %arg3[%add3A_84] : memref<83200xi32, #tpu.memory_space<hbm>> -> memref<128xi32, #tpu.memory_space<hbm>>
        %dma_wait3A_103 = tpu.memref_slice %arg3[%add3A_84] : memref<83200xi32, #tpu.memory_space<hbm>> -> memref<128xi32, #tpu.memory_space<hbm>>
        tpu.wait_dma2 semaphore(%run_scoped3A : memref<!tpu.dma_semaphore, #tpu.memory_space<semaphore_mem>>) src(%dma_wait3A_103 : memref<128xi32, #tpu.memory_space<hbm>>) dst(%arg5 : memref<128xi32, #tpu.memory_space<vmem>>)
        tpu.yield
      }) : () -> ()
      %dma_start3A_85 = arith.constant 0 : i32
      %dma_start3A_86 = arith.constant 0 : i32
      %dma_start3A_87 = tpu.memref_slice %arg2[%dma_start3A_85, %dma_start3A_86] : memref<10000x128xf32, #tpu.memory_space<hbm>> -> memref<10000x128xf32, #tpu.memory_space<hbm>>
      tpu.enqueue_indirect_dma source(%dma_start3A_87 : memref<10000x128xf32, #tpu.memory_space<hbm>>) target(%arg6 : memref<128x128xf32, #tpu.memory_space<vmem>>) offsets(%arg5 : memref<128xi32, #tpu.memory_space<vmem>>) semaphore(%arg11 : memref<!tpu.dma_semaphore, #tpu.memory_space<semaphore_mem>>)
      %dma_wait3A_88 = arith.constant 0 : i32
      %dma_wait3A_89 = tpu.memref_slice %arg4[%mul3A_2, %dma_wait3A_88] : memref<83200x128xf32, #tpu.memory_space<hbm>> -> memref<128x128xf32, #tpu.memory_space<hbm>>
      %dma_wait3A_90 = arith.constant 0 : i32
      %dma_wait3A_91 = tpu.memref_slice %arg4[%mul3A_2, %dma_wait3A_90] : memref<83200x128xf32, #tpu.memory_space<hbm>> -> memref<128x128xf32, #tpu.memory_space<hbm>>
      tpu.wait_dma2 semaphore(%arg14 : memref<!tpu.dma_semaphore, #tpu.memory_space<semaphore_mem>>) src(%arg8 : memref<128x128xf32, #tpu.memory_space<vmem>>) dst(%dma_wait3A_91 : memref<128x128xf32, #tpu.memory_space<hbm>>)
      %add3A_92 = arith.constant 3 : i32
      %add3A_93 = arith.addi %add3A_53, %add3A_92 : i32
      %mul3A_94 = arith.constant 128 : i32
      %mul3A_95 = arith.muli %add3A_93, %mul3A_94 : i32
      %add3A_96 = arith.addi %mul3A_2, %mul3A_95 : i32
      "tpu.region"() ({
        %run_scoped3A = tpu.sem_alloc : memref<!tpu.dma_semaphore, #tpu.memory_space<semaphore_mem>>
        %dma_start3A_100 = tpu.memref_slice %arg3[%add3A_96] : memref<83200xi32, #tpu.memory_space<hbm>> -> memref<128xi32, #tpu.memory_space<hbm>>
        %dma_start3A_101 = tpu.memref_slice %arg3[%add3A_96] : memref<83200xi32, #tpu.memory_space<hbm>> -> memref<128xi32, #tpu.memory_space<hbm>>
        tpu.enqueue_dma source(%dma_start3A_101 : memref<128xi32, #tpu.memory_space<hbm>>) target(%arg7 : memref<128xi32, #tpu.memory_space<vmem>>) target_semaphore(%run_scoped3A : memref<!tpu.dma_semaphore, #tpu.memory_space<semaphore_mem>>)
        %dma_wait3A_102 = tpu.memref_slice %arg3[%add3A_96] : memref<83200xi32, #tpu.memory_space<hbm>> -> memref<128xi32, #tpu.memory_space<hbm>>
        %dma_wait3A_103 = tpu.memref_slice %arg3[%add3A_96] : memref<83200xi32, #tpu.memory_space<hbm>> -> memref<128xi32, #tpu.memory_space<hbm>>
        tpu.wait_dma2 semaphore(%run_scoped3A : memref<!tpu.dma_semaphore, #tpu.memory_space<semaphore_mem>>) src(%dma_wait3A_103 : memref<128xi32, #tpu.memory_space<hbm>>) dst(%arg7 : memref<128xi32, #tpu.memory_space<vmem>>)
        tpu.yield
      }) : () -> ()
      %dma_start3A_97 = arith.constant 0 : i32
      %dma_start3A_98 = arith.constant 0 : i32
      %dma_start3A_99 = tpu.memref_slice %arg2[%dma_start3A_97, %dma_start3A_98] : memref<10000x128xf32, #tpu.memory_space<hbm>> -> memref<10000x128xf32, #tpu.memory_space<hbm>>
      tpu.enqueue_indirect_dma source(%dma_start3A_99 : memref<10000x128xf32, #tpu.memory_space<hbm>>) target(%arg8 : memref<128x128xf32, #tpu.memory_space<vmem>>) offsets(%arg7 : memref<128xi32, #tpu.memory_space<vmem>>) semaphore(%arg12 : memref<!tpu.dma_semaphore, #tpu.memory_space<semaphore_mem>>)
    }
    %scan3A_15 = arith.constant 9 : i32
    %dma_wait3A = arith.constant 0 : i32
    %dma_wait3A_16 = arith.constant 0 : i32
    %dma_wait3A_17 = tpu.memref_slice %arg2[%dma_wait3A, %dma_wait3A_16] : memref<10000x128xf32, #tpu.memory_space<hbm>> -> memref<10000x128xf32, #tpu.memory_space<hbm>>
    tpu.wait_indirect_dma semaphore(%arg11 : memref<!tpu.dma_semaphore, #tpu.memory_space<semaphore_mem>>) src(%dma_wait3A_17 : memref<10000x128xf32, #tpu.memory_space<hbm>>) dst(%arg6 : memref<128x128xf32, #tpu.memory_space<vmem>>)
    %add3A_18 = arith.constant 2304 : i32
    %add3A_19 = arith.addi %mul3A_2, %add3A_18 : i32
    %dma_start3A_20 = arith.constant 0 : i32
    %dma_start3A_21 = tpu.memref_slice %arg4[%add3A_19, %dma_start3A_20] : memref<83200x128xf32, #tpu.memory_space<hbm>> -> memref<128x128xf32, #tpu.memory_space<hbm>>
    %dma_start3A_22 = arith.constant 0 : i32
    %dma_start3A_23 = tpu.memref_slice %arg4[%add3A_19, %dma_start3A_22] : memref<83200x128xf32, #tpu.memory_space<hbm>> -> memref<128x128xf32, #tpu.memory_space<hbm>>
    tpu.enqueue_dma source(%arg6 : memref<128x128xf32, #tpu.memory_space<vmem>>) target(%dma_start3A_23 : memref<128x128xf32, #tpu.memory_space<hbm>>) target_semaphore(%arg13 : memref<!tpu.dma_semaphore, #tpu.memory_space<semaphore_mem>>)
    %dma_wait3A_24 = arith.constant 0 : i32
    %dma_wait3A_25 = arith.constant 0 : i32
    %dma_wait3A_26 = tpu.memref_slice %arg2[%dma_wait3A_24, %dma_wait3A_25] : memref<10000x128xf32, #tpu.memory_space<hbm>> -> memref<10000x128xf32, #tpu.memory_space<hbm>>
    tpu.wait_indirect_dma semaphore(%arg12 : memref<!tpu.dma_semaphore, #tpu.memory_space<semaphore_mem>>) src(%dma_wait3A_26 : memref<10000x128xf32, #tpu.memory_space<hbm>>) dst(%arg8 : memref<128x128xf32, #tpu.memory_space<vmem>>)
    %add3A_27 = arith.constant 2432 : i32
    %add3A_28 = arith.addi %mul3A_2, %add3A_27 : i32
    %dma_start3A_29 = arith.constant 0 : i32
    %dma_start3A_30 = tpu.memref_slice %arg4[%add3A_28, %dma_start3A_29] : memref<83200x128xf32, #tpu.memory_space<hbm>> -> memref<128x128xf32, #tpu.memory_space<hbm>>
    %dma_start3A_31 = arith.constant 0 : i32
    %dma_start3A_32 = tpu.memref_slice %arg4[%add3A_28, %dma_start3A_31] : memref<83200x128xf32, #tpu.memory_space<hbm>> -> memref<128x128xf32, #tpu.memory_space<hbm>>
    tpu.enqueue_dma source(%arg8 : memref<128x128xf32, #tpu.memory_space<vmem>>) target(%dma_start3A_32 : memref<128x128xf32, #tpu.memory_space<hbm>>) target_semaphore(%arg14 : memref<!tpu.dma_semaphore, #tpu.memory_space<semaphore_mem>>)
    %add3A_33 = arith.constant 2560 : i32
    %add3A_34 = arith.addi %mul3A_2, %add3A_33 : i32
    "tpu.region"() ({
      %run_scoped3A = tpu.sem_alloc : memref<!tpu.dma_semaphore, #tpu.memory_space<semaphore_mem>>
      %dma_start3A_49 = tpu.memref_slice %arg3[%add3A_34] : memref<83200xi32, #tpu.memory_space<hbm>> -> memref<40xi32, #tpu.memory_space<hbm>>
      %dma_start3A_50 = tpu.memref_slice %arg3[%add3A_34] : memref<83200xi32, #tpu.memory_space<hbm>> -> memref<40xi32, #tpu.memory_space<hbm>>
      tpu.enqueue_dma source(%dma_start3A_50 : memref<40xi32, #tpu.memory_space<hbm>>) target(%arg9 : memref<40xi32, #tpu.memory_space<vmem>>) target_semaphore(%run_scoped3A : memref<!tpu.dma_semaphore, #tpu.memory_space<semaphore_mem>>)
      %dma_wait3A_51 = tpu.memref_slice %arg3[%add3A_34] : memref<83200xi32, #tpu.memory_space<hbm>> -> memref<40xi32, #tpu.memory_space<hbm>>
      %dma_wait3A_52 = tpu.memref_slice %arg3[%add3A_34] : memref<83200xi32, #tpu.memory_space<hbm>> -> memref<40xi32, #tpu.memory_space<hbm>>
      tpu.wait_dma2 semaphore(%run_scoped3A : memref<!tpu.dma_semaphore, #tpu.memory_space<semaphore_mem>>) src(%dma_wait3A_52 : memref<40xi32, #tpu.memory_space<hbm>>) dst(%arg9 : memref<40xi32, #tpu.memory_space<vmem>>)
      tpu.yield
    }) : () -> ()
    %dma_start3A_35 = arith.constant 0 : i32
    %dma_start3A_36 = arith.constant 0 : i32
    %dma_start3A_37 = tpu.memref_slice %arg2[%dma_start3A_35, %dma_start3A_36] : memref<10000x128xf32, #tpu.memory_space<hbm>> -> memref<10000x128xf32, #tpu.memory_space<hbm>>
    tpu.enqueue_indirect_dma source(%dma_start3A_37 : memref<10000x128xf32, #tpu.memory_space<hbm>>) target(%arg10 : memref<40x128xf32, #tpu.memory_space<vmem>>) offsets(%arg9 : memref<40xi32, #tpu.memory_space<vmem>>) semaphore(%arg11 : memref<!tpu.dma_semaphore, #tpu.memory_space<semaphore_mem>>)
    %dma_wait3A_38 = arith.constant 0 : i32
    %dma_wait3A_39 = arith.constant 0 : i32
    %dma_wait3A_40 = tpu.memref_slice %arg2[%dma_wait3A_38, %dma_wait3A_39] : memref<10000x128xf32, #tpu.memory_space<hbm>> -> memref<10000x128xf32, #tpu.memory_space<hbm>>
    tpu.wait_indirect_dma semaphore(%arg11 : memref<!tpu.dma_semaphore, #tpu.memory_space<semaphore_mem>>) src(%dma_wait3A_40 : memref<10000x128xf32, #tpu.memory_space<hbm>>) dst(%arg10 : memref<40x128xf32, #tpu.memory_space<vmem>>)
    "tpu.region"() ({
      %run_scoped3A = tpu.sem_alloc : memref<!tpu.dma_semaphore, #tpu.memory_space<semaphore_mem>>
      %dma_start3A_49 = arith.constant 0 : i32
      %dma_start3A_50 = tpu.memref_slice %arg4[%add3A_34, %dma_start3A_49] : memref<83200x128xf32, #tpu.memory_space<hbm>> -> memref<40x128xf32, #tpu.memory_space<hbm>>
      %dma_start3A_51 = arith.constant 0 : i32
      %dma_start3A_52 = tpu.memref_slice %arg4[%add3A_34, %dma_start3A_51] : memref<83200x128xf32, #tpu.memory_space<hbm>> -> memref<40x128xf32, #tpu.memory_space<hbm>>
      tpu.enqueue_dma source(%arg10 : memref<40x128xf32, #tpu.memory_space<vmem>>) target(%dma_start3A_52 : memref<40x128xf32, #tpu.memory_space<hbm>>) target_semaphore(%run_scoped3A : memref<!tpu.dma_semaphore, #tpu.memory_space<semaphore_mem>>)
      %dma_wait3A_53 = arith.constant 0 : i32
      %dma_wait3A_54 = tpu.memref_slice %arg4[%add3A_34, %dma_wait3A_53] : memref<83200x128xf32, #tpu.memory_space<hbm>> -> memref<40x128xf32, #tpu.memory_space<hbm>>
      %dma_wait3A_55 = arith.constant 0 : i32
      %dma_wait3A_56 = tpu.memref_slice %arg4[%add3A_34, %dma_wait3A_55] : memref<83200x128xf32, #tpu.memory_space<hbm>> -> memref<40x128xf32, #tpu.memory_space<hbm>>
      tpu.wait_dma2 semaphore(%run_scoped3A : memref<!tpu.dma_semaphore, #tpu.memory_space<semaphore_mem>>) src(%arg10 : memref<40x128xf32, #tpu.memory_space<vmem>>) dst(%dma_wait3A_56 : memref<40x128xf32, #tpu.memory_space<hbm>>)
      tpu.yield
    }) : () -> ()
    %dma_wait3A_41 = arith.constant 0 : i32
    %dma_wait3A_42 = tpu.memref_slice %arg4[%mul3A_2, %dma_wait3A_41] : memref<83200x128xf32, #tpu.memory_space<hbm>> -> memref<128x128xf32, #tpu.memory_space<hbm>>
    %dma_wait3A_43 = arith.constant 0 : i32
    %dma_wait3A_44 = tpu.memref_slice %arg4[%mul3A_2, %dma_wait3A_43] : memref<83200x128xf32, #tpu.memory_space<hbm>> -> memref<128x128xf32, #tpu.memory_space<hbm>>
    tpu.wait_dma2 semaphore(%arg14 : memref<!tpu.dma_semaphore, #tpu.memory_space<semaphore_mem>>) src(%arg8 : memref<128x128xf32, #tpu.memory_space<vmem>>) dst(%dma_wait3A_44 : memref<128x128xf32, #tpu.memory_space<hbm>>)
    %dma_wait3A_45 = arith.constant 0 : i32
    %dma_wait3A_46 = tpu.memref_slice %arg4[%mul3A_2, %dma_wait3A_45] : memref<83200x128xf32, #tpu.memory_space<hbm>> -> memref<128x128xf32, #tpu.memory_space<hbm>>
    %dma_wait3A_47 = arith.constant 0 : i32
    %dma_wait3A_48 = tpu.memref_slice %arg4[%mul3A_2, %dma_wait3A_47] : memref<83200x128xf32, #tpu.memory_space<hbm>> -> memref<128x128xf32, #tpu.memory_space<hbm>>
    tpu.wait_dma2 semaphore(%arg13 : memref<!tpu.dma_semaphore, #tpu.memory_space<semaphore_mem>>) src(%arg6 : memref<128x128xf32, #tpu.memory_space<vmem>>) dst(%dma_wait3A_48 : memref<128x128xf32, #tpu.memory_space<hbm>>)
    return
  }
}

module attributes {stable_mosaic.version = 14 : i64} {
  func.func @_tc_msg_body(%arg0: i32, %arg1: memref<3200x128xf32, #tpu.memory_space<vmem>>, %arg2: memref<48x3200xf32, #tpu.memory_space<vmem>>, %arg3: memref<9x3200xf32, #tpu.memory_space<vmem>>, %arg4: memref<16x48xf32, #tpu.memory_space<vmem>>, %arg5: memref<16x1xf32, #tpu.memory_space<vmem>>, %arg6: memref<16x256xf32, #tpu.memory_space<vmem>>, %arg7: memref<16x256xf32, #tpu.memory_space<vmem>>, %arg8: memref<256x128xf32, #tpu.memory_space<vmem>>, %arg9: memref<16x128xf32, #tpu.memory_space<vmem>>, %arg10: memref<9x128xf32, #tpu.memory_space<vmem>>, %arg11: memref<3200x128xf32, #tpu.memory_space<vmem>>) attributes {dimension_semantics = [#tpu.dimension_semantics<arbitrary>], iteration_bounds = array<i64: 26>, scalar_prefetch = 0 : i64, scratch_operands = 0 : i64, tpu.core_type = #tpu.core_type<tc>, window_params = [{transform_indices = @transform_0, window_bounds = array<i64: 3200, 128>}, {transform_indices = @transform_1, window_bounds = array<i64: 48, 3200>}, {transform_indices = @transform_2, window_bounds = array<i64: 9, 3200>}, {pipeline_mode = #tpu.pipeline_mode<synchronous>, transform_indices = @transform_3, window_bounds = array<i64: 16, 48>}, {pipeline_mode = #tpu.pipeline_mode<synchronous>, transform_indices = @transform_4, window_bounds = array<i64: 16, 1>}, {pipeline_mode = #tpu.pipeline_mode<synchronous>, transform_indices = @transform_5, window_bounds = array<i64: 16, 256>}, {pipeline_mode = #tpu.pipeline_mode<synchronous>, transform_indices = @transform_6, window_bounds = array<i64: 16, 256>}, {pipeline_mode = #tpu.pipeline_mode<synchronous>, transform_indices = @transform_7, window_bounds = array<i64: 256, 128>}, {pipeline_mode = #tpu.pipeline_mode<synchronous>, transform_indices = @transform_8, window_bounds = array<i64: 16, 128>}, {pipeline_mode = #tpu.pipeline_mode<synchronous>, transform_indices = @transform_9, window_bounds = array<i64: 9, 128>}, {transform_indices = @transform_10, window_bounds = array<i64: 3200, 128>}]} {
    %get3A = arith.constant 0 : index
    %get3A_0 = arith.constant 0 : index
    %get3A_1 = vector.load %arg4[%get3A, %get3A_0] : memref<16x48xf32, #tpu.memory_space<vmem>>, vector<16x48xf32>
    %get3A_2 = arith.constant 0 : index
    %get3A_3 = arith.constant 0 : index
    %get3A_4 = vector.load %arg2[%get3A_2, %get3A_3] : memref<48x3200xf32, #tpu.memory_space<vmem>>, vector<48x3200xf32>
    %dot_general3A = arith.constant dense<0.000000e+00> : vector<16x3200xf32>
    %dot_general3A_5 = tpu.matmul %get3A_1, %get3A_4, %dot_general3A {dimension_numbers = #tpu.dot_dimension_numbers<[1], [0], [0], [1], [0, 0, 1, 1], [], []>, transpose_lhs_hint = false} : vector<16x48xf32>, vector<48x3200xf32>, vector<16x3200xf32> -> vector<16x3200xf32>
    %get3A_6 = arith.constant 0 : index
    %get3A_7 = arith.constant 0 : index
    %get3A_8 = vector.load %arg5[%get3A_6, %get3A_7] : memref<16x1xf32, #tpu.memory_space<vmem>>, vector<16x1xf32>
    %add3A = vector.broadcast %get3A_8 : vector<16x1xf32> to vector<16x3200xf32>
    %add3A_9 = arith.addf %dot_general3A_5, %add3A : vector<16x3200xf32>
    %max3A = arith.constant 0.000000e+00 : f32
    %max3A_10 = vector.broadcast %max3A : f32 to vector<16x3200xf32>
    %max3A_11 = arith.maximumf %add3A_9, %max3A_10 : vector<16x3200xf32>
    %transpose3A = tpu.transpose %max3A_11, [1, 0] : vector<16x3200xf32> -> vector<3200x16xf32>
    %get3A_12 = arith.constant 0 : index
    %get3A_13 = arith.constant 0 : index
    %get3A_14 = vector.load %arg3[%get3A_12, %get3A_13] : memref<9x3200xf32, #tpu.memory_space<vmem>>, vector<9x3200xf32>
    %transpose3A_15 = tpu.transpose %get3A_14, [1, 0] : vector<9x3200xf32> -> vector<3200x9xf32>
    %get3A_16 = arith.constant 0 : index
    %get3A_17 = arith.constant 0 : index
    %get3A_18 = vector.load %arg1[%get3A_16, %get3A_17] : memref<3200x128xf32, #tpu.memory_space<vmem>>, vector<3200x16xf32>
    %get3A_19 = arith.constant 0 : index
    %get3A_20 = arith.constant 0 : index
    %get3A_21 = vector.load %arg6[%get3A_19, %get3A_20] : memref<16x256xf32, #tpu.memory_space<vmem>>, vector<16x256xf32>
    %dot_general3A_22 = arith.constant dense<0.000000e+00> : vector<3200x256xf32>
    %dot_general3A_23 = tpu.matmul %transpose3A, %get3A_21, %dot_general3A_22 {dimension_numbers = #tpu.dot_dimension_numbers<[1], [0], [0], [1], [0, 0, 1, 1], [], []>, transpose_lhs_hint = false} : vector<3200x16xf32>, vector<16x256xf32>, vector<3200x256xf32> -> vector<3200x256xf32>
    %get3A_24 = arith.constant 0 : index
    %get3A_25 = arith.constant 0 : index
    %get3A_26 = vector.load %arg7[%get3A_24, %get3A_25] : memref<16x256xf32, #tpu.memory_space<vmem>>, vector<16x256xf32>
    %dot_general3A_27 = arith.constant dense<0.000000e+00> : vector<3200x256xf32>
    %dot_general3A_28 = tpu.matmul %get3A_18, %get3A_26, %dot_general3A_27 {dimension_numbers = #tpu.dot_dimension_numbers<[1], [0], [0], [1], [0, 0, 1, 1], [], []>, transpose_lhs_hint = false} : vector<3200x16xf32>, vector<16x256xf32>, vector<3200x256xf32> -> vector<3200x256xf32>
    %mul3A = arith.mulf %dot_general3A_28, %dot_general3A_23 : vector<3200x256xf32>
    %get3A_29 = arith.constant 0 : index
    %get3A_30 = arith.constant 0 : index
    %get3A_31 = vector.load %arg8[%get3A_29, %get3A_30] : memref<256x128xf32, #tpu.memory_space<vmem>>, vector<256x128xf32>
    %dot_general3A_32 = arith.constant dense<0.000000e+00> : vector<3200x128xf32>
    %dot_general3A_33 = tpu.matmul %mul3A, %get3A_31, %dot_general3A_32 {dimension_numbers = #tpu.dot_dimension_numbers<[1], [0], [0], [1], [0, 0, 1, 1], [], []>, transpose_lhs_hint = false} : vector<3200x256xf32>, vector<256x128xf32>, vector<3200x128xf32> -> vector<3200x128xf32>
    %get3A_34 = arith.constant 0 : index
    %get3A_35 = arith.constant 0 : index
    %get3A_36 = vector.load %arg9[%get3A_34, %get3A_35] : memref<16x128xf32, #tpu.memory_space<vmem>>, vector<16x128xf32>
    %dot_general3A_37 = arith.constant dense<0.000000e+00> : vector<3200x128xf32>
    %dot_general3A_38 = tpu.matmul %get3A_18, %get3A_36, %dot_general3A_37 {dimension_numbers = #tpu.dot_dimension_numbers<[1], [0], [0], [1], [0, 0, 1, 1], [], []>, transpose_lhs_hint = false} : vector<3200x16xf32>, vector<16x128xf32>, vector<3200x128xf32> -> vector<3200x128xf32>
    %add3A_39 = arith.addf %dot_general3A_33, %dot_general3A_38 : vector<3200x128xf32>
    %get3A_40 = arith.constant 0 : index
    %get3A_41 = arith.constant 0 : index
    %get3A_42 = vector.load %arg10[%get3A_40, %get3A_41] : memref<9x128xf32, #tpu.memory_space<vmem>>, vector<9x128xf32>
    %dot_general3A_43 = arith.constant dense<0.000000e+00> : vector<3200x128xf32>
    %dot_general3A_44 = tpu.matmul %transpose3A_15, %get3A_42, %dot_general3A_43 {dimension_numbers = #tpu.dot_dimension_numbers<[1], [0], [0], [1], [0, 0, 1, 1], [], []>, transpose_lhs_hint = false} : vector<3200x9xf32>, vector<9x128xf32>, vector<3200x128xf32> -> vector<3200x128xf32>
    %iota3A = tpu.iota {dimensions = array<i32: 1>} : vector<3200x128xi32>
    %mul3A_45 = arith.mulf %add3A_39, %dot_general3A_44 : vector<3200x128xf32>
    %eq3A = arith.constant 48 : i32
    %eq3A_46 = vector.broadcast %eq3A : i32 to vector<3200x128xi32>
    %eq3A_47 = arith.cmpi eq, %iota3A, %eq3A_46 : vector<3200x128xi32>
    %jit3A = arith.constant 1.000000e+00 : f32
    %jit3A_48 = arith.constant 0.000000e+00 : f32
    %broadcast_in_dim3A = vector.broadcast %jit3A : f32 to vector<3200x128xf32>
    %broadcast_in_dim3A_49 = vector.broadcast %jit3A_48 : f32 to vector<3200x128xf32>
    %select_n3A = arith.select %eq3A_47, %broadcast_in_dim3A, %broadcast_in_dim3A_49 : vector<3200x128xi1>, vector<3200x128xf32>
    %add3A_50 = arith.addf %mul3A_45, %select_n3A : vector<3200x128xf32>
    %swap3A = arith.constant 0 : index
    %swap3A_51 = arith.constant 0 : index
    %swap3A_52 = vector.load %arg11[%swap3A, %swap3A_51] : memref<3200x128xf32, #tpu.memory_space<vmem>>, vector<3200x128xf32>
    tpu.vector_store %arg11[%swap3A, %swap3A_51], %add3A_50 {strides = array<i32>} : memref<3200x128xf32, #tpu.memory_space<vmem>>, vector<3200x128xf32>,
    return
  }
  func.func @transform_0(%arg0: i32) -> (i32, i32) {
    %c0_i32 = arith.constant 0 : i32
    %c0_i32_0 = arith.constant 0 : i32
    return %arg0, %c0_i32 : i32, i32
  }
  func.func @transform_1(%arg0: i32) -> (i32, i32) {
    %add3A = arith.constant 24 : i32
    %add3A_0 = arith.addi %arg0, %add3A : i32
    %c0_i32 = arith.constant 0 : i32
    %c0_i32_1 = arith.constant 0 : i32
    return %c0_i32, %add3A_0 : i32, i32
  }
  func.func @transform_2(%arg0: i32) -> (i32, i32) {
    %add3A = arith.constant 24 : i32
    %add3A_0 = arith.addi %arg0, %add3A : i32
    %c0_i32 = arith.constant 0 : i32
    %c0_i32_1 = arith.constant 0 : i32
    return %c0_i32, %add3A_0 : i32, i32
  }
  func.func @transform_3(%arg0: i32) -> (i32, i32) {
    %c0_i32 = arith.constant 0 : i32
    %c0_i32_0 = arith.constant 0 : i32
    %c0_i32_1 = arith.constant 0 : i32
    return %c0_i32, %c0_i32_0 : i32, i32
  }
  func.func @transform_4(%arg0: i32) -> (i32, i32) {
    %c0_i32 = arith.constant 0 : i32
    %c0_i32_0 = arith.constant 0 : i32
    %c0_i32_1 = arith.constant 0 : i32
    return %c0_i32, %c0_i32_0 : i32, i32
  }
  func.func @transform_5(%arg0: i32) -> (i32, i32) {
    %c0_i32 = arith.constant 0 : i32
    %c0_i32_0 = arith.constant 0 : i32
    %c0_i32_1 = arith.constant 0 : i32
    return %c0_i32, %c0_i32_0 : i32, i32
  }
  func.func @transform_6(%arg0: i32) -> (i32, i32) {
    %c0_i32 = arith.constant 0 : i32
    %c0_i32_0 = arith.constant 0 : i32
    %c0_i32_1 = arith.constant 0 : i32
    return %c0_i32, %c0_i32_0 : i32, i32
  }
  func.func @transform_7(%arg0: i32) -> (i32, i32) {
    %c0_i32 = arith.constant 0 : i32
    %c0_i32_0 = arith.constant 0 : i32
    %c0_i32_1 = arith.constant 0 : i32
    return %c0_i32, %c0_i32_0 : i32, i32
  }
  func.func @transform_8(%arg0: i32) -> (i32, i32) {
    %c0_i32 = arith.constant 0 : i32
    %c0_i32_0 = arith.constant 0 : i32
    %c0_i32_1 = arith.constant 0 : i32
    return %c0_i32, %c0_i32_0 : i32, i32
  }
  func.func @transform_9(%arg0: i32) -> (i32, i32) {
    %c0_i32 = arith.constant 0 : i32
    %c0_i32_0 = arith.constant 0 : i32
    %c0_i32_1 = arith.constant 0 : i32
    return %c0_i32, %c0_i32_0 : i32, i32
  }
  func.func @transform_10(%arg0: i32) -> (i32, i32) {
    %c0_i32 = arith.constant 0 : i32
    %c0_i32_0 = arith.constant 0 : i32
    return %arg0, %c0_i32 : i32, i32
  }
}

module attributes {stable_mosaic.version = 14 : i64} {
  func.func @_tc_msg_body(%arg0: i32, %arg1: memref<3200x128xf32, #tpu.memory_space<vmem>>, %arg2: memref<48x3200xf32, #tpu.memory_space<vmem>>, %arg3: memref<9x3200xf32, #tpu.memory_space<vmem>>, %arg4: memref<16x48xf32, #tpu.memory_space<vmem>>, %arg5: memref<16x1xf32, #tpu.memory_space<vmem>>, %arg6: memref<16x256xf32, #tpu.memory_space<vmem>>, %arg7: memref<16x256xf32, #tpu.memory_space<vmem>>, %arg8: memref<256x128xf32, #tpu.memory_space<vmem>>, %arg9: memref<16x128xf32, #tpu.memory_space<vmem>>, %arg10: memref<9x128xf32, #tpu.memory_space<vmem>>, %arg11: memref<3200x128xf32, #tpu.memory_space<vmem>>) attributes {dimension_semantics = [#tpu.dimension_semantics<arbitrary>], iteration_bounds = array<i64: 24>, scalar_prefetch = 0 : i64, scratch_operands = 0 : i64, tpu.core_type = #tpu.core_type<tc>, window_params = [{transform_indices = @transform_0, window_bounds = array<i64: 3200, 128>}, {transform_indices = @transform_1, window_bounds = array<i64: 48, 3200>}, {transform_indices = @transform_2, window_bounds = array<i64: 9, 3200>}, {pipeline_mode = #tpu.pipeline_mode<synchronous>, transform_indices = @transform_3, window_bounds = array<i64: 16, 48>}, {pipeline_mode = #tpu.pipeline_mode<synchronous>, transform_indices = @transform_4, window_bounds = array<i64: 16, 1>}, {pipeline_mode = #tpu.pipeline_mode<synchronous>, transform_indices = @transform_5, window_bounds = array<i64: 16, 256>}, {pipeline_mode = #tpu.pipeline_mode<synchronous>, transform_indices = @transform_6, window_bounds = array<i64: 16, 256>}, {pipeline_mode = #tpu.pipeline_mode<synchronous>, transform_indices = @transform_7, window_bounds = array<i64: 256, 128>}, {pipeline_mode = #tpu.pipeline_mode<synchronous>, transform_indices = @transform_8, window_bounds = array<i64: 16, 128>}, {pipeline_mode = #tpu.pipeline_mode<synchronous>, transform_indices = @transform_9, window_bounds = array<i64: 9, 128>}, {transform_indices = @transform_10, window_bounds = array<i64: 3200, 128>}]} {
    %get3A = arith.constant 0 : index
    %get3A_0 = arith.constant 0 : index
    %get3A_1 = vector.load %arg4[%get3A, %get3A_0] : memref<16x48xf32, #tpu.memory_space<vmem>>, vector<16x48xf32>
    %get3A_2 = arith.constant 0 : index
    %get3A_3 = arith.constant 0 : index
    %get3A_4 = vector.load %arg2[%get3A_2, %get3A_3] : memref<48x3200xf32, #tpu.memory_space<vmem>>, vector<48x3200xf32>
    %dot_general3A = arith.constant dense<0.000000e+00> : vector<16x3200xf32>
    %dot_general3A_5 = tpu.matmul %get3A_1, %get3A_4, %dot_general3A {dimension_numbers = #tpu.dot_dimension_numbers<[1], [0], [0], [1], [0, 0, 1, 1], [], []>, transpose_lhs_hint = false} : vector<16x48xf32>, vector<48x3200xf32>, vector<16x3200xf32> -> vector<16x3200xf32>
    %get3A_6 = arith.constant 0 : index
    %get3A_7 = arith.constant 0 : index
    %get3A_8 = vector.load %arg5[%get3A_6, %get3A_7] : memref<16x1xf32, #tpu.memory_space<vmem>>, vector<16x1xf32>
    %add3A = vector.broadcast %get3A_8 : vector<16x1xf32> to vector<16x3200xf32>
    %add3A_9 = arith.addf %dot_general3A_5, %add3A : vector<16x3200xf32>
    %max3A = arith.constant 0.000000e+00 : f32
    %max3A_10 = vector.broadcast %max3A : f32 to vector<16x3200xf32>
    %max3A_11 = arith.maximumf %add3A_9, %max3A_10 : vector<16x3200xf32>
    %transpose3A = tpu.transpose %max3A_11, [1, 0] : vector<16x3200xf32> -> vector<3200x16xf32>
    %get3A_12 = arith.constant 0 : index
    %get3A_13 = arith.constant 0 : index
    %get3A_14 = vector.load %arg3[%get3A_12, %get3A_13] : memref<9x3200xf32, #tpu.memory_space<vmem>>, vector<9x3200xf32>
    %transpose3A_15 = tpu.transpose %get3A_14, [1, 0] : vector<9x3200xf32> -> vector<3200x9xf32>
    %get3A_16 = arith.constant 0 : index
    %get3A_17 = arith.constant 0 : index
    %get3A_18 = vector.load %arg1[%get3A_16, %get3A_17] : memref<3200x128xf32, #tpu.memory_space<vmem>>, vector<3200x16xf32>
    %get3A_19 = arith.constant 0 : index
    %get3A_20 = arith.constant 0 : index
    %get3A_21 = vector.load %arg6[%get3A_19, %get3A_20] : memref<16x256xf32, #tpu.memory_space<vmem>>, vector<16x256xf32>
    %dot_general3A_22 = arith.constant dense<0.000000e+00> : vector<3200x256xf32>
    %dot_general3A_23 = tpu.matmul %transpose3A, %get3A_21, %dot_general3A_22 {dimension_numbers = #tpu.dot_dimension_numbers<[1], [0], [0], [1], [0, 0, 1, 1], [], []>, transpose_lhs_hint = false} : vector<3200x16xf32>, vector<16x256xf32>, vector<3200x256xf32> -> vector<3200x256xf32>
    %get3A_24 = arith.constant 0 : index
    %get3A_25 = arith.constant 0 : index
    %get3A_26 = vector.load %arg7[%get3A_24, %get3A_25] : memref<16x256xf32, #tpu.memory_space<vmem>>, vector<16x256xf32>
    %dot_general3A_27 = arith.constant dense<0.000000e+00> : vector<3200x256xf32>
    %dot_general3A_28 = tpu.matmul %get3A_18, %get3A_26, %dot_general3A_27 {dimension_numbers = #tpu.dot_dimension_numbers<[1], [0], [0], [1], [0, 0, 1, 1], [], []>, transpose_lhs_hint = false} : vector<3200x16xf32>, vector<16x256xf32>, vector<3200x256xf32> -> vector<3200x256xf32>
    %mul3A = arith.mulf %dot_general3A_28, %dot_general3A_23 : vector<3200x256xf32>
    %get3A_29 = arith.constant 0 : index
    %get3A_30 = arith.constant 0 : index
    %get3A_31 = vector.load %arg8[%get3A_29, %get3A_30] : memref<256x128xf32, #tpu.memory_space<vmem>>, vector<256x128xf32>
    %dot_general3A_32 = arith.constant dense<0.000000e+00> : vector<3200x128xf32>
    %dot_general3A_33 = tpu.matmul %mul3A, %get3A_31, %dot_general3A_32 {dimension_numbers = #tpu.dot_dimension_numbers<[1], [0], [0], [1], [0, 0, 1, 1], [], []>, transpose_lhs_hint = false} : vector<3200x256xf32>, vector<256x128xf32>, vector<3200x128xf32> -> vector<3200x128xf32>
    %get3A_34 = arith.constant 0 : index
    %get3A_35 = arith.constant 0 : index
    %get3A_36 = vector.load %arg9[%get3A_34, %get3A_35] : memref<16x128xf32, #tpu.memory_space<vmem>>, vector<16x128xf32>
    %dot_general3A_37 = arith.constant dense<0.000000e+00> : vector<3200x128xf32>
    %dot_general3A_38 = tpu.matmul %get3A_18, %get3A_36, %dot_general3A_37 {dimension_numbers = #tpu.dot_dimension_numbers<[1], [0], [0], [1], [0, 0, 1, 1], [], []>, transpose_lhs_hint = false} : vector<3200x16xf32>, vector<16x128xf32>, vector<3200x128xf32> -> vector<3200x128xf32>
    %add3A_39 = arith.addf %dot_general3A_33, %dot_general3A_38 : vector<3200x128xf32>
    %get3A_40 = arith.constant 0 : index
    %get3A_41 = arith.constant 0 : index
    %get3A_42 = vector.load %arg10[%get3A_40, %get3A_41] : memref<9x128xf32, #tpu.memory_space<vmem>>, vector<9x128xf32>
    %dot_general3A_43 = arith.constant dense<0.000000e+00> : vector<3200x128xf32>
    %dot_general3A_44 = tpu.matmul %transpose3A_15, %get3A_42, %dot_general3A_43 {dimension_numbers = #tpu.dot_dimension_numbers<[1], [0], [0], [1], [0, 0, 1, 1], [], []>, transpose_lhs_hint = false} : vector<3200x9xf32>, vector<9x128xf32>, vector<3200x128xf32> -> vector<3200x128xf32>
    %iota3A = tpu.iota {dimensions = array<i32: 1>} : vector<3200x128xi32>
    %mul3A_45 = arith.mulf %add3A_39, %dot_general3A_44 : vector<3200x128xf32>
    %eq3A = arith.constant 48 : i32
    %eq3A_46 = vector.broadcast %eq3A : i32 to vector<3200x128xi32>
    %eq3A_47 = arith.cmpi eq, %iota3A, %eq3A_46 : vector<3200x128xi32>
    %jit3A = arith.constant 1.000000e+00 : f32
    %jit3A_48 = arith.constant 0.000000e+00 : f32
    %broadcast_in_dim3A = vector.broadcast %jit3A : f32 to vector<3200x128xf32>
    %broadcast_in_dim3A_49 = vector.broadcast %jit3A_48 : f32 to vector<3200x128xf32>
    %select_n3A = arith.select %eq3A_47, %broadcast_in_dim3A, %broadcast_in_dim3A_49 : vector<3200x128xi1>, vector<3200x128xf32>
    %add3A_50 = arith.addf %mul3A_45, %select_n3A : vector<3200x128xf32>
    %swap3A = arith.constant 0 : index
    %swap3A_51 = arith.constant 0 : index
    %swap3A_52 = vector.load %arg11[%swap3A, %swap3A_51] : memref<3200x128xf32, #tpu.memory_space<vmem>>, vector<3200x128xf32>
    tpu.vector_store %arg11[%swap3A, %swap3A_51], %add3A_50 {strides = array<i32>} : memref<3200x128xf32, #tpu.memory_space<vmem>>, vector<3200x128xf32>,
    return
  }
  func.func @transform_0(%arg0: i32) -> (i32, i32) {
    %c0_i32 = arith.constant 0 : i32
    %c0_i32_0 = arith.constant 0 : i32
    return %arg0, %c0_i32 : i32, i32
  }
  func.func @transform_1(%arg0: i32) -> (i32, i32) {
    %add3A = arith.constant 0 : i32
    %add3A_0 = arith.addi %arg0, %add3A : i32
    %c0_i32 = arith.constant 0 : i32
    %c0_i32_1 = arith.constant 0 : i32
    return %c0_i32, %add3A_0 : i32, i32
  }
  func.func @transform_2(%arg0: i32) -> (i32, i32) {
    %add3A = arith.constant 0 : i32
    %add3A_0 = arith.addi %arg0, %add3A : i32
    %c0_i32 = arith.constant 0 : i32
    %c0_i32_1 = arith.constant 0 : i32
    return %c0_i32, %add3A_0 : i32, i32
  }
  func.func @transform_3(%arg0: i32) -> (i32, i32) {
    %c0_i32 = arith.constant 0 : i32
    %c0_i32_0 = arith.constant 0 : i32
    %c0_i32_1 = arith.constant 0 : i32
    return %c0_i32, %c0_i32_0 : i32, i32
  }
  func.func @transform_4(%arg0: i32) -> (i32, i32) {
    %c0_i32 = arith.constant 0 : i32
    %c0_i32_0 = arith.constant 0 : i32
    %c0_i32_1 = arith.constant 0 : i32
    return %c0_i32, %c0_i32_0 : i32, i32
  }
  func.func @transform_5(%arg0: i32) -> (i32, i32) {
    %c0_i32 = arith.constant 0 : i32
    %c0_i32_0 = arith.constant 0 : i32
    %c0_i32_1 = arith.constant 0 : i32
    return %c0_i32, %c0_i32_0 : i32, i32
  }
  func.func @transform_6(%arg0: i32) -> (i32, i32) {
    %c0_i32 = arith.constant 0 : i32
    %c0_i32_0 = arith.constant 0 : i32
    %c0_i32_1 = arith.constant 0 : i32
    return %c0_i32, %c0_i32_0 : i32, i32
  }
  func.func @transform_7(%arg0: i32) -> (i32, i32) {
    %c0_i32 = arith.constant 0 : i32
    %c0_i32_0 = arith.constant 0 : i32
    %c0_i32_1 = arith.constant 0 : i32
    return %c0_i32, %c0_i32_0 : i32, i32
  }
  func.func @transform_8(%arg0: i32) -> (i32, i32) {
    %c0_i32 = arith.constant 0 : i32
    %c0_i32_0 = arith.constant 0 : i32
    %c0_i32_1 = arith.constant 0 : i32
    return %c0_i32, %c0_i32_0 : i32, i32
  }
  func.func @transform_9(%arg0: i32) -> (i32, i32) {
    %c0_i32 = arith.constant 0 : i32
    %c0_i32_0 = arith.constant 0 : i32
    %c0_i32_1 = arith.constant 0 : i32
    return %c0_i32, %c0_i32_0 : i32, i32
  }
  func.func @transform_10(%arg0: i32) -> (i32, i32) {
    %c0_i32 = arith.constant 0 : i32
    %c0_i32_0 = arith.constant 0 : i32
    return %arg0, %c0_i32 : i32, i32
  }
}

module attributes {stable_mosaic.version = 14 : i64} {
  func.func @_tc_fin_body(%arg0: i32, %arg1: memref<2x2000x128xf32, #tpu.memory_space<vmem>>, %arg2: memref<2x2000x128xf32, #tpu.memory_space<vmem>>, %arg3: memref<2000x48xf32, #tpu.memory_space<vmem>>) attributes {dimension_semantics = [#tpu.dimension_semantics<arbitrary>], iteration_bounds = array<i64: 5>, scalar_prefetch = 0 : i64, scratch_operands = 0 : i64, tpu.core_type = #tpu.core_type<tc>, window_params = [{transform_indices = @transform_0, window_bounds = array<i64: 2, 2000, 128>}, {transform_indices = @transform_1, window_bounds = array<i64: 2, 2000, 128>}, {transform_indices = @transform_2, window_bounds = array<i64: 2000, 48>}]} {
    %get3A = arith.constant 0 : index
    %get3A_0 = arith.constant 0 : index
    %get3A_1 = arith.constant 0 : index
    %get3A_2 = vector.load %arg1[%get3A, %get3A_0, %get3A_1] : memref<2x2000x128xf32, #tpu.memory_space<vmem>>, vector<1x2000x128xf32>
    %get3A_3 = vector.shape_cast %get3A_2 : vector<1x2000x128xf32> to vector<2000x128xf32>
    %get3A_4 = arith.constant 1 : index
    %get3A_5 = arith.constant 0 : index
    %get3A_6 = arith.constant 0 : index
    %get3A_7 = vector.load %arg1[%get3A_4, %get3A_5, %get3A_6] : memref<2x2000x128xf32, #tpu.memory_space<vmem>>, vector<1x2000x128xf32>
    %get3A_8 = vector.shape_cast %get3A_7 : vector<1x2000x128xf32> to vector<2000x128xf32>
    %add3A = arith.addf %get3A_3, %get3A_8 : vector<2000x128xf32>
    %get3A_9 = arith.constant 0 : index
    %get3A_10 = arith.constant 0 : index
    %get3A_11 = arith.constant 0 : index
    %get3A_12 = vector.load %arg2[%get3A_9, %get3A_10, %get3A_11] : memref<2x2000x128xf32, #tpu.memory_space<vmem>>, vector<1x2000x128xf32>
    %get3A_13 = vector.shape_cast %get3A_12 : vector<1x2000x128xf32> to vector<2000x128xf32>
    %add3A_14 = arith.addf %add3A, %get3A_13 : vector<2000x128xf32>
    %get3A_15 = arith.constant 1 : index
    %get3A_16 = arith.constant 0 : index
    %get3A_17 = arith.constant 0 : index
    %get3A_18 = vector.load %arg2[%get3A_15, %get3A_16, %get3A_17] : memref<2x2000x128xf32, #tpu.memory_space<vmem>>, vector<1x2000x128xf32>
    %get3A_19 = vector.shape_cast %get3A_18 : vector<1x2000x128xf32> to vector<2000x128xf32>
    %add3A_20 = arith.addf %add3A_14, %get3A_19 : vector<2000x128xf32>
    %slice3A = vector.extract_strided_slice %add3A_20 {offsets = [0, 48], sizes = [2000, 1], strides = [1, 1]} : vector<2000x128xf32> to vector<2000x1xf32>
    %jit3A = arith.constant 1.000000e+00 : f32
    %max3A = vector.broadcast %jit3A : f32 to vector<2000x1xf32>
    %max3A_21 = arith.maximumf %max3A, %slice3A : vector<2000x1xf32>
    %slice3A_22 = vector.extract_strided_slice %add3A_20 {offsets = [0, 0], sizes = [2000, 48], strides = [1, 1]} : vector<2000x128xf32> to vector<2000x48xf32>
    %div3A = vector.broadcast %max3A_21 : vector<2000x1xf32> to vector<2000x48xf32>
    %div3A_23 = arith.divf %slice3A_22, %div3A : vector<2000x48xf32>
    %swap3A = arith.constant 0 : index
    %swap3A_24 = arith.constant 0 : index
    %swap3A_25 = vector.load %arg3[%swap3A, %swap3A_24] : memref<2000x48xf32, #tpu.memory_space<vmem>>, vector<2000x48xf32>
    tpu.vector_store %arg3[%swap3A, %swap3A_24], %div3A_23 {strides = array<i32>} : memref<2000x48xf32, #tpu.memory_space<vmem>>, vector<2000x48xf32>,
    return
  }
  func.func @transform_0(%arg0: i32) -> (i32, i32, i32) {
    %c0_i32 = arith.constant 0 : i32
    %c0_i32_0 = arith.constant 0 : i32
    %c0_i32_1 = arith.constant 0 : i32
    return %c0_i32, %arg0, %c0_i32_0 : i32, i32, i32
  }
  func.func @transform_1(%arg0: i32) -> (i32, i32, i32) {
    %c0_i32 = arith.constant 0 : i32
    %c0_i32_0 = arith.constant 0 : i32
    %c0_i32_1 = arith.constant 0 : i32
    return %c0_i32, %arg0, %c0_i32_0 : i32, i32, i32
  }
  func.func @transform_2(%arg0: i32) -> (i32, i32) {
    %c0_i32 = arith.constant 0 : i32
    %c0_i32_0 = arith.constant 0 : i32
    return %arg0, %c0_i32 : i32, i32
  }
}

</mosaic_0001>

<sc_bundles>
// kernel: kernel.12.cloned.1.call-start
scs
__scs_entry_jumppad:
0x0: {  	(pc) =	sbr.rel $0x88, $3  }
0x1: {  	(tag) =	ssettag $0x0;
	lr =	simm.s32 $0x1  }
0x2: {  	[smem:$0x3F99] =	sst lr;
	_ =	strace $0xD0000000  }
0x3: {  	_ = 	snop  }
0x4: {  	_ = 	snop  }
0x5: {  	_ = 	snop  }
0x6: {  	_ = 	snop  }
0x7: {  	_ = 	snop  }
__scs_overlays_trampoline_lowered:
0x8: {  	[smem:$0x3FA8] =	sst s0  }
0x9: {  	[smem:$0x3FA9] =	sst s1  }
0xa: {  	[smem:$0x3FAA] =	sst s2  }
0xb: {  	[smem:$0x3FAB] =	sst s3  }
0xc: {  	[smem:$0x3FAC] =	sst s4  }
0xd: {  	[smem:$0x3FAD] =	sst s5  }
0xe: {  	[smem:$0x3FAE] =	sst s6  }
0xf: {  	[smem:$0x3FAF] =	sst s7  }
0x10: {  	[smem:$0x3FB0] =	sst s8  }
0x11: {  	[smem:$0x3FB1] =	sst s9;
	s0 =	simm.s32 @!p0 $0x0  }
0x12: {  	s1 =	sld [smem:$0x3F97];
	s0 =	simm.s32 @p0 $0x1  }
0x13: {  	[smem:$0x3FB2] =	sst s0;
	s0 =	simm.s32 @!p1 $0x0  }
0x14: {  	s2 =	sld [smem:$0x3F96];
	s0 =	simm.s32 @p1 $0x1  }
0x15: {  	[smem:$0x3FB3] =	sst s0;
	s0 =	simm.s32 @!p2 $0x0  }
0x16: {  	s3 =	sld [smem:$0x3FDB];
	s0 =	simm.s32 @p2 $0x1  }
0x17: {  	s4 =	simm.s32 $0x1BF5;
	[smem:$0x3FB5] =	sst s0  }
0x18: {  	s0 =	sld [smem:$0x3F98];
	_ =	swait.ge [sflag:s4], $0x0  }
0x19: {  	s7 =	sld [smem:$0x3F99]  }
0x1a: {  	s8 =	sadd.s32 $0xFFFFE003, lr  }
0x1b: {  	s9 =	sadd.s32 $0xFFFFFEF7, lr;
	s5 =	simm.s32 $0xFFFFFFFF;
	p2 =	slt.u32 s8, $0xFFFFF086  }
0x1c: {  	p1 =	slt.u32 s9, $0xF7A;
	s5 =	simm.s32 @!p2 $0x0  }
0x1d: {  	s5 =	simm.s32 @p1 $0x1;
	p0 =	seq.s32 s7, s2  }
0x1e: {  	s7 =	smul.u32 @!p0 $0xF7A, s2;
	p2 =	seq.s32 @!p0 s5, $0x0  }
0x1f: {  	s9 =	smul.u32 $0xF7A, s1;
	s8 =	simm.s32 @!p0 $0x1BF5;
	p2 =	por !p2, p0  }
0x20: {  	[sflag:s8] =	ssyncset.s32 @!p0 $0xFFFFF086;
	s6 =	sadd.s32 @!p0 s3, s7;
	s7 =	simm.s32 @!p0 $0x108  }
0x21: {  	s3 =	sadd.s32 s3, s9;
	s6 =	sadd.s32 @!p0 $0x88, s6;
	s7 =	simm.s32 @p2 $0x1082  }
0x22: {  	[simem:s7], [sflag:s8] =	dma.local @!p0 [hbm:s6], $0xF7A  }
0x23: {  	s9 =	sor.u32 $0xD0000000, s2;
	s6 =	simm.s32 $0x108;
	_ =	swait.ge @!p0 [sflag:s8], $0x0  }
0x24: {  	s3 =	sadd.s32 $0x88, s3;
	s6 =	simm.s32 @!p1 $0x1082;
	[sflag:s4] =	ssyncset.s32 $0xFFFFF086  }
0x25: {  	[simem:s6], [sflag:s4] =	dma.local [hbm:s3], $0xF7A  }
0x26: {  	[smem:$0x3F99] =	sst s1;
	(tag) =	ssettag s2;
	_ =	strace s9  }
0x27: {  	s1 =	sld [smem:$0x3FA9]  }
0x28: {  	s2 =	sld [smem:$0x3FAA]  }
0x29: {  	s4 =	sld [smem:$0x3FAC]  }
0x2a: {  	p0 =	seq.s32 s5, $0x0;
	s5 =	sld [smem:$0x3FAD]  }
0x2b: {  	s6 =	sld [smem:$0x3FAE]  }
0x2c: {  	s7 =	sld [smem:$0x3FAF]  }
0x2d: {  	s3 =	simm.s32 $0x108;
	s8 =	sld [smem:$0x3FB0]  }
0x2e: {  	s3 =	simm.s32 @!p0 $0x1082;
	s9 =	sld [smem:$0x3FB1]  }
0x2f: {  	lr =	sadd.s32 s0, s3;
	s0 =	sld [smem:$0x3FA8]  }
0x30: {  	s3 =	sld [smem:$0x3FAB]  }
0x31: {  	[smem:$0x3FB4] =	sst s10  }
0x32: {  	s10 =	sld [smem:$0x3FB2];
	_ =	sdelay $0x3  }
0x33: {  	p0 =	seq.s32 s10, $0x1;
	s10 =	sld [smem:$0x3FB4];
	_ =	sdelay $0x3  }
0x34: {  	[smem:$0x3FB4] =	sst s10  }
0x35: {  	s10 =	sld [smem:$0x3FB3];
	_ =	sdelay $0x3  }
0x36: {  	p1 =	seq.s32 s10, $0x1;
	s10 =	sld [smem:$0x3FB4];
	_ =	sdelay $0x3  }
0x37: {  	[smem:$0x3FB4] =	sst s10  }
0x38: {  	s10 =	sld [smem:$0x3FB5]  }
0x39: {  	_ = 	snop;
	(pc) =	sbr.ind lr, $3  }
0x3a: {  	_ = 	snop  }
0x3b: {  	_ = 	snop  }
0x3c: {  	p2 =	seq.s32 s10, $0x1;
	s10 =	sld [smem:$0x3FB4]  }
0x3d: {  	_ =	shalt  }
0x3e: {  	_ =	shalt  }
0x3f: {  	_ =	shalt  }
0x40: {  	_ =	shalt  }
0x41: {  	_ =	shalt  }
0x42: {  	_ =	shalt  }
0x43: {  	_ =	shalt  }
0x44: {  	_ =	shalt  }
0x45: {  	_ =	shalt  }
0x46: {  	_ =	shalt  }
0x47: {  	_ =	shalt  }
0x48: {  	_ =	shalt  }
0x49: {  	_ =	shalt  }
0x4a: {  	_ =	shalt  }
0x4b: {  	_ =	shalt  }
0x4c: {  	_ =	shalt  }
0x4d: {  	_ =	shalt  }
0x4e: {  	_ =	shalt  }
0x4f: {  	_ =	shalt  }
0x50: {  	_ =	shalt  }
0x51: {  	_ =	shalt  }
0x52: {  	_ =	shalt  }
0x53: {  	_ =	shalt  }
0x54: {  	_ =	shalt  }
0x55: {  	_ =	shalt  }
0x56: {  	_ =	shalt  }
0x57: {  	_ =	shalt  }
0x58: {  	_ =	shalt  }
0x59: {  	_ =	shalt  }
0x5a: {  	_ =	shalt  }
0x5b: {  	_ =	shalt  }
0x5c: {  	_ =	shalt  }
0x5d: {  	_ =	shalt  }
0x5e: {  	_ =	shalt  }
0x5f: {  	_ =	shalt  }
0x60: {  	_ =	shalt  }
0x61: {  	_ =	shalt  }
0x62: {  	_ =	shalt  }
0x63: {  	_ =	shalt  }
0x64: {  	_ =	shalt  }
0x65: {  	_ =	shalt  }
0x66: {  	_ =	shalt  }
0x67: {  	_ =	shalt  }
0x68: {  	_ =	shalt  }
0x69: {  	_ =	shalt  }
0x6a: {  	_ =	shalt  }
0x6b: {  	_ =	shalt  }
0x6c: {  	_ =	shalt  }
0x6d: {  	_ =	shalt  }
0x6e: {  	_ =	shalt  }
0x6f: {  	_ =	shalt  }
0x70: {  	_ =	shalt  }
0x71: {  	_ =	shalt  }
0x72: {  	_ =	shalt  }
0x73: {  	_ =	shalt  }
0x74: {  	_ =	shalt  }
0x75: {  	_ =	shalt  }
0x76: {  	_ =	shalt  }
0x77: {  	_ =	shalt  }
0x78: {  	_ =	shalt  }
0x79: {  	_ =	shalt  }
0x7a: {  	_ =	shalt  }
0x7b: {  	_ =	shalt  }
0x7c: {  	_ =	shalt  }
0x7d: {  	_ =	shalt  }
0x7e: {  	_ =	shalt  }
0x7f: {  	_ =	shalt  }
0x80: {  	_ =	shalt  }
0x81: {  	_ =	shalt  }
0x82: {  	_ =	shalt  }
0x83: {  	_ =	shalt  }
0x84: {  	_ =	shalt  }
0x85: {  	_ =	shalt  }
0x86: {  	_ =	shalt  }
0x87: {  	_ =	shalt  }
.Lfunc_end0:
.L_simem_size_0:
called_computation.1_lowered:
.L_overlay_start_0:
0x88: {  	s2 =	sld [smem:$0x3FD9]  }
0x89: {  	s3 =	sld [smem:$0x3FFE];
	_ =	sdelay $0x1  }
0x8a: {  	s1 =	srdreg.scid  }
0x8b: {  	s0 =	sand.u32 $0x1, s1  }
0x8c: {  	s17 =	sshll.u32 s0, $0xA;
	s2 =	sadd.s32 s3, s2  }
0x8d: {  	s2 =	sadd.s32 s2, s17  }
0x8e: {  	[smem:$0x3FC0] =	sst s2  }
0x8f: {  	_ = 	snop  }
0x90: {  	s2 =	sld [smem:$0x3FD0];
	(tm) =	ssettm $0x1  }
0x91: {  	s18 =	sld [smem:$0x3FFB];
	_ =	sdelay $0x3  }
0x92: {  	_ =	strace s18  }
0x93: {  	s3 =	sld [smem:$0x3FFC];
	_ =	sdelay $0x3  }
0x94: {  	_ =	strace s3  }
0x95: {  	s3 =	sld [smem:$0x3FFD];
	_ =	sdelay $0x3  }
0x96: {  	_ =	strace s3  }
0x97: {  	_ =	strace $0x8FFFFFFF  }
0x98: {  	s19 =	sld [smem:$0x3FDB];
	_ =	sdelay $0x1  }
0x99: {  	s4 =	simm.s32 $_scs_section_size  }
0x9a: {  	s5 =	simm.s32 $_size__tile_overlayer_lowered;
	s6 =	simm.s32 $_tile_overlayer_lowered  }
0x9b: {  	s22 =	simm.s32 $0x1BFF;
	s21 =	sshll.u32 s6, $0x1;
	s3 =	sadd.s32 s4, s19  }
0x9c: {  	s7 =	simm.s32 $0x0;
	s20 =	sshll.u32 s5, $0x1;
	s5 =	sadd.s32 s21, s3  }
0x9d: {  	[timem:s7], [sflag:s22] =	dma.local [hbm:s5], s20  }
0x9e: {  	_ =	swait.ge [sflag:s22], s20  }
0x9f: {  	s4 =	ssub.s32 $0x0, s20;
	[sflag:s22] =	ssyncset.done $0x0  }
0xa0: {  	[sflag:s22] =	ssyncadd.s32 s4;
	_ =	sdelay $0x1  }
0xa1: {  	s23 =	simm.s32 $0x1B8B  }
0xa2: {  	_ =	swait.ge [sflag:s23], $0x1  }
0xa3: {  	[sflag:s23] =	ssyncset.done $0x0  }
0xa4: {  	s25 =	simm.s32 $0x1B8E;
	s24 =	sld [smem:$0x3FFE];
	[sflag:s23] =	ssyncadd.s32 $0xFFFFFFFF  }
0xa5: {  	s26 =	simm.s32 $execute0_lowered;
	[smem:$0x3FD2] =	sst s25  }
0xa6: {  	s5 =	sshll.u32 s26, $0x1;
	_ =	strace $0x80000046;
	[dreg:$0x1] =	wrdreg $0xFFFFFFFF  }
0xa7: {  	s28 =	simm.s32 $_size_execute0_lowered;
	s3 =	sadd.s32 s3, s5;
	[dreg:$0x0] =	wrdreg $0x0  }
0xa8: {  	s5 =	sshll.u32 s28, $0x1;
	[dreg:$0x2] =	wrdreg s3  }
0xa9: {  	[dreg:$0x3] =	wrdreg s5  }
0xaa: {  	[dreg:$0x4] =	wrdreg $0xC0  }
0xab: {  	_ =	task [dreg:s7], $0x5FFFF  }
0xac: {  	[dreg:$0x1] =	wrdreg $0xFFFFFFFF  }
0xad: {  	[dreg:$0x0] =	wrdreg $0x60  }
0xae: {  	[dreg:$0x2] =	wrdreg s24  }
0xaf: {  	[dreg:$0x3] =	wrdreg s2  }
0xb0: {  	[dreg:$0x4] =	wrdreg $0xA  }
0xb1: {  	_ =	task.clear_ibuf [dreg:s7], $0x5FFFF;
	_ =	strace $0x90000046  }
0xb2: {  	s29 =	simm.s32 $0xA;
	_ =	strace $0x80000048  }
0xb3: {  	_ =	swait.ge [sflag:s29], $0x1  }
0xb4: {  	[sflag:s29] =	ssyncadd.s32 $0xFFFFFFFF  }
0xb5: {  	_ =	strace $0x90000048  }
0xb6: {  	_ =	sfence  }
0xb7: {  	s30 =	sld [smem:$0x0];
	_ =	sdelay $0x2  }
0xb8: {  	s31 =	sshll.u32 s1, $0xD;
	s1 =	sshrl.u32 s1, $0x2  }
0xb9: {  	s3 =	sand.u32 $0x4000, s31;
	s1 =	sadd.s32 s1, s30  }
0xba: {  	s0 =	sor.u32 s3, s0;
	s1 =	sshll.u32 s1, $0x11  }
0xbb: {  	s0 =	sor.u32 s1, s0  }
0xbc: {  	s0 =	sadd.s32 $0x8F2B, s0  }
0xbd: {  	[sflag:s0] =	ssyncadd.remote.s32 $0x1  }
0xbe: {  	_ =	sfence.sel $0xFFFF  }
0xbf: {  	[dreg:$0x0] =	wrdreg $0xFFFFFFFF;
	(pc) =	sbr.abs _section_cstart, $3  }
0xc0: {  	[dreg:$0x1] =	wrdreg $0xFFFFFFFF  }
0xc1: {  	_ =	task.clear_ibuf [dreg:s7], $0x2FFFF;
	_ =	strace $0x9FFFFFFF  }
0xc2: {  	(tm) =	ssettm $0x7FFFFFFF  }
0xc3: {  	_ =	shalt  }
tec
execute0_lowered:
.L_overlay_start_1:
0x0: {  	(tag) =	ssettag $0x1  }
0x1: {  	s5 =	rddreg [dreg:$0x0]  }
0x2: {  	s2 =	rddreg [dreg:$0x1];
	s4 =	srdreg.scid  }
0x3: {  	s0 =	stileid.u32;
	s3 =	simm.s32 $0x0;
	s19 =	simm.s32 $0x4100  }
0x4: {  	s20 =	simm.s32 $0x1;
	s21 =	simm.s32 $0x2;
	s22 =	simm.s32 $0x3  }
0x5: {  	s23 =	simm.s32 $0x4;
	s28 =	simm.s32 $0x0;
	s12 =	smul.u32 $0xA2800, s0  }
0x6: {  	s8 =	sand.u32 $0x1, s4;
	s24 =	sshll.u32 s0, $0x1;
	s15 =	smul.u32 $0x1450, s0  }
0x7: {  	[smem:$0x7FF] =	sst s3;
	s4 =	sadd.s32 $0x3200, s5;
	s14 =	smul.u32 $0x51400, s8  }
0x8: {  	s13 =	sadd.s32 $0x2A400, s5;
	s6 =	sor.u32 s8, s24;
	s18 =	smul.u32 $0xA28, s8  }
0x9: {  	_ =	strace $0x80000047;
	s7 =	ssub.s32 $0x2, s8;
	s9 =	smul.u32 $0xA28, s6  }
0xa: {  	s24 =	simm.s32 $0x8100;
	s10 =	sshrl.u32 s7, $0x1;
	s6 =	smul.u32 $0x51400, s6  }
0xb: {  	s11 =	ssub.s32 s7, s10;
	s12 =	sadd.s32 s14, s12;
	s30 =	sadd.s32 s18, s15  }
0xc: {  	s18 =	simm.s32 $0x4080;
	s25 =	sshrl.u32 s9, $0x3;
	s26 =	sshrl.u32 s6, $0x3  }
0xd: {  	s9 =	sadd.s32 $0xA00, s9;
	s11 =	smax.u32 s11, $0x1;
	s12 =	sshrl.u32 s12, $0x3  }
0xe: {  	s15 =	sadd.s32 $0x180, s30;
	s31 =	sshll.u32 s30, $0x4;
	s14 =	sadd.s32 $0x100, s30  }
0xf: {  	s5 =	sadd.s32 s2, s25;
	s29 =	sadd.s32 s13, s26;
	s16 =	sshrl.u32 s9, $0x3  }
0x10: {  	s17 =	sshll.u32 s9, $0x4;
	s12 =	sadd.s32 s12, s13;
	s15 =	sshrl.u32 s15, $0x3  }
0x11: {  	s25 =	simm.s32 $0x28;
	s26 =	simm.s32 $0x8128;
	s6 =	sadd.s32 $0x10, s5  }
0x12: {  	s7 =	sadd.s32 $0x9000, s29;
	s8 =	sadd.s32 $0x9800, s29;
	s9 =	sadd.s32 s2, s16  }
0x13: {  	s10 =	sadd.s32 s13, s17;
	s16 =	sadd.s32 s13, s31;
	s13 =	sadd.s32 s15, s2  }
0x14: {  	s17 =	simm.s32 $0x80;
	s15 =	sadd.s32 $0x800, s16;
	s16 =	simm.s32 $0x5  }
.LBB2_1:
0x15: {  	[tilespmem:s3], [sflag:$0x5] =	stream.linear.gather [hbm4b:s5+s3], $0x80, $0x38;
	[tilespmem:$0x9528] =	vst v63  }
0x16: {  	_ =	swait.ge [sflag:s16], $0x80  }
0x17: {  	[sflag:s16] =	ssyncset.done $0x0  }
0x18: {  	[sflag:s16] =	ssyncadd.s32 $0xFFFFFF80  }
0x19: {  	[tilespmem:s17], [sflag:$0x1] =	stream.indirect.gather [hbm4b:s4+s17], $0x80, s3, s17, $0xb8;
	[tilespmem:$0x9528] =	vst v63  }
0x1a: {  	_ = 	snop  }
0x1b: {  	[tilespmem:s18], [sflag:$0x5] =	stream.linear.gather [hbm4b:s6+s3], $0x80, $0x38;
	[tilespmem:$0x9528] =	vst v63  }
0x1c: {  	_ =	swait.ge [sflag:s16], $0x80  }
0x1d: {  	[sflag:s16] =	ssyncset.done $0x0  }
0x1e: {  	[sflag:s16] =	ssyncadd.s32 $0xFFFFFF80  }
0x1f: {  	[tilespmem:s19], [sflag:$0x2] =	stream.indirect.gather [hbm4b:s4+s17], $0x80, s18, s17, $0xb8;
	[tilespmem:$0x9528] =	vst v63  }
0x20: {  	_ =	swait.ge [sflag:s20], $0x4000  }
0x21: {  	[sflag:s20] =	ssyncset.done $0x0  }
0x22: {  	s29 =	sadd.s32 $0x0, s12;
	[sflag:s20] =	ssyncadd.s32 $0xFFFFC000  }
0x23: {  	[hbm4b:s29+s3] =	stream.linear.scatter [tilespmem:s17], [sflag:$0x3], $0x4000, $0x38;
	[tilespmem:$0x9528] =	vst v63  }
0x24: {  	_ =	swait.ge [sflag:s21], $0x4000  }
0x25: {  	[sflag:s21] =	ssyncset.done $0x0  }
0x26: {  	s29 =	sadd.s32 $0x0, s15;
	[sflag:s21] =	ssyncadd.s32 $0xFFFFC000  }
0x27: {  	[hbm4b:s29+s3] =	stream.linear.scatter [tilespmem:s19], [sflag:$0x4], $0x4000, $0x38;
	[tilespmem:$0x9528] =	vst v63  }
0x28: {  	_ =	swait.ge [sflag:s22], $0x4000  }
0x29: {  	s29 =	sshrl.u32 s14, $0x3;
	[sflag:s22] =	ssyncset.done $0x0  }
0x2a: {  	s29 =	sadd.s32 s2, s29;
	[sflag:s22] =	ssyncadd.s32 $0xFFFFC000  }
0x2b: {  	[tilespmem:s3], [sflag:$0x5] =	stream.linear.gather [hbm4b:s29+s3], $0x80, $0x38;
	[tilespmem:$0x9528] =	vst v63  }
0x2c: {  	_ =	swait.ge [sflag:s16], $0x80  }
0x2d: {  	[sflag:s16] =	ssyncset.done $0x0  }
0x2e: {  	[sflag:s16] =	ssyncadd.s32 $0xFFFFFF80  }
0x2f: {  	[tilespmem:s17], [sflag:$0x1] =	stream.indirect.gather [hbm4b:s4+s17], $0x80, s3, s17, $0xb8;
	[tilespmem:$0x9528] =	vst v63  }
0x30: {  	_ =	swait.ge [sflag:s23], $0x4000  }
0x31: {  	[sflag:s23] =	ssyncset.done $0x0  }
0x32: {  	[sflag:s23] =	ssyncadd.s32 $0xFFFFC000  }
0x33: {  	[tilespmem:s18], [sflag:$0x5] =	stream.linear.gather [hbm4b:s13+s3], $0x80, $0x38;
	[tilespmem:$0x9528] =	vst v63  }
0x34: {  	_ =	swait.ge [sflag:s16], $0x80  }
0x35: {  	s30 =	sadd.s32 $0x20, s13;
	[sflag:s16] =	ssyncset.done $0x0  }
0x36: {  	s31 =	sadd.s32 $0x100, s14;
	s29 =	simm.s32 $0x1000;
	[sflag:s16] =	ssyncadd.s32 $0xFFFFFF80  }
.LBB2_2:
0x37: {  	[tilespmem:s19], [sflag:$0x2] =	stream.indirect.gather [hbm4b:s4+s17], $0x80, s18, s17, $0xb8;
	[tilespmem:$0x9528] =	vst v63  }
0x38: {  	s0 =	smov.u32 s29  }
0x39: {  	p0 =	sne.s32 s29, $0x8000;
	s29 =	sadd.s32 $0x1000, s29;
	_ =	swait.ge [sflag:s20], $0x4000  }
0x3a: {  	[sflag:s20] =	ssyncset.done $0x0  }
0x3b: {  	s1 =	sadd.s32 s0, s12;
	[sflag:s20] =	ssyncadd.s32 $0xFFFFC000  }
0x3c: {  	[hbm4b:s1+s3] =	stream.linear.scatter [tilespmem:s17], [sflag:$0x3], $0x4000, $0x38;
	[tilespmem:$0x9528] =	vst v63  }
0x3d: {  	_ =	swait.ge [sflag:s21], $0x4000  }
0x3e: {  	[sflag:s21] =	ssyncset.done $0x0  }
0x3f: {  	s0 =	sadd.s32 s0, s15;
	[sflag:s21] =	ssyncadd.s32 $0xFFFFC000  }
0x40: {  	[hbm4b:s0+s3] =	stream.linear.scatter [tilespmem:s19], [sflag:$0x4], $0x4000, $0x38;
	[tilespmem:$0x9528] =	vst v63  }
0x41: {  	_ =	swait.ge [sflag:s22], $0x4000  }
0x42: {  	s0 =	sshrl.u32 s31, $0x3;
	[sflag:s22] =	ssyncset.done $0x0  }
0x43: {  	s0 =	sadd.s32 s2, s0;
	[sflag:s22] =	ssyncadd.s32 $0xFFFFC000  }
0x44: {  	[tilespmem:s3], [sflag:$0x5] =	stream.linear.gather [hbm4b:s0+s3], $0x80, $0x38;
	[tilespmem:$0x9528] =	vst v63  }
0x45: {  	_ =	swait.ge [sflag:s16], $0x80  }
0x46: {  	[sflag:s16] =	ssyncset.done $0x0  }
0x47: {  	[sflag:s16] =	ssyncadd.s32 $0xFFFFFF80  }
0x48: {  	[tilespmem:s17], [sflag:$0x1] =	stream.indirect.gather [hbm4b:s4+s17], $0x80, s3, s17, $0xb8;
	[tilespmem:$0x9528] =	vst v63  }
0x49: {  	_ =	swait.ge [sflag:s23], $0x4000  }
0x4a: {  	[sflag:s23] =	ssyncset.done $0x0  }
.Ltmp0:
0x4b: {  	[sflag:s23] =	ssyncadd.s32 $0xFFFFC000;
	(pc) =	sbr.rel @p0 .LBB2_2-.Ltmp0, $4  }
0x4c: {  	[tilespmem:s18], [sflag:$0x5] =	stream.linear.gather [hbm4b:s30+s3], $0x80, $0x38;
	[tilespmem:$0x9528] =	vst v63  }
0x4d: {  	_ =	swait.ge [sflag:s16], $0x80  }
0x4e: {  	[sflag:s16] =	ssyncset.done $0x0  }
0x4f: {  	s31 =	sadd.s32 $0x100, s31;
	s30 =	sadd.s32 $0x20, s30;
	[sflag:s16] =	ssyncadd.s32 $0xFFFFFF80  }
0x50: {  	[tilespmem:s19], [sflag:$0x2] =	stream.indirect.gather [hbm4b:s4+s17], $0x80, s18, s17, $0xb8;
	[tilespmem:$0x9528] =	vst v63  }
0x51: {  	_ =	swait.ge [sflag:s20], $0x4000  }
0x52: {  	[sflag:s20] =	ssyncset.done $0x0  }
0x53: {  	[sflag:s20] =	ssyncadd.s32 $0xFFFFC000  }
0x54: {  	[hbm4b:s7+s3] =	stream.linear.scatter [tilespmem:s17], [sflag:$0x3], $0x4000, $0x38;
	[tilespmem:$0x9528] =	vst v63  }
0x55: {  	_ =	swait.ge [sflag:s21], $0x4000  }
0x56: {  	[sflag:s21] =	ssyncset.done $0x0  }
0x57: {  	[sflag:s21] =	ssyncadd.s32 $0xFFFFC000  }
0x58: {  	[hbm4b:s8+s3] =	stream.linear.scatter [tilespmem:s19], [sflag:$0x4], $0x4000, $0x38;
	[tilespmem:$0x9528] =	vst v63  }
0x59: {  	_ = 	snop  }
0x5a: {  	[tilespmem:s24], [sflag:$0x5] =	stream.linear.gather [hbm4b:s9+s3], $0x28, $0x38;
	[tilespmem:$0x9528] =	vst v63  }
0x5b: {  	_ =	swait.ge [sflag:s16], $0x28  }
0x5c: {  	[sflag:s16] =	ssyncset.done $0x0  }
0x5d: {  	[sflag:s16] =	ssyncadd.s32 $0xFFFFFFD8  }
0x5e: {  	[tilespmem:s26], [sflag:$0x1] =	stream.indirect.gather [hbm4b:s4+s25], $0x80, s24, s25, $0xb8;
	[tilespmem:$0x9528] =	vst v63  }
0x5f: {  	_ =	swait.ge [sflag:s20], $0x1400  }
0x60: {  	[sflag:s20] =	ssyncset.done $0x0  }
0x61: {  	[sflag:s20] =	ssyncadd.s32 $0xFFFFEC00  }
0x62: {  	[hbm4b:s10+s3] =	stream.linear.scatter [tilespmem:s26], [sflag:$0x5], $0x1400, $0x38;
	[tilespmem:$0x9528] =	vst v63  }
0x63: {  	_ =	swait.ge [sflag:s16], $0x1400  }
0x64: {  	[sflag:s16] =	ssyncset.done $0x0  }
0x65: {  	s28 =	sadd.s32 $0x1, s28;
	[sflag:s16] =	ssyncadd.s32 $0xFFFFEC00  }
0x66: {  	p0 =	sne.s32 s28, s11;
	_ =	swait.ge [sflag:s23], $0x4000  }
.Ltmp1:
0x67: {  	[sflag:s23] =	ssyncset.done $0x0;
	(pc) =	sbr.rel @p0 .LBB2_1-.Ltmp1, $4  }
0x68: {  	[sflag:s23] =	ssyncadd.s32 $0xFFFFC000  }
0x69: {  	_ =	swait.ge [sflag:s22], $0x4000  }
0x6a: {  	[sflag:s22] =	ssyncset.done $0x0  }
0x6b: {  	[sflag:s22] =	ssyncadd.s32 $0xFFFFC000  }
0x6c: {  	_ =	sfence.sel $0x180000  }
0x6d: {  	[bflag:$0x0] =	sbarrier.arrive $0xFFFF  }
0x6e: {  	_ =	strace $0x90000047  }
0x6f: {  	s0 =	stileid.u32;
	[bflag:$0x2] =	sbarrier.arrive $0xFFFF  }
0x70: {  	p0 =	sne.s32 s0, $0x0;
	s0 =	rddreg [dreg:$0x2]  }
0x71: {  	s0 =	sadd.s32 @!p0 $0x100000, s0  }
0x72: {  	[sflag:s0] =	ssyncadd.tile.s32 @!p0 $0x1;
	_ =	shalt  }
.Lfunc_end2:
_tile_overlayer_lowered:
.L_overlay_start_2:
0x73: {  	(tag) =	ssettag $0x2  }
0x74: {  	s0 =	rddreg [dreg:$0x0];
	s2 =	stileid.u32  }
0x75: {  	s1 =	rddreg [dreg:$0x1];
	p0 =	sne.s32 s2, $0x0  }
0x76: {  	s3 =	rddreg [dreg:$0x2];
	[bflag:$0x3] =	sbarrier.arrive $0xFFFF;
	s2 =	simm.s32 @!p0 $0x1C05  }
0x77: {  	[timem:s3], [sflag:s2] =	dma.local @!p0 [hbm:s0], s1  }
0x78: {  	s0 =	simm.s32 @!p0 $0x5  }
0x79: {  	_ =	swait.ge @!p0 [sflag:s0], s1  }
0x7a: {  	s1 =	ssub.s32 @!p0 $0x0, s1;
	[sflag:s0] =	ssyncset.done @!p0 $0x0  }
0x7b: {  	[sflag:s0] =	ssyncadd.s32 @!p0 s1  }
0x7c: {  	[bflag:$0x3] =	sbarrier.arrive $0xFFFF  }
0x7d: {  	_ =	shalt  }

// kernel: kernel.15.cloned.1.call-start
scs
__scs_entry_jumppad:
0x0: {  	(pc) =	sbr.rel $0x88, $3  }
0x1: {  	(tag) =	ssettag $0x0;
	lr =	simm.s32 $0x1  }
0x2: {  	[smem:$0x3F99] =	sst lr;
	_ =	strace $0xD0000000  }
0x3: {  	_ = 	snop  }
0x4: {  	_ = 	snop  }
0x5: {  	_ = 	snop  }
0x6: {  	_ = 	snop  }
0x7: {  	_ = 	snop  }
__scs_overlays_trampoline_lowered:
0x8: {  	[smem:$0x3FA8] =	sst s0  }
0x9: {  	[smem:$0x3FA9] =	sst s1  }
0xa: {  	[smem:$0x3FAA] =	sst s2  }
0xb: {  	[smem:$0x3FAB] =	sst s3  }
0xc: {  	[smem:$0x3FAC] =	sst s4  }
0xd: {  	[smem:$0x3FAD] =	sst s5  }
0xe: {  	[smem:$0x3FAE] =	sst s6  }
0xf: {  	[smem:$0x3FAF] =	sst s7  }
0x10: {  	[smem:$0x3FB0] =	sst s8  }
0x11: {  	[smem:$0x3FB1] =	sst s9;
	s0 =	simm.s32 @!p0 $0x0  }
0x12: {  	s1 =	sld [smem:$0x3F97];
	s0 =	simm.s32 @p0 $0x1  }
0x13: {  	[smem:$0x3FB2] =	sst s0;
	s0 =	simm.s32 @!p1 $0x0  }
0x14: {  	s2 =	sld [smem:$0x3F96];
	s0 =	simm.s32 @p1 $0x1  }
0x15: {  	[smem:$0x3FB3] =	sst s0;
	s0 =	simm.s32 @!p2 $0x0  }
0x16: {  	s3 =	sld [smem:$0x3FDB];
	s0 =	simm.s32 @p2 $0x1  }
0x17: {  	s4 =	simm.s32 $0x1BF5;
	[smem:$0x3FB5] =	sst s0  }
0x18: {  	s0 =	sld [smem:$0x3F98];
	_ =	swait.ge [sflag:s4], $0x0  }
0x19: {  	s7 =	sld [smem:$0x3F99]  }
0x1a: {  	s8 =	sadd.s32 $0xFFFFE003, lr  }
0x1b: {  	s9 =	sadd.s32 $0xFFFFFEF7, lr;
	s5 =	simm.s32 $0xFFFFFFFF;
	p2 =	slt.u32 s8, $0xFFFFF086  }
0x1c: {  	p1 =	slt.u32 s9, $0xF7A;
	s5 =	simm.s32 @!p2 $0x0  }
0x1d: {  	s5 =	simm.s32 @p1 $0x1;
	p0 =	seq.s32 s7, s2  }
0x1e: {  	s7 =	smul.u32 @!p0 $0xF7A, s2;
	p2 =	seq.s32 @!p0 s5, $0x0  }
0x1f: {  	s9 =	smul.u32 $0xF7A, s1;
	s8 =	simm.s32 @!p0 $0x1BF5;
	p2 =	por !p2, p0  }
0x20: {  	[sflag:s8] =	ssyncset.s32 @!p0 $0xFFFFF086;
	s6 =	sadd.s32 @!p0 s3, s7;
	s7 =	simm.s32 @!p0 $0x108  }
0x21: {  	s3 =	sadd.s32 s3, s9;
	s6 =	sadd.s32 @!p0 $0x88, s6;
	s7 =	simm.s32 @p2 $0x1082  }
0x22: {  	[simem:s7], [sflag:s8] =	dma.local @!p0 [hbm:s6], $0xF7A  }
0x23: {  	s9 =	sor.u32 $0xD0000000, s2;
	s6 =	simm.s32 $0x108;
	_ =	swait.ge @!p0 [sflag:s8], $0x0  }
0x24: {  	s3 =	sadd.s32 $0x88, s3;
	s6 =	simm.s32 @!p1 $0x1082;
	[sflag:s4] =	ssyncset.s32 $0xFFFFF086  }
0x25: {  	[simem:s6], [sflag:s4] =	dma.local [hbm:s3], $0xF7A  }
0x26: {  	[smem:$0x3F99] =	sst s1;
	(tag) =	ssettag s2;
	_ =	strace s9  }
0x27: {  	s1 =	sld [smem:$0x3FA9]  }
0x28: {  	s2 =	sld [smem:$0x3FAA]  }
0x29: {  	s4 =	sld [smem:$0x3FAC]  }
0x2a: {  	p0 =	seq.s32 s5, $0x0;
	s5 =	sld [smem:$0x3FAD]  }
0x2b: {  	s6 =	sld [smem:$0x3FAE]  }
0x2c: {  	s7 =	sld [smem:$0x3FAF]  }
0x2d: {  	s3 =	simm.s32 $0x108;
	s8 =	sld [smem:$0x3FB0]  }
0x2e: {  	s3 =	simm.s32 @!p0 $0x1082;
	s9 =	sld [smem:$0x3FB1]  }
0x2f: {  	lr =	sadd.s32 s0, s3;
	s0 =	sld [smem:$0x3FA8]  }
0x30: {  	s3 =	sld [smem:$0x3FAB]  }
0x31: {  	[smem:$0x3FB4] =	sst s10  }
0x32: {  	s10 =	sld [smem:$0x3FB2];
	_ =	sdelay $0x3  }
0x33: {  	p0 =	seq.s32 s10, $0x1;
	s10 =	sld [smem:$0x3FB4];
	_ =	sdelay $0x3  }
0x34: {  	[smem:$0x3FB4] =	sst s10  }
0x35: {  	s10 =	sld [smem:$0x3FB3];
	_ =	sdelay $0x3  }
0x36: {  	p1 =	seq.s32 s10, $0x1;
	s10 =	sld [smem:$0x3FB4];
	_ =	sdelay $0x3  }
0x37: {  	[smem:$0x3FB4] =	sst s10  }
0x38: {  	s10 =	sld [smem:$0x3FB5]  }
0x39: {  	_ = 	snop;
	(pc) =	sbr.ind lr, $3  }
0x3a: {  	_ = 	snop  }
0x3b: {  	_ = 	snop  }
0x3c: {  	p2 =	seq.s32 s10, $0x1;
	s10 =	sld [smem:$0x3FB4]  }
0x3d: {  	_ =	shalt  }
0x3e: {  	_ =	shalt  }
0x3f: {  	_ =	shalt  }
0x40: {  	_ =	shalt  }
0x41: {  	_ =	shalt  }
0x42: {  	_ =	shalt  }
0x43: {  	_ =	shalt  }
0x44: {  	_ =	shalt  }
0x45: {  	_ =	shalt  }
0x46: {  	_ =	shalt  }
0x47: {  	_ =	shalt  }
0x48: {  	_ =	shalt  }
0x49: {  	_ =	shalt  }
0x4a: {  	_ =	shalt  }
0x4b: {  	_ =	shalt  }
0x4c: {  	_ =	shalt  }
0x4d: {  	_ =	shalt  }
0x4e: {  	_ =	shalt  }
0x4f: {  	_ =	shalt  }
0x50: {  	_ =	shalt  }
0x51: {  	_ =	shalt  }
0x52: {  	_ =	shalt  }
0x53: {  	_ =	shalt  }
0x54: {  	_ =	shalt  }
0x55: {  	_ =	shalt  }
0x56: {  	_ =	shalt  }
0x57: {  	_ =	shalt  }
0x58: {  	_ =	shalt  }
0x59: {  	_ =	shalt  }
0x5a: {  	_ =	shalt  }
0x5b: {  	_ =	shalt  }
0x5c: {  	_ =	shalt  }
0x5d: {  	_ =	shalt  }
0x5e: {  	_ =	shalt  }
0x5f: {  	_ =	shalt  }
0x60: {  	_ =	shalt  }
0x61: {  	_ =	shalt  }
0x62: {  	_ =	shalt  }
0x63: {  	_ =	shalt  }
0x64: {  	_ =	shalt  }
0x65: {  	_ =	shalt  }
0x66: {  	_ =	shalt  }
0x67: {  	_ =	shalt  }
0x68: {  	_ =	shalt  }
0x69: {  	_ =	shalt  }
0x6a: {  	_ =	shalt  }
0x6b: {  	_ =	shalt  }
0x6c: {  	_ =	shalt  }
0x6d: {  	_ =	shalt  }
0x6e: {  	_ =	shalt  }
0x6f: {  	_ =	shalt  }
0x70: {  	_ =	shalt  }
0x71: {  	_ =	shalt  }
0x72: {  	_ =	shalt  }
0x73: {  	_ =	shalt  }
0x74: {  	_ =	shalt  }
0x75: {  	_ =	shalt  }
0x76: {  	_ =	shalt  }
0x77: {  	_ =	shalt  }
0x78: {  	_ =	shalt  }
0x79: {  	_ =	shalt  }
0x7a: {  	_ =	shalt  }
0x7b: {  	_ =	shalt  }
0x7c: {  	_ =	shalt  }
0x7d: {  	_ =	shalt  }
0x7e: {  	_ =	shalt  }
0x7f: {  	_ =	shalt  }
0x80: {  	_ =	shalt  }
0x81: {  	_ =	shalt  }
0x82: {  	_ =	shalt  }
0x83: {  	_ =	shalt  }
0x84: {  	_ =	shalt  }
0x85: {  	_ =	shalt  }
0x86: {  	_ =	shalt  }
0x87: {  	_ =	shalt  }
.Lfunc_end0:
.L_simem_size_0:
called_computation.2_lowered:
.L_overlay_start_0:
0x88: {  	s2 =	sld [smem:$0x3FD9]  }
0x89: {  	s3 =	sld [smem:$0x3FFE];
	_ =	sdelay $0x1  }
0x8a: {  	s1 =	srdreg.scid  }
0x8b: {  	s0 =	sand.u32 $0x1, s1  }
0x8c: {  	s17 =	sshll.u32 s0, $0xA;
	s2 =	sadd.s32 s3, s2  }
0x8d: {  	s2 =	sadd.s32 s2, s17  }
0x8e: {  	[smem:$0x3FC0] =	sst s2  }
0x8f: {  	_ = 	snop  }
0x90: {  	(tm) =	ssettm $0x1  }
0x91: {  	s18 =	sld [smem:$0x3FFB];
	_ =	sdelay $0x3  }
0x92: {  	_ =	strace s18  }
0x93: {  	s2 =	sld [smem:$0x3FFC];
	_ =	sdelay $0x3  }
0x94: {  	_ =	strace s2  }
0x95: {  	s2 =	sld [smem:$0x3FFD];
	_ =	sdelay $0x3  }
0x96: {  	_ =	strace s2  }
0x97: {  	_ =	strace $0x8FFFFFFF  }
0x98: {  	s19 =	sld [smem:$0x3FDB];
	_ =	sdelay $0x1  }
0x99: {  	s20 =	simm.s32 $_scs_section_size  }
0x9a: {  	s4 =	simm.s32 $_size__tile_overlayer_lowered;
	s5 =	simm.s32 $_tile_overlayer_lowered  }
0x9b: {  	s6 =	simm.s32 $0x1BFF;
	s21 =	sshll.u32 s5, $0x1;
	s3 =	sadd.s32 s20, s19  }
0x9c: {  	s22 =	simm.s32 $0x0;
	s4 =	sshll.u32 s4, $0x1;
	s5 =	sadd.s32 s21, s3  }
0x9d: {  	[timem:s22], [sflag:s6] =	dma.local [hbm:s5], s4  }
0x9e: {  	_ =	swait.ge [sflag:s6], s4  }
0x9f: {  	s4 =	ssub.s32 $0x0, s4;
	[sflag:s6] =	ssyncset.done $0x0  }
0xa0: {  	[sflag:s6] =	ssyncadd.s32 s4;
	_ =	sdelay $0x1  }
0xa1: {  	s23 =	simm.s32 $0x1B8B  }
0xa2: {  	_ =	swait.ge [sflag:s23], $0x1  }
0xa3: {  	[sflag:s23] =	ssyncset.done $0x0  }
0xa4: {  	[sflag:s23] =	ssyncadd.s32 $0xFFFFFFFF  }
0xa5: {  	s4 =	sld [smem:$0x0]  }
0xa6: {  	s5 =	sand.u32 $0xFFFFFFFE, s1  }
0xa7: {  	p0 =	sne.s32 s1, s5  }
0xa8: {  	s5 =	sshll.u32 @p0 s5, $0xE  }
0xa9: {  	s5 =	sadd.s32 @p0 $0x11B8D, s5;
	s6 =	sshll.u32 @p0 s4, $0x11  }
0xaa: {  	s5 =	sor.u32 @p0 s6, s5  }
0xab: {  	[sflag:s5] =	ssyncadd.remote.s32 @p0 $0x1;
	_ =	sdelay $0x1  }
0xac: {  	s5 =	simm.s32 @p0 $0x1B8D  }
0xad: {  	_ =	swait.eq @p0 [sflag:s5], $0x1  }
0xae: {  	[sflag:s5] =	ssyncadd.s32 @p0 $0xFFFFFFFF  }
0xaf: {  	s6 =	sshll.u32 @!p0 s1, $0xE  }
0xb0: {  	s6 =	sor.u32 @!p0 $0x4000, s6;
	s5 =	simm.s32 @!p0 $0x1B8D  }
0xb1: {  	s4 =	sshll.u32 @!p0 s4, $0x11;
	s6 =	sadd.s32 @!p0 $0x11B8D, s6;
	_ =	swait.eq @!p0 [sflag:s5], $0x1  }
0xb2: {  	s4 =	sor.u32 @!p0 s4, s6;
	[sflag:s5] =	ssyncadd.s32 @!p0 $0xFFFFFFFF  }
0xb3: {  	s25 =	simm.s32 $0x1B8E;
	s24 =	sld [smem:$0x3FFE];
	[sflag:s4] =	ssyncadd.remote.s32 @!p0 $0x1  }
0xb4: {  	s26 =	simm.s32 $execute0_lowered;
	[smem:$0x3FD2] =	sst s25  }
0xb5: {  	s5 =	sshll.u32 s26, $0x1;
	_ =	strace $0x8000004F;
	[dreg:$0x1] =	wrdreg $0xFFFFFFFF  }
0xb6: {  	s28 =	simm.s32 $_size_execute0_lowered;
	s3 =	sadd.s32 s3, s5;
	[dreg:$0x0] =	wrdreg $0x0  }
0xb7: {  	s5 =	sshll.u32 s28, $0x1;
	[dreg:$0x2] =	wrdreg s3  }
0xb8: {  	[dreg:$0x3] =	wrdreg s5  }
0xb9: {  	[dreg:$0x4] =	wrdreg $0xC0  }
0xba: {  	_ =	task [dreg:s22], $0x5FFFF  }
0xbb: {  	[dreg:$0x1] =	wrdreg $0xFFFFFFFF  }
0xbc: {  	[dreg:$0x0] =	wrdreg $0x60  }
0xbd: {  	[dreg:$0x2] =	wrdreg s24  }
0xbe: {  	[dreg:$0x3] =	wrdreg $0x0  }
0xbf: {  	[dreg:$0x4] =	wrdreg $0x9  }
0xc0: {  	_ =	task.clear_ibuf [dreg:s22], $0x5FFFF;
	_ =	strace $0x9000004F  }
0xc1: {  	s29 =	simm.s32 $0x9;
	_ =	strace $0x80000051  }
0xc2: {  	_ =	swait.ge [sflag:s29], $0x1  }
0xc3: {  	[sflag:s29] =	ssyncadd.s32 $0xFFFFFFFF  }
0xc4: {  	_ =	strace $0x90000051  }
0xc5: {  	_ =	sfence  }
0xc6: {  	s30 =	sld [smem:$0x0];
	_ =	sdelay $0x2  }
0xc7: {  	s31 =	sshll.u32 s1, $0xD;
	s1 =	sshrl.u32 s1, $0x2  }
0xc8: {  	s4 =	sand.u32 $0x4000, s31;
	s1 =	sadd.s32 s1, s30  }
0xc9: {  	s0 =	sor.u32 s4, s0;
	s1 =	sshll.u32 s1, $0x11  }
0xca: {  	s0 =	sor.u32 s1, s0  }
0xcb: {  	s0 =	sadd.s32 $0x8F2B, s0  }
0xcc: {  	[sflag:s0] =	ssyncadd.remote.s32 $0x1  }
0xcd: {  	_ =	sfence.sel $0xFFFF  }
0xce: {  	[dreg:$0x0] =	wrdreg $0xFFFFFFFF;
	(pc) =	sbr.abs _section_cstart, $3  }
0xcf: {  	[dreg:$0x1] =	wrdreg $0xFFFFFFFF  }
0xd0: {  	_ =	task.clear_ibuf [dreg:s22], $0x2FFFF;
	_ =	strace $0x9FFFFFFF  }
0xd1: {  	(tm) =	ssettm $0x7FFFFFFF  }
tec
execute0_lowered:
.L_overlay_start_1:
0x0: {  	(tag) =	ssettag $0x1  }
0x1: {  	s0 =	rddreg [dreg:$0x0]  }
0x2: {  	s1 =	rddreg [dreg:$0x1];
	s3 =	srdreg.scid  }
0x3: {  	s2 =	simm.s32 $0x0;
	s13 =	stileid.u32;
	s17 =	simm.s32 $0x13880  }
0x4: {  	s18 =	simm.s32 $0x13900;
	s28 =	simm.s32 $0x5;
	s29 =	simm.s32 $0x1B9E0  }
0x5: {  	s31 =	simm.s32 $0x0;
	s4 =	sand.u32 $0x1, s3;
	s7 =	smul.u32 $0x960, s13  }
0x6: {  	[smem:$0x7FF] =	sst s2;
	s11 =	sadd.s32 $0x3E7A00, s0;
	s14 =	smul.u32 $0x9600, s13  }
0x7: {  	s3 =	sadd.s32 $0x171A00, s0;
	s8 =	sadd.s32 $0x2A400, s0;
	s5 =	smul.u32 $0x27100, s4  }
0x8: {  	p0 =	sne.s32 s13, $0x0;
	_ =	strace $0x80000050;
	s6 =	smul.u32 $0x9600, s4  }
0x9: {  	[dreg:$0x3] =	wrdreg s8;
	s19 =	ssub.s32 $0x2, s4;
	s4 =	smul.u32 $0x96000, s4  }
0xa: {  	s16 =	sshrl.u32 @!p0 s1, $0x3;
	s20 =	sshrl.u32 s19, $0x1;
	s0 =	sadd.s32 s5, s0  }
0xb: {  	s15 =	sadd.s32 s7, s6;
	s5 =	ssub.s32 s19, s20;
	s4 =	sadd.s32 s4, s11  }
0xc: {  	s19 =	simm.s32 $0x17900;
	s20 =	simm.s32 $0x17980;
	s6 =	sshrl.u32 s15, $0x3  }
0xd: {  	s21 =	sadd.s32 $0x80, s15;
	s22 =	sshll.u32 s15, $0x4;
	s9 =	sadd.s32 $0x900, s15  }
0xe: {  	s25 =	sadd.s32 s14, s4;
	s26 =	sadd.s32 $0x180, s15;
	s15 =	sadd.s32 $0x100, s15  }
0xf: {  	s6 =	sadd.s32 s3, s6;
	s23 =	sshrl.u32 s21, $0x3;
	s8 =	sshll.u32 s21, $0x4  }
0x10: {  	s10 =	sshrl.u32 s9, $0x3;
	s12 =	sshll.u32 s9, $0x4;
	s30 =	sshrl.u32 s26, $0x3  }
0x11: {  	s21 =	simm.s32 $0x1;
	s26 =	simm.s32 $0x1B980;
	[dreg:$0x4] =	wrdreg s6  }
0x12: {  	s6 =	sadd.s32 s11, s22;
	s24 =	sadd.s32 s3, s23;
	s8 =	sadd.s32 s11, s8  }
0x13: {  	s9 =	sadd.s32 s3, s10;
	s10 =	sadd.s32 s11, s12;
	s11 =	sadd.s32 $0x9F800, s0  }
0x14: {  	s12 =	smax.u32 s5, $0x1;
	s5 =	sadd.s32 $0x1800, s25;
	s14 =	sadd.s32 s30, s3  }
0x15: {  	s22 =	simm.s32 $0x80;
	s23 =	simm.s32 $0x2;
	[dreg:$0x5] =	wrdreg s6  }
0x16: {  	s25 =	simm.s32 $0x4;
	[dreg:$0x6] =	wrdreg s24;
	s24 =	simm.s32 $0x3  }
.LBB2_1:
0x17: {  	s0 =	simm.s32 @!p0 $0x1C05;
	s4 =	rddreg [dreg:$0x3]  }
0x18: {  	[spmem:s16], [sflag:s0] =	dma.local @!p0 [hbm:s4], $0x27100  }
0x19: {  	s0 =	simm.s32 @!p0 $0x5  }
0x1a: {  	_ =	swait.ge @!p0 [sflag:s0], $0x27100  }
0x1b: {  	[sflag:s0] =	ssyncset.done @!p0 $0x0  }
0x1c: {  	[sflag:s0] =	ssyncadd.s32 @!p0 $0xFFFD8F00  }
0x1d: {  	[bflag:$0x0] =	sbarrier.arrive $0xFFFF  }
0x1e: {  	s7 =	rddreg [dreg:$0x4]  }
0x1f: {  	[tilespmem:s17], [sflag:$0x1] =	stream.linear.gather [hbm4b:s7+s2], $0x80, $0x38;
	[tilespmem:$0x1E9E0] =	vst v63  }
0x20: {  	s13 =	rddreg [dreg:$0x5]  }
0x21: {  	[tilespmem:s18], [sflag:$0x1] =	stream.linear.gather [hbm4b:s13+s2], $0x4000, $0x38;
	[tilespmem:$0x1E9E0] =	vst v63  }
0x22: {  	s4 =	rddreg [dreg:$0x6]  }
0x23: {  	[tilespmem:s19], [sflag:$0x2] =	stream.linear.gather [hbm4b:s4+s2], $0x80, $0x38;
	[tilespmem:$0x1E9E0] =	vst v63  }
0x24: {  	_ = 	snop  }
0x25: {  	[tilespmem:s20], [sflag:$0x2] =	stream.linear.gather [hbm4b:s8+s2], $0x4000, $0x38;
	[tilespmem:$0x1E9E0] =	vst v63  }
0x26: {  	_ =	swait.ge [sflag:s21], $0x80  }
0x27: {  	[sflag:s21] =	ssyncset.done $0x0  }
0x28: {  	[sflag:s21] =	ssyncadd.s32 $0xFFFFFF80  }
0x29: {  	_ =	swait.ge [sflag:s21], $0x4000  }
0x2a: {  	[sflag:s21] =	ssyncset.done $0x0  }
0x2b: {  	[sflag:s21] =	ssyncadd.s32 $0xFFFFC000  }
0x2c: {  	[spmem:s1] =	stream.indirect.scatter.add.f32 [tilespmem:s18], [sflag:$0x3], $0x80, s17, s22, $0xb8;
	[tilespmem:$0x1E9E0] =	vst v63  }
0x2d: {  	_ =	swait.ge [sflag:s23], $0x80  }
0x2e: {  	[sflag:s23] =	ssyncset.done $0x0  }
0x2f: {  	[sflag:s23] =	ssyncadd.s32 $0xFFFFFF80  }
0x30: {  	_ =	swait.ge [sflag:s23], $0x4000  }
0x31: {  	[sflag:s23] =	ssyncset.done $0x0  }
0x32: {  	[sflag:s23] =	ssyncadd.s32 $0xFFFFC000  }
0x33: {  	[spmem:s1] =	stream.indirect.scatter.add.f32 [tilespmem:s20], [sflag:$0x4], $0x80, s19, s22, $0xb8;
	[tilespmem:$0x1E9E0] =	vst v63  }
0x34: {  	_ =	swait.ge [sflag:s24], $0x4000  }
0x35: {  	s6 =	sshrl.u32 s15, $0x3;
	[sflag:s24] =	ssyncset.done $0x0  }
0x36: {  	s0 =	sadd.s32 s3, s6;
	[sflag:s24] =	ssyncadd.s32 $0xFFFFC000  }
0x37: {  	[tilespmem:s17], [sflag:$0x1] =	stream.linear.gather [hbm4b:s0+s2], $0x80, $0x38;
	[tilespmem:$0x1E9E0] =	vst v63  }
0x38: {  	s7 =	sadd.s32 $0xFFFFF800, s5  }
0x39: {  	[tilespmem:s18], [sflag:$0x1] =	stream.linear.gather [hbm4b:s7+s2], $0x4000, $0x38;
	[tilespmem:$0x1E9E0] =	vst v63  }
0x3a: {  	_ =	swait.ge [sflag:s25], $0x4000  }
0x3b: {  	[sflag:s25] =	ssyncset.done $0x0  }
0x3c: {  	s30 =	sadd.s32 $0x1000, s5;
	s13 =	sadd.s32 $0x0, s14;
	[sflag:s25] =	ssyncadd.s32 $0xFFFFC000  }
0x3d: {  	[tilespmem:s19], [sflag:$0x2] =	stream.linear.gather [hbm4b:s13+s2], $0x80, $0x38;
	[tilespmem:$0x1E9E0] =	vst v63  }
0x3e: {  	s4 =	sadd.s32 $0x100, s15;
	s0 =	simm.s32 $0x20;
	s13 =	smov.u32 s5  }
.LBB2_2:
0x3f: {  	[tilespmem:s20], [sflag:$0x2] =	stream.linear.gather [hbm4b:s13+s2], $0x4000, $0x38;
	[tilespmem:$0x1E9E0] =	vst v63  }
0x40: {  	s6 =	smov.u32 s0;
	s13 =	smov.u32 s30  }
0x41: {  	p1 =	sne.s32 s0, $0xE0;
	s0 =	sadd.s32 $0x20, s0;
	_ =	swait.ge [sflag:s21], $0x80  }
0x42: {  	[sflag:s21] =	ssyncset.done $0x0  }
0x43: {  	[sflag:s21] =	ssyncadd.s32 $0xFFFFFF80  }
0x44: {  	_ =	swait.ge [sflag:s21], $0x4000  }
0x45: {  	[sflag:s21] =	ssyncset.done $0x0  }
0x46: {  	[sflag:s21] =	ssyncadd.s32 $0xFFFFC000  }
0x47: {  	[spmem:s1] =	stream.indirect.scatter.add.f32 [tilespmem:s18], [sflag:$0x3], $0x80, s17, s22, $0xb8;
	[tilespmem:$0x1E9E0] =	vst v63  }
0x48: {  	_ =	swait.ge [sflag:s23], $0x80  }
0x49: {  	[sflag:s23] =	ssyncset.done $0x0  }
0x4a: {  	[sflag:s23] =	ssyncadd.s32 $0xFFFFFF80  }
0x4b: {  	_ =	swait.ge [sflag:s23], $0x4000  }
0x4c: {  	[sflag:s23] =	ssyncset.done $0x0  }
0x4d: {  	[sflag:s23] =	ssyncadd.s32 $0xFFFFC000  }
0x4e: {  	[spmem:s1] =	stream.indirect.scatter.add.f32 [tilespmem:s20], [sflag:$0x4], $0x80, s19, s22, $0xb8;
	[tilespmem:$0x1E9E0] =	vst v63  }
0x4f: {  	_ =	swait.ge [sflag:s24], $0x4000  }
0x50: {  	s7 =	sshrl.u32 s4, $0x3;
	[sflag:s24] =	ssyncset.done $0x0  }
0x51: {  	s7 =	sadd.s32 s3, s7;
	[sflag:s24] =	ssyncadd.s32 $0xFFFFC000  }
0x52: {  	[tilespmem:s17], [sflag:$0x1] =	stream.linear.gather [hbm4b:s7+s2], $0x80, $0x38;
	[tilespmem:$0x1E9E0] =	vst v63  }
0x53: {  	s7 =	sadd.s32 $0xFFFFF800, s30  }
0x54: {  	[tilespmem:s18], [sflag:$0x1] =	stream.linear.gather [hbm4b:s7+s2], $0x4000, $0x38;
	[tilespmem:$0x1E9E0] =	vst v63  }
.Ltmp0:
0x55: {  	_ =	swait.ge [sflag:s25], $0x4000;
	(pc) =	sbr.rel @p1 .LBB2_2-.Ltmp0, $4  }
0x56: {  	[sflag:s25] =	ssyncset.done $0x0  }
0x57: {  	s6 =	sadd.s32 s6, s14;
	[sflag:s25] =	ssyncadd.s32 $0xFFFFC000  }
0x58: {  	[tilespmem:s19], [sflag:$0x2] =	stream.linear.gather [hbm4b:s6+s2], $0x80, $0x38;
	[tilespmem:$0x1E9E0] =	vst v63  }
0x59: {  	s4 =	sadd.s32 $0x100, s4;
	s30 =	sadd.s32 $0x1000, s30  }
0x5a: {  	[tilespmem:s20], [sflag:$0x2] =	stream.linear.gather [hbm4b:s13+s2], $0x4000, $0x38;
	[tilespmem:$0x1E9E0] =	vst v63  }
0x5b: {  	_ =	swait.ge [sflag:s21], $0x80  }
0x5c: {  	[sflag:s21] =	ssyncset.done $0x0  }
0x5d: {  	[sflag:s21] =	ssyncadd.s32 $0xFFFFFF80  }
0x5e: {  	_ =	swait.ge [sflag:s21], $0x4000  }
0x5f: {  	[sflag:s21] =	ssyncset.done $0x0  }
0x60: {  	[sflag:s21] =	ssyncadd.s32 $0xFFFFC000  }
0x61: {  	[spmem:s1] =	stream.indirect.scatter.add.f32 [tilespmem:s18], [sflag:$0x3], $0x80, s17, s22, $0xb8;
	[tilespmem:$0x1E9E0] =	vst v63  }
0x62: {  	_ =	swait.ge [sflag:s23], $0x80  }
0x63: {  	[sflag:s23] =	ssyncset.done $0x0  }
0x64: {  	[sflag:s23] =	ssyncadd.s32 $0xFFFFFF80  }
0x65: {  	_ =	swait.ge [sflag:s23], $0x4000  }
0x66: {  	[sflag:s23] =	ssyncset.done $0x0  }
0x67: {  	[sflag:s23] =	ssyncadd.s32 $0xFFFFC000  }
0x68: {  	[spmem:s1] =	stream.indirect.scatter.add.f32 [tilespmem:s20], [sflag:$0x4], $0x80, s19, s22, $0xb8;
	[tilespmem:$0x1E9E0] =	vst v63  }
0x69: {  	_ = 	snop  }
0x6a: {  	[tilespmem:s26], [sflag:$0x5] =	stream.linear.gather [hbm4b:s9+s2], $0x60, $0x38;
	[tilespmem:$0x1E9E0] =	vst v63  }
0x6b: {  	_ =	swait.ge [sflag:s28], $0x60  }
0x6c: {  	[sflag:s28] =	ssyncset.done $0x0  }
0x6d: {  	[sflag:s28] =	ssyncadd.s32 $0xFFFFFFA0  }
0x6e: {  	[tilespmem:s29], [sflag:$0x5] =	stream.linear.gather [hbm4b:s10+s2], $0x3000, $0x38;
	[tilespmem:$0x1E9E0] =	vst v63  }
0x6f: {  	_ =	swait.ge [sflag:s28], $0x3000  }
0x70: {  	[sflag:s28] =	ssyncset.done $0x0  }
0x71: {  	s0 =	simm.s32 $0x60;
	[sflag:s28] =	ssyncadd.s32 $0xFFFFD000  }
0x72: {  	[spmem:s1] =	stream.indirect.scatter.add.f32 [tilespmem:s29], [sflag:$0x5], $0x80, s26, s0, $0xb8;
	[tilespmem:$0x1E9E0] =	vst v63  }
0x73: {  	_ =	swait.ge [sflag:s28], $0x3000  }
0x74: {  	[sflag:s28] =	ssyncset.done $0x0  }
0x75: {  	[sflag:s28] =	ssyncadd.s32 $0xFFFFD000  }
0x76: {  	_ =	swait.ge [sflag:s25], $0x4000  }
0x77: {  	[sflag:s25] =	ssyncset.done $0x0  }
0x78: {  	[sflag:s25] =	ssyncadd.s32 $0xFFFFC000  }
0x79: {  	_ =	swait.ge [sflag:s24], $0x4000  }
0x7a: {  	[sflag:s24] =	ssyncset.done $0x0  }
0x7b: {  	s31 =	sadd.s32 $0x1, s31;
	[sflag:s24] =	ssyncadd.s32 $0xFFFFC000  }
0x7c: {  	p1 =	sne.s32 s31, s12;
	s0 =	simm.s32 @!p0 $0x1C05;
	[bflag:$0x0] =	sbarrier.arrive $0xFFFF  }
0x7d: {  	[hbm:s11], [sflag:s0] =	dma.local @!p0 [spmem:s16], $0x27100  }
.Ltmp1:
0x7e: {  	_ = 	snop;
	(pc) =	sbr.rel @p1 .LBB2_1-.Ltmp1, $4  }
0x7f: {  	s0 =	simm.s32 @!p0 $0x5  }
0x80: {  	_ =	swait.ge @!p0 [sflag:s0], $0x27100  }
0x81: {  	[sflag:s0] =	ssyncset.done @!p0 $0x0  }
0x82: {  	[sflag:s0] =	ssyncadd.s32 @!p0 $0xFFFD8F00  }
0x83: {  	_ =	sfence.sel $0x180000  }
0x84: {  	[bflag:$0x0] =	sbarrier.arrive $0xFFFF  }
0x85: {  	_ =	strace $0x90000050  }
0x86: {  	[bflag:$0x2] =	sbarrier.arrive $0xFFFF  }
0x87: {  	s0 =	rddreg [dreg:$0x2]  }
0x88: {  	s0 =	sadd.s32 @!p0 $0x100000, s0  }
0x89: {  	[sflag:s0] =	ssyncadd.tile.s32 @!p0 $0x1;
	_ =	shalt  }
.Lfunc_end2:
_tile_overlayer_lowered:
.L_overlay_start_2:
0x8a: {  	(tag) =	ssettag $0x2  }
0x8b: {  	s0 =	rddreg [dreg:$0x0];
	s2 =	stileid.u32  }
0x8c: {  	s1 =	rddreg [dreg:$0x1];
	p0 =	sne.s32 s2, $0x0  }
0x8d: {  	s3 =	rddreg [dreg:$0x2];
	[bflag:$0x3] =	sbarrier.arrive $0xFFFF;
	s2 =	simm.s32 @!p0 $0x1C05  }
0x8e: {  	[timem:s3], [sflag:s2] =	dma.local @!p0 [hbm:s0], s1  }
0x8f: {  	s0 =	simm.s32 @!p0 $0x5  }
0x90: {  	_ =	swait.ge @!p0 [sflag:s0], s1  }
0x91: {  	s1 =	ssub.s32 @!p0 $0x0, s1;
	[sflag:s0] =	ssyncset.done @!p0 $0x0  }
0x92: {  	[sflag:s0] =	ssyncadd.s32 @!p0 s1  }
0x93: {  	[bflag:$0x3] =	sbarrier.arrive $0xFFFF  }
0x94: {  	_ =	shalt  }

// kernel: kernel.18.cloned.1.call-start
scs
__scs_entry_jumppad:
0x0: {  	(pc) =	sbr.rel $0x88, $3  }
0x1: {  	(tag) =	ssettag $0x0;
	lr =	simm.s32 $0x1  }
0x2: {  	[smem:$0x3F99] =	sst lr;
	_ =	strace $0xD0000000  }
0x3: {  	_ = 	snop  }
0x4: {  	_ = 	snop  }
0x5: {  	_ = 	snop  }
0x6: {  	_ = 	snop  }
0x7: {  	_ = 	snop  }
__scs_overlays_trampoline_lowered:
0x8: {  	[smem:$0x3FA8] =	sst s0  }
0x9: {  	[smem:$0x3FA9] =	sst s1  }
0xa: {  	[smem:$0x3FAA] =	sst s2  }
0xb: {  	[smem:$0x3FAB] =	sst s3  }
0xc: {  	[smem:$0x3FAC] =	sst s4  }
0xd: {  	[smem:$0x3FAD] =	sst s5  }
0xe: {  	[smem:$0x3FAE] =	sst s6  }
0xf: {  	[smem:$0x3FAF] =	sst s7  }
0x10: {  	[smem:$0x3FB0] =	sst s8  }
0x11: {  	[smem:$0x3FB1] =	sst s9;
	s0 =	simm.s32 @!p0 $0x0  }
0x12: {  	s1 =	sld [smem:$0x3F97];
	s0 =	simm.s32 @p0 $0x1  }
0x13: {  	[smem:$0x3FB2] =	sst s0;
	s0 =	simm.s32 @!p1 $0x0  }
0x14: {  	s2 =	sld [smem:$0x3F96];
	s0 =	simm.s32 @p1 $0x1  }
0x15: {  	[smem:$0x3FB3] =	sst s0;
	s0 =	simm.s32 @!p2 $0x0  }
0x16: {  	s3 =	sld [smem:$0x3FDB];
	s0 =	simm.s32 @p2 $0x1  }
0x17: {  	s4 =	simm.s32 $0x1BF5;
	[smem:$0x3FB5] =	sst s0  }
0x18: {  	s0 =	sld [smem:$0x3F98];
	_ =	swait.ge [sflag:s4], $0x0  }
0x19: {  	s7 =	sld [smem:$0x3F99]  }
0x1a: {  	s8 =	sadd.s32 $0xFFFFE003, lr  }
0x1b: {  	s9 =	sadd.s32 $0xFFFFFEF7, lr;
	s5 =	simm.s32 $0xFFFFFFFF;
	p2 =	slt.u32 s8, $0xFFFFF086  }
0x1c: {  	p1 =	slt.u32 s9, $0xF7A;
	s5 =	simm.s32 @!p2 $0x0  }
0x1d: {  	s5 =	simm.s32 @p1 $0x1;
	p0 =	seq.s32 s7, s2  }
0x1e: {  	s7 =	smul.u32 @!p0 $0xF7A, s2;
	p2 =	seq.s32 @!p0 s5, $0x0  }
0x1f: {  	s9 =	smul.u32 $0xF7A, s1;
	s8 =	simm.s32 @!p0 $0x1BF5;
	p2 =	por !p2, p0  }
0x20: {  	[sflag:s8] =	ssyncset.s32 @!p0 $0xFFFFF086;
	s6 =	sadd.s32 @!p0 s3, s7;
	s7 =	simm.s32 @!p0 $0x108  }
0x21: {  	s3 =	sadd.s32 s3, s9;
	s6 =	sadd.s32 @!p0 $0x88, s6;
	s7 =	simm.s32 @p2 $0x1082  }
0x22: {  	[simem:s7], [sflag:s8] =	dma.local @!p0 [hbm:s6], $0xF7A  }
0x23: {  	s9 =	sor.u32 $0xD0000000, s2;
	s6 =	simm.s32 $0x108;
	_ =	swait.ge @!p0 [sflag:s8], $0x0  }
0x24: {  	s3 =	sadd.s32 $0x88, s3;
	s6 =	simm.s32 @!p1 $0x1082;
	[sflag:s4] =	ssyncset.s32 $0xFFFFF086  }
0x25: {  	[simem:s6], [sflag:s4] =	dma.local [hbm:s3], $0xF7A  }
0x26: {  	[smem:$0x3F99] =	sst s1;
	(tag) =	ssettag s2;
	_ =	strace s9  }
0x27: {  	s1 =	sld [smem:$0x3FA9]  }
0x28: {  	s2 =	sld [smem:$0x3FAA]  }
0x29: {  	s4 =	sld [smem:$0x3FAC]  }
0x2a: {  	p0 =	seq.s32 s5, $0x0;
	s5 =	sld [smem:$0x3FAD]  }
0x2b: {  	s6 =	sld [smem:$0x3FAE]  }
0x2c: {  	s7 =	sld [smem:$0x3FAF]  }
0x2d: {  	s3 =	simm.s32 $0x108;
	s8 =	sld [smem:$0x3FB0]  }
0x2e: {  	s3 =	simm.s32 @!p0 $0x1082;
	s9 =	sld [smem:$0x3FB1]  }
0x2f: {  	lr =	sadd.s32 s0, s3;
	s0 =	sld [smem:$0x3FA8]  }
0x30: {  	s3 =	sld [smem:$0x3FAB]  }
0x31: {  	[smem:$0x3FB4] =	sst s10  }
0x32: {  	s10 =	sld [smem:$0x3FB2];
	_ =	sdelay $0x3  }
0x33: {  	p0 =	seq.s32 s10, $0x1;
	s10 =	sld [smem:$0x3FB4];
	_ =	sdelay $0x3  }
0x34: {  	[smem:$0x3FB4] =	sst s10  }
0x35: {  	s10 =	sld [smem:$0x3FB3];
	_ =	sdelay $0x3  }
0x36: {  	p1 =	seq.s32 s10, $0x1;
	s10 =	sld [smem:$0x3FB4];
	_ =	sdelay $0x3  }
0x37: {  	[smem:$0x3FB4] =	sst s10  }
0x38: {  	s10 =	sld [smem:$0x3FB5]  }
0x39: {  	_ = 	snop;
	(pc) =	sbr.ind lr, $3  }
0x3a: {  	_ = 	snop  }
0x3b: {  	_ = 	snop  }
0x3c: {  	p2 =	seq.s32 s10, $0x1;
	s10 =	sld [smem:$0x3FB4]  }
0x3d: {  	_ =	shalt  }
0x3e: {  	_ =	shalt  }
0x3f: {  	_ =	shalt  }
0x40: {  	_ =	shalt  }
0x41: {  	_ =	shalt  }
0x42: {  	_ =	shalt  }
0x43: {  	_ =	shalt  }
0x44: {  	_ =	shalt  }
0x45: {  	_ =	shalt  }
0x46: {  	_ =	shalt  }
0x47: {  	_ =	shalt  }
0x48: {  	_ =	shalt  }
0x49: {  	_ =	shalt  }
0x4a: {  	_ =	shalt  }
0x4b: {  	_ =	shalt  }
0x4c: {  	_ =	shalt  }
0x4d: {  	_ =	shalt  }
0x4e: {  	_ =	shalt  }
0x4f: {  	_ =	shalt  }
0x50: {  	_ =	shalt  }
0x51: {  	_ =	shalt  }
0x52: {  	_ =	shalt  }
0x53: {  	_ =	shalt  }
0x54: {  	_ =	shalt  }
0x55: {  	_ =	shalt  }
0x56: {  	_ =	shalt  }
0x57: {  	_ =	shalt  }
0x58: {  	_ =	shalt  }
0x59: {  	_ =	shalt  }
0x5a: {  	_ =	shalt  }
0x5b: {  	_ =	shalt  }
0x5c: {  	_ =	shalt  }
0x5d: {  	_ =	shalt  }
0x5e: {  	_ =	shalt  }
0x5f: {  	_ =	shalt  }
0x60: {  	_ =	shalt  }
0x61: {  	_ =	shalt  }
0x62: {  	_ =	shalt  }
0x63: {  	_ =	shalt  }
0x64: {  	_ =	shalt  }
0x65: {  	_ =	shalt  }
0x66: {  	_ =	shalt  }
0x67: {  	_ =	shalt  }
0x68: {  	_ =	shalt  }
0x69: {  	_ =	shalt  }
0x6a: {  	_ =	shalt  }
0x6b: {  	_ =	shalt  }
0x6c: {  	_ =	shalt  }
0x6d: {  	_ =	shalt  }
0x6e: {  	_ =	shalt  }
0x6f: {  	_ =	shalt  }
0x70: {  	_ =	shalt  }
0x71: {  	_ =	shalt  }
0x72: {  	_ =	shalt  }
0x73: {  	_ =	shalt  }
0x74: {  	_ =	shalt  }
0x75: {  	_ =	shalt  }
0x76: {  	_ =	shalt  }
0x77: {  	_ =	shalt  }
0x78: {  	_ =	shalt  }
0x79: {  	_ =	shalt  }
0x7a: {  	_ =	shalt  }
0x7b: {  	_ =	shalt  }
0x7c: {  	_ =	shalt  }
0x7d: {  	_ =	shalt  }
0x7e: {  	_ =	shalt  }
0x7f: {  	_ =	shalt  }
0x80: {  	_ =	shalt  }
0x81: {  	_ =	shalt  }
0x82: {  	_ =	shalt  }
0x83: {  	_ =	shalt  }
0x84: {  	_ =	shalt  }
0x85: {  	_ =	shalt  }
0x86: {  	_ =	shalt  }
0x87: {  	_ =	shalt  }
.Lfunc_end0:
.L_simem_size_0:
called_computation.3_lowered:
.L_overlay_start_0:
0x88: {  	s2 =	sld [smem:$0x3FD9]  }
0x89: {  	s3 =	sld [smem:$0x3FFE];
	_ =	sdelay $0x1  }
0x8a: {  	s1 =	srdreg.scid  }
0x8b: {  	s0 =	sand.u32 $0x1, s1  }
0x8c: {  	s17 =	sshll.u32 s0, $0xA;
	s2 =	sadd.s32 s3, s2  }
0x8d: {  	s2 =	sadd.s32 s2, s17  }
0x8e: {  	[smem:$0x3FC0] =	sst s2  }
0x8f: {  	_ = 	snop  }
0x90: {  	(tm) =	ssettm $0x1  }
0x91: {  	s18 =	sld [smem:$0x3FFB];
	_ =	sdelay $0x3  }
0x92: {  	_ =	strace s18  }
0x93: {  	s2 =	sld [smem:$0x3FFC];
	_ =	sdelay $0x3  }
0x94: {  	_ =	strace s2  }
0x95: {  	s2 =	sld [smem:$0x3FFD];
	_ =	sdelay $0x3  }
0x96: {  	_ =	strace s2  }
0x97: {  	_ =	strace $0x8FFFFFFF  }
0x98: {  	s19 =	sld [smem:$0x3FDB];
	_ =	sdelay $0x1  }
0x99: {  	s20 =	simm.s32 $_scs_section_size  }
0x9a: {  	s4 =	simm.s32 $_size__tile_overlayer_lowered;
	s5 =	simm.s32 $_tile_overlayer_lowered  }
0x9b: {  	s6 =	simm.s32 $0x1BFF;
	s21 =	sshll.u32 s5, $0x1;
	s3 =	sadd.s32 s20, s19  }
0x9c: {  	s22 =	simm.s32 $0x0;
	s4 =	sshll.u32 s4, $0x1;
	s5 =	sadd.s32 s21, s3  }
0x9d: {  	[timem:s22], [sflag:s6] =	dma.local [hbm:s5], s4  }
0x9e: {  	_ =	swait.ge [sflag:s6], s4  }
0x9f: {  	s4 =	ssub.s32 $0x0, s4;
	[sflag:s6] =	ssyncset.done $0x0  }
0xa0: {  	[sflag:s6] =	ssyncadd.s32 s4;
	_ =	sdelay $0x1  }
0xa1: {  	s23 =	simm.s32 $0x1B8B  }
0xa2: {  	_ =	swait.ge [sflag:s23], $0x1  }
0xa3: {  	[sflag:s23] =	ssyncset.done $0x0  }
0xa4: {  	[sflag:s23] =	ssyncadd.s32 $0xFFFFFFFF  }
0xa5: {  	s4 =	sld [smem:$0x0]  }
0xa6: {  	s5 =	sand.u32 $0xFFFFFFFE, s1  }
0xa7: {  	p0 =	sne.s32 s1, s5  }
0xa8: {  	s5 =	sshll.u32 @p0 s5, $0xE  }
0xa9: {  	s5 =	sadd.s32 @p0 $0x11B8D, s5;
	s6 =	sshll.u32 @p0 s4, $0x11  }
0xaa: {  	s5 =	sor.u32 @p0 s6, s5  }
0xab: {  	[sflag:s5] =	ssyncadd.remote.s32 @p0 $0x1;
	_ =	sdelay $0x1  }
0xac: {  	s5 =	simm.s32 @p0 $0x1B8D  }
0xad: {  	_ =	swait.eq @p0 [sflag:s5], $0x1  }
0xae: {  	[sflag:s5] =	ssyncadd.s32 @p0 $0xFFFFFFFF  }
0xaf: {  	s6 =	sshll.u32 @!p0 s1, $0xE  }
0xb0: {  	s6 =	sor.u32 @!p0 $0x4000, s6;
	s5 =	simm.s32 @!p0 $0x1B8D  }
0xb1: {  	s4 =	sshll.u32 @!p0 s4, $0x11;
	s6 =	sadd.s32 @!p0 $0x11B8D, s6;
	_ =	swait.eq @!p0 [sflag:s5], $0x1  }
0xb2: {  	s4 =	sor.u32 @!p0 s4, s6;
	[sflag:s5] =	ssyncadd.s32 @!p0 $0xFFFFFFFF  }
0xb3: {  	s25 =	simm.s32 $0x1B8E;
	s24 =	sld [smem:$0x3FFE];
	[sflag:s4] =	ssyncadd.remote.s32 @!p0 $0x1  }
0xb4: {  	s26 =	simm.s32 $execute0_lowered;
	[smem:$0x3FD2] =	sst s25  }
0xb5: {  	s5 =	sshll.u32 s26, $0x1;
	_ =	strace $0x8000004C;
	[dreg:$0x1] =	wrdreg $0xFFFFFFFF  }
0xb6: {  	s28 =	simm.s32 $_size_execute0_lowered;
	s3 =	sadd.s32 s3, s5;
	[dreg:$0x0] =	wrdreg $0x0  }
0xb7: {  	s5 =	sshll.u32 s28, $0x1;
	[dreg:$0x2] =	wrdreg s3  }
0xb8: {  	[dreg:$0x3] =	wrdreg s5  }
0xb9: {  	[dreg:$0x4] =	wrdreg $0xC0  }
0xba: {  	_ =	task [dreg:s22], $0x5FFFF  }
0xbb: {  	[dreg:$0x1] =	wrdreg $0xFFFFFFFF  }
0xbc: {  	[dreg:$0x0] =	wrdreg $0x60  }
0xbd: {  	[dreg:$0x2] =	wrdreg s24  }
0xbe: {  	[dreg:$0x3] =	wrdreg $0x0  }
0xbf: {  	[dreg:$0x4] =	wrdreg $0xA  }
0xc0: {  	_ =	task.clear_ibuf [dreg:s22], $0x5FFFF;
	_ =	strace $0x9000004C  }
0xc1: {  	s29 =	simm.s32 $0xA;
	_ =	strace $0x8000004E  }
0xc2: {  	_ =	swait.ge [sflag:s29], $0x1  }
0xc3: {  	[sflag:s29] =	ssyncadd.s32 $0xFFFFFFFF  }
0xc4: {  	_ =	strace $0x9000004E  }
0xc5: {  	_ =	sfence  }
0xc6: {  	s30 =	sld [smem:$0x0];
	_ =	sdelay $0x2  }
0xc7: {  	s31 =	sshll.u32 s1, $0xD;
	s1 =	sshrl.u32 s1, $0x2  }
0xc8: {  	s4 =	sand.u32 $0x4000, s31;
	s1 =	sadd.s32 s1, s30  }
0xc9: {  	s0 =	sor.u32 s4, s0;
	s1 =	sshll.u32 s1, $0x11  }
0xca: {  	s0 =	sor.u32 s1, s0  }
0xcb: {  	s0 =	sadd.s32 $0x8F2B, s0  }
0xcc: {  	[sflag:s0] =	ssyncadd.remote.s32 $0x1  }
0xcd: {  	_ =	sfence.sel $0xFFFF  }
0xce: {  	[dreg:$0x0] =	wrdreg $0xFFFFFFFF;
	(pc) =	sbr.abs _section_cstart, $3  }
0xcf: {  	[dreg:$0x1] =	wrdreg $0xFFFFFFFF  }
0xd0: {  	_ =	task.clear_ibuf [dreg:s22], $0x2FFFF;
	_ =	strace $0x9FFFFFFF  }
0xd1: {  	(tm) =	ssettm $0x7FFFFFFF  }
tec
execute0_lowered:
.L_overlay_start_1:
0x0: {  	(tag) =	ssettag $0x1  }
0x1: {  	s0 =	rddreg [dreg:$0x0]  }
0x2: {  	s1 =	rddreg [dreg:$0x1];
	s3 =	srdreg.scid  }
0x3: {  	s2 =	simm.s32 $0x0;
	s13 =	stileid.u32;
	s17 =	simm.s32 $0x13880  }
0x4: {  	s18 =	simm.s32 $0x13900;
	s28 =	simm.s32 $0x5;
	s29 =	simm.s32 $0x1B9A8  }
0x5: {  	s31 =	simm.s32 $0x0;
	s4 =	sand.u32 $0x1, s3;
	s7 =	smul.u32 $0xA28, s13  }
0x6: {  	[smem:$0x7FF] =	sst s2;
	s11 =	sadd.s32 $0x2A2A00, s0;
	s14 =	smul.u32 $0xA280, s13  }
0x7: {  	s3 =	sadd.s32 $0x2A0000, s0;
	s8 =	sadd.s32 $0x2A400, s0;
	s5 =	smul.u32 $0x27100, s4  }
0x8: {  	p0 =	sne.s32 s13, $0x0;
	_ =	strace $0x8000004D;
	s6 =	smul.u32 $0xA280, s4  }
0x9: {  	[dreg:$0x3] =	wrdreg s8;
	s19 =	ssub.s32 $0x2, s4;
	s4 =	smul.u32 $0xA2800, s4  }
0xa: {  	s16 =	sshrl.u32 @!p0 s1, $0x3;
	s20 =	sshrl.u32 s19, $0x1;
	s0 =	sadd.s32 s5, s0  }
0xb: {  	s15 =	sadd.s32 s7, s6;
	s5 =	ssub.s32 s19, s20;
	s4 =	sadd.s32 s4, s11  }
0xc: {  	s19 =	simm.s32 $0x17900;
	s20 =	simm.s32 $0x17980;
	s6 =	sshrl.u32 s15, $0x3  }
0xd: {  	s21 =	sadd.s32 $0x80, s15;
	s22 =	sshll.u32 s15, $0x4;
	s9 =	sadd.s32 $0xA00, s15  }
0xe: {  	s25 =	sadd.s32 s14, s4;
	s26 =	sadd.s32 $0x180, s15;
	s15 =	sadd.s32 $0x100, s15  }
0xf: {  	s6 =	sadd.s32 s3, s6;
	s23 =	sshrl.u32 s21, $0x3;
	s8 =	sshll.u32 s21, $0x4  }
0x10: {  	s10 =	sshrl.u32 s9, $0x3;
	s12 =	sshll.u32 s9, $0x4;
	s30 =	sshrl.u32 s26, $0x3  }
0x11: {  	s21 =	simm.s32 $0x1;
	s26 =	simm.s32 $0x1B980;
	[dreg:$0x4] =	wrdreg s6  }
0x12: {  	s6 =	sadd.s32 s11, s22;
	s24 =	sadd.s32 s3, s23;
	s8 =	sadd.s32 s11, s8  }
0x13: {  	s9 =	sadd.s32 s3, s10;
	s10 =	sadd.s32 s11, s12;
	s11 =	sadd.s32 $0x51600, s0  }
0x14: {  	s12 =	smax.u32 s5, $0x1;
	s5 =	sadd.s32 $0x1800, s25;
	s14 =	sadd.s32 s30, s3  }
0x15: {  	s22 =	simm.s32 $0x80;
	s23 =	simm.s32 $0x2;
	[dreg:$0x5] =	wrdreg s6  }
0x16: {  	s25 =	simm.s32 $0x4;
	[dreg:$0x6] =	wrdreg s24;
	s24 =	simm.s32 $0x3  }
.LBB2_1:
0x17: {  	s0 =	simm.s32 @!p0 $0x1C05;
	s4 =	rddreg [dreg:$0x3]  }
0x18: {  	[spmem:s16], [sflag:s0] =	dma.local @!p0 [hbm:s4], $0x27100  }
0x19: {  	s0 =	simm.s32 @!p0 $0x5  }
0x1a: {  	_ =	swait.ge @!p0 [sflag:s0], $0x27100  }
0x1b: {  	[sflag:s0] =	ssyncset.done @!p0 $0x0  }
0x1c: {  	[sflag:s0] =	ssyncadd.s32 @!p0 $0xFFFD8F00  }
0x1d: {  	[bflag:$0x0] =	sbarrier.arrive $0xFFFF  }
0x1e: {  	s7 =	rddreg [dreg:$0x4]  }
0x1f: {  	[tilespmem:s17], [sflag:$0x1] =	stream.linear.gather [hbm4b:s7+s2], $0x80, $0x38;
	[tilespmem:$0x1CDA8] =	vst v63  }
0x20: {  	s13 =	rddreg [dreg:$0x5]  }
0x21: {  	[tilespmem:s18], [sflag:$0x1] =	stream.linear.gather [hbm4b:s13+s2], $0x4000, $0x38;
	[tilespmem:$0x1CDA8] =	vst v63  }
0x22: {  	s4 =	rddreg [dreg:$0x6]  }
0x23: {  	[tilespmem:s19], [sflag:$0x2] =	stream.linear.gather [hbm4b:s4+s2], $0x80, $0x38;
	[tilespmem:$0x1CDA8] =	vst v63  }
0x24: {  	_ = 	snop  }
0x25: {  	[tilespmem:s20], [sflag:$0x2] =	stream.linear.gather [hbm4b:s8+s2], $0x4000, $0x38;
	[tilespmem:$0x1CDA8] =	vst v63  }
0x26: {  	_ =	swait.ge [sflag:s21], $0x80  }
0x27: {  	[sflag:s21] =	ssyncset.done $0x0  }
0x28: {  	[sflag:s21] =	ssyncadd.s32 $0xFFFFFF80  }
0x29: {  	_ =	swait.ge [sflag:s21], $0x4000  }
0x2a: {  	[sflag:s21] =	ssyncset.done $0x0  }
0x2b: {  	[sflag:s21] =	ssyncadd.s32 $0xFFFFC000  }
0x2c: {  	[spmem:s1] =	stream.indirect.scatter.add.f32 [tilespmem:s18], [sflag:$0x3], $0x80, s17, s22, $0xb8;
	[tilespmem:$0x1CDA8] =	vst v63  }
0x2d: {  	_ =	swait.ge [sflag:s23], $0x80  }
0x2e: {  	[sflag:s23] =	ssyncset.done $0x0  }
0x2f: {  	[sflag:s23] =	ssyncadd.s32 $0xFFFFFF80  }
0x30: {  	_ =	swait.ge [sflag:s23], $0x4000  }
0x31: {  	[sflag:s23] =	ssyncset.done $0x0  }
0x32: {  	[sflag:s23] =	ssyncadd.s32 $0xFFFFC000  }
0x33: {  	[spmem:s1] =	stream.indirect.scatter.add.f32 [tilespmem:s20], [sflag:$0x4], $0x80, s19, s22, $0xb8;
	[tilespmem:$0x1CDA8] =	vst v63  }
0x34: {  	_ =	swait.ge [sflag:s24], $0x4000  }
0x35: {  	s6 =	sshrl.u32 s15, $0x3;
	[sflag:s24] =	ssyncset.done $0x0  }
0x36: {  	s0 =	sadd.s32 s3, s6;
	[sflag:s24] =	ssyncadd.s32 $0xFFFFC000  }
0x37: {  	[tilespmem:s17], [sflag:$0x1] =	stream.linear.gather [hbm4b:s0+s2], $0x80, $0x38;
	[tilespmem:$0x1CDA8] =	vst v63  }
0x38: {  	s7 =	sadd.s32 $0xFFFFF800, s5  }
0x39: {  	[tilespmem:s18], [sflag:$0x1] =	stream.linear.gather [hbm4b:s7+s2], $0x4000, $0x38;
	[tilespmem:$0x1CDA8] =	vst v63  }
0x3a: {  	_ =	swait.ge [sflag:s25], $0x4000  }
0x3b: {  	[sflag:s25] =	ssyncset.done $0x0  }
0x3c: {  	s30 =	sadd.s32 $0x1000, s5;
	s13 =	sadd.s32 $0x0, s14;
	[sflag:s25] =	ssyncadd.s32 $0xFFFFC000  }
0x3d: {  	[tilespmem:s19], [sflag:$0x2] =	stream.linear.gather [hbm4b:s13+s2], $0x80, $0x38;
	[tilespmem:$0x1CDA8] =	vst v63  }
0x3e: {  	s4 =	sadd.s32 $0x100, s15;
	s0 =	simm.s32 $0x20;
	s13 =	smov.u32 s5  }
.LBB2_2:
0x3f: {  	[tilespmem:s20], [sflag:$0x2] =	stream.linear.gather [hbm4b:s13+s2], $0x4000, $0x38;
	[tilespmem:$0x1CDA8] =	vst v63  }
0x40: {  	s6 =	smov.u32 s0;
	s13 =	smov.u32 s30  }
0x41: {  	p1 =	sne.s32 s0, $0x100;
	s0 =	sadd.s32 $0x20, s0;
	_ =	swait.ge [sflag:s21], $0x80  }
0x42: {  	[sflag:s21] =	ssyncset.done $0x0  }
0x43: {  	[sflag:s21] =	ssyncadd.s32 $0xFFFFFF80  }
0x44: {  	_ =	swait.ge [sflag:s21], $0x4000  }
0x45: {  	[sflag:s21] =	ssyncset.done $0x0  }
0x46: {  	[sflag:s21] =	ssyncadd.s32 $0xFFFFC000  }
0x47: {  	[spmem:s1] =	stream.indirect.scatter.add.f32 [tilespmem:s18], [sflag:$0x3], $0x80, s17, s22, $0xb8;
	[tilespmem:$0x1CDA8] =	vst v63  }
0x48: {  	_ =	swait.ge [sflag:s23], $0x80  }
0x49: {  	[sflag:s23] =	ssyncset.done $0x0  }
0x4a: {  	[sflag:s23] =	ssyncadd.s32 $0xFFFFFF80  }
0x4b: {  	_ =	swait.ge [sflag:s23], $0x4000  }
0x4c: {  	[sflag:s23] =	ssyncset.done $0x0  }
0x4d: {  	[sflag:s23] =	ssyncadd.s32 $0xFFFFC000  }
0x4e: {  	[spmem:s1] =	stream.indirect.scatter.add.f32 [tilespmem:s20], [sflag:$0x4], $0x80, s19, s22, $0xb8;
	[tilespmem:$0x1CDA8] =	vst v63  }
0x4f: {  	_ =	swait.ge [sflag:s24], $0x4000  }
0x50: {  	s7 =	sshrl.u32 s4, $0x3;
	[sflag:s24] =	ssyncset.done $0x0  }
0x51: {  	s7 =	sadd.s32 s3, s7;
	[sflag:s24] =	ssyncadd.s32 $0xFFFFC000  }
0x52: {  	[tilespmem:s17], [sflag:$0x1] =	stream.linear.gather [hbm4b:s7+s2], $0x80, $0x38;
	[tilespmem:$0x1CDA8] =	vst v63  }
0x53: {  	s7 =	sadd.s32 $0xFFFFF800, s30  }
0x54: {  	[tilespmem:s18], [sflag:$0x1] =	stream.linear.gather [hbm4b:s7+s2], $0x4000, $0x38;
	[tilespmem:$0x1CDA8] =	vst v63  }
.Ltmp0:
0x55: {  	_ =	swait.ge [sflag:s25], $0x4000;
	(pc) =	sbr.rel @p1 .LBB2_2-.Ltmp0, $4  }
0x56: {  	[sflag:s25] =	ssyncset.done $0x0  }
0x57: {  	s6 =	sadd.s32 s6, s14;
	[sflag:s25] =	ssyncadd.s32 $0xFFFFC000  }
0x58: {  	[tilespmem:s19], [sflag:$0x2] =	stream.linear.gather [hbm4b:s6+s2], $0x80, $0x38;
	[tilespmem:$0x1CDA8] =	vst v63  }
0x59: {  	s4 =	sadd.s32 $0x100, s4;
	s30 =	sadd.s32 $0x1000, s30  }
0x5a: {  	[tilespmem:s20], [sflag:$0x2] =	stream.linear.gather [hbm4b:s13+s2], $0x4000, $0x38;
	[tilespmem:$0x1CDA8] =	vst v63  }
0x5b: {  	_ =	swait.ge [sflag:s21], $0x80  }
0x5c: {  	[sflag:s21] =	ssyncset.done $0x0  }
0x5d: {  	[sflag:s21] =	ssyncadd.s32 $0xFFFFFF80  }
0x5e: {  	_ =	swait.ge [sflag:s21], $0x4000  }
0x5f: {  	[sflag:s21] =	ssyncset.done $0x0  }
0x60: {  	[sflag:s21] =	ssyncadd.s32 $0xFFFFC000  }
0x61: {  	[spmem:s1] =	stream.indirect.scatter.add.f32 [tilespmem:s18], [sflag:$0x3], $0x80, s17, s22, $0xb8;
	[tilespmem:$0x1CDA8] =	vst v63  }
0x62: {  	_ =	swait.ge [sflag:s23], $0x80  }
0x63: {  	[sflag:s23] =	ssyncset.done $0x0  }
0x64: {  	[sflag:s23] =	ssyncadd.s32 $0xFFFFFF80  }
0x65: {  	_ =	swait.ge [sflag:s23], $0x4000  }
0x66: {  	[sflag:s23] =	ssyncset.done $0x0  }
0x67: {  	[sflag:s23] =	ssyncadd.s32 $0xFFFFC000  }
0x68: {  	[spmem:s1] =	stream.indirect.scatter.add.f32 [tilespmem:s20], [sflag:$0x4], $0x80, s19, s22, $0xb8;
	[tilespmem:$0x1CDA8] =	vst v63  }
0x69: {  	_ = 	snop  }
0x6a: {  	[tilespmem:s26], [sflag:$0x5] =	stream.linear.gather [hbm4b:s9+s2], $0x28, $0x38;
	[tilespmem:$0x1CDA8] =	vst v63  }
0x6b: {  	_ =	swait.ge [sflag:s28], $0x28  }
0x6c: {  	[sflag:s28] =	ssyncset.done $0x0  }
0x6d: {  	[sflag:s28] =	ssyncadd.s32 $0xFFFFFFD8  }
0x6e: {  	[tilespmem:s29], [sflag:$0x5] =	stream.linear.gather [hbm4b:s10+s2], $0x1400, $0x38;
	[tilespmem:$0x1CDA8] =	vst v63  }
0x6f: {  	_ =	swait.ge [sflag:s28], $0x1400  }
0x70: {  	[sflag:s28] =	ssyncset.done $0x0  }
0x71: {  	s0 =	simm.s32 $0x28;
	[sflag:s28] =	ssyncadd.s32 $0xFFFFEC00  }
0x72: {  	[spmem:s1] =	stream.indirect.scatter.add.f32 [tilespmem:s29], [sflag:$0x5], $0x80, s26, s0, $0xb8;
	[tilespmem:$0x1CDA8] =	vst v63  }
0x73: {  	_ =	swait.ge [sflag:s28], $0x1400  }
0x74: {  	[sflag:s28] =	ssyncset.done $0x0  }
0x75: {  	[sflag:s28] =	ssyncadd.s32 $0xFFFFEC00  }
0x76: {  	_ =	swait.ge [sflag:s25], $0x4000  }
0x77: {  	[sflag:s25] =	ssyncset.done $0x0  }
0x78: {  	[sflag:s25] =	ssyncadd.s32 $0xFFFFC000  }
0x79: {  	_ =	swait.ge [sflag:s24], $0x4000  }
0x7a: {  	[sflag:s24] =	ssyncset.done $0x0  }
0x7b: {  	s31 =	sadd.s32 $0x1, s31;
	[sflag:s24] =	ssyncadd.s32 $0xFFFFC000  }
0x7c: {  	p1 =	sne.s32 s31, s12;
	s0 =	simm.s32 @!p0 $0x1C05;
	[bflag:$0x0] =	sbarrier.arrive $0xFFFF  }
0x7d: {  	[hbm:s11], [sflag:s0] =	dma.local @!p0 [spmem:s16], $0x27100  }
.Ltmp1:
0x7e: {  	_ = 	snop;
	(pc) =	sbr.rel @p1 .LBB2_1-.Ltmp1, $4  }
0x7f: {  	s0 =	simm.s32 @!p0 $0x5  }
0x80: {  	_ =	swait.ge @!p0 [sflag:s0], $0x27100  }
0x81: {  	[sflag:s0] =	ssyncset.done @!p0 $0x0  }
0x82: {  	[sflag:s0] =	ssyncadd.s32 @!p0 $0xFFFD8F00  }
0x83: {  	_ =	sfence.sel $0x180000  }
0x84: {  	[bflag:$0x0] =	sbarrier.arrive $0xFFFF  }
0x85: {  	_ =	strace $0x9000004D  }
0x86: {  	[bflag:$0x2] =	sbarrier.arrive $0xFFFF  }
0x87: {  	s0 =	rddreg [dreg:$0x2]  }
0x88: {  	s0 =	sadd.s32 @!p0 $0x100000, s0  }
0x89: {  	[sflag:s0] =	ssyncadd.tile.s32 @!p0 $0x1;
	_ =	shalt  }
.Lfunc_end2:
_tile_overlayer_lowered:
.L_overlay_start_2:
0x8a: {  	(tag) =	ssettag $0x2  }
0x8b: {  	s0 =	rddreg [dreg:$0x0];
	s2 =	stileid.u32  }
0x8c: {  	s1 =	rddreg [dreg:$0x1];
	p0 =	sne.s32 s2, $0x0  }
0x8d: {  	s3 =	rddreg [dreg:$0x2];
	[bflag:$0x3] =	sbarrier.arrive $0xFFFF;
	s2 =	simm.s32 @!p0 $0x1C05  }
0x8e: {  	[timem:s3], [sflag:s2] =	dma.local @!p0 [hbm:s0], s1  }
0x8f: {  	s0 =	simm.s32 @!p0 $0x5  }
0x90: {  	_ =	swait.ge @!p0 [sflag:s0], s1  }
0x91: {  	s1 =	ssub.s32 @!p0 $0x0, s1;
	[sflag:s0] =	ssyncset.done @!p0 $0x0  }
0x92: {  	[sflag:s0] =	ssyncadd.s32 @!p0 s1  }
0x93: {  	[bflag:$0x3] =	sbarrier.arrive $0xFFFF  }
0x94: {  	_ =	shalt  }

// kernel: kernel.9.cloned.1.call-start
scs
__scs_entry_jumppad:
0x0: {  	(pc) =	sbr.rel $0x88, $3  }
0x1: {  	(tag) =	ssettag $0x0;
	lr =	simm.s32 $0x1  }
0x2: {  	[smem:$0x3F99] =	sst lr;
	_ =	strace $0xD0000000  }
0x3: {  	_ = 	snop  }
0x4: {  	_ = 	snop  }
0x5: {  	_ = 	snop  }
0x6: {  	_ = 	snop  }
0x7: {  	_ = 	snop  }
__scs_overlays_trampoline_lowered:
0x8: {  	[smem:$0x3FA8] =	sst s0  }
0x9: {  	[smem:$0x3FA9] =	sst s1  }
0xa: {  	[smem:$0x3FAA] =	sst s2  }
0xb: {  	[smem:$0x3FAB] =	sst s3  }
0xc: {  	[smem:$0x3FAC] =	sst s4  }
0xd: {  	[smem:$0x3FAD] =	sst s5  }
0xe: {  	[smem:$0x3FAE] =	sst s6  }
0xf: {  	[smem:$0x3FAF] =	sst s7  }
0x10: {  	[smem:$0x3FB0] =	sst s8  }
0x11: {  	[smem:$0x3FB1] =	sst s9;
	s0 =	simm.s32 @!p0 $0x0  }
0x12: {  	s1 =	sld [smem:$0x3F97];
	s0 =	simm.s32 @p0 $0x1  }
0x13: {  	[smem:$0x3FB2] =	sst s0;
	s0 =	simm.s32 @!p1 $0x0  }
0x14: {  	s2 =	sld [smem:$0x3F96];
	s0 =	simm.s32 @p1 $0x1  }
0x15: {  	[smem:$0x3FB3] =	sst s0;
	s0 =	simm.s32 @!p2 $0x0  }
0x16: {  	s3 =	sld [smem:$0x3FDB];
	s0 =	simm.s32 @p2 $0x1  }
0x17: {  	s4 =	simm.s32 $0x1BF5;
	[smem:$0x3FB5] =	sst s0  }
0x18: {  	s0 =	sld [smem:$0x3F98];
	_ =	swait.ge [sflag:s4], $0x0  }
0x19: {  	s7 =	sld [smem:$0x3F99]  }
0x1a: {  	s8 =	sadd.s32 $0xFFFFE003, lr  }
0x1b: {  	s9 =	sadd.s32 $0xFFFFFEF7, lr;
	s5 =	simm.s32 $0xFFFFFFFF;
	p2 =	slt.u32 s8, $0xFFFFF086  }
0x1c: {  	p1 =	slt.u32 s9, $0xF7A;
	s5 =	simm.s32 @!p2 $0x0  }
0x1d: {  	s5 =	simm.s32 @p1 $0x1;
	p0 =	seq.s32 s7, s2  }
0x1e: {  	s7 =	smul.u32 @!p0 $0xF7A, s2;
	p2 =	seq.s32 @!p0 s5, $0x0  }
0x1f: {  	s9 =	smul.u32 $0xF7A, s1;
	s8 =	simm.s32 @!p0 $0x1BF5;
	p2 =	por !p2, p0  }
0x20: {  	[sflag:s8] =	ssyncset.s32 @!p0 $0xFFFFF086;
	s6 =	sadd.s32 @!p0 s3, s7;
	s7 =	simm.s32 @!p0 $0x108  }
0x21: {  	s3 =	sadd.s32 s3, s9;
	s6 =	sadd.s32 @!p0 $0x88, s6;
	s7 =	simm.s32 @p2 $0x1082  }
0x22: {  	[simem:s7], [sflag:s8] =	dma.local @!p0 [hbm:s6], $0xF7A  }
0x23: {  	s9 =	sor.u32 $0xD0000000, s2;
	s6 =	simm.s32 $0x108;
	_ =	swait.ge @!p0 [sflag:s8], $0x0  }
0x24: {  	s3 =	sadd.s32 $0x88, s3;
	s6 =	simm.s32 @!p1 $0x1082;
	[sflag:s4] =	ssyncset.s32 $0xFFFFF086  }
0x25: {  	[simem:s6], [sflag:s4] =	dma.local [hbm:s3], $0xF7A  }
0x26: {  	[smem:$0x3F99] =	sst s1;
	(tag) =	ssettag s2;
	_ =	strace s9  }
0x27: {  	s1 =	sld [smem:$0x3FA9]  }
0x28: {  	s2 =	sld [smem:$0x3FAA]  }
0x29: {  	s4 =	sld [smem:$0x3FAC]  }
0x2a: {  	p0 =	seq.s32 s5, $0x0;
	s5 =	sld [smem:$0x3FAD]  }
0x2b: {  	s6 =	sld [smem:$0x3FAE]  }
0x2c: {  	s7 =	sld [smem:$0x3FAF]  }
0x2d: {  	s3 =	simm.s32 $0x108;
	s8 =	sld [smem:$0x3FB0]  }
0x2e: {  	s3 =	simm.s32 @!p0 $0x1082;
	s9 =	sld [smem:$0x3FB1]  }
0x2f: {  	lr =	sadd.s32 s0, s3;
	s0 =	sld [smem:$0x3FA8]  }
0x30: {  	s3 =	sld [smem:$0x3FAB]  }
0x31: {  	[smem:$0x3FB4] =	sst s10  }
0x32: {  	s10 =	sld [smem:$0x3FB2];
	_ =	sdelay $0x3  }
0x33: {  	p0 =	seq.s32 s10, $0x1;
	s10 =	sld [smem:$0x3FB4];
	_ =	sdelay $0x3  }
0x34: {  	[smem:$0x3FB4] =	sst s10  }
0x35: {  	s10 =	sld [smem:$0x3FB3];
	_ =	sdelay $0x3  }
0x36: {  	p1 =	seq.s32 s10, $0x1;
	s10 =	sld [smem:$0x3FB4];
	_ =	sdelay $0x3  }
0x37: {  	[smem:$0x3FB4] =	sst s10  }
0x38: {  	s10 =	sld [smem:$0x3FB5]  }
0x39: {  	_ = 	snop;
	(pc) =	sbr.ind lr, $3  }
0x3a: {  	_ = 	snop  }
0x3b: {  	_ = 	snop  }
0x3c: {  	p2 =	seq.s32 s10, $0x1;
	s10 =	sld [smem:$0x3FB4]  }
0x3d: {  	_ =	shalt  }
0x3e: {  	_ =	shalt  }
0x3f: {  	_ =	shalt  }
0x40: {  	_ =	shalt  }
0x41: {  	_ =	shalt  }
0x42: {  	_ =	shalt  }
0x43: {  	_ =	shalt  }
0x44: {  	_ =	shalt  }
0x45: {  	_ =	shalt  }
0x46: {  	_ =	shalt  }
0x47: {  	_ =	shalt  }
0x48: {  	_ =	shalt  }
0x49: {  	_ =	shalt  }
0x4a: {  	_ =	shalt  }
0x4b: {  	_ =	shalt  }
0x4c: {  	_ =	shalt  }
0x4d: {  	_ =	shalt  }
0x4e: {  	_ =	shalt  }
0x4f: {  	_ =	shalt  }
0x50: {  	_ =	shalt  }
0x51: {  	_ =	shalt  }
0x52: {  	_ =	shalt  }
0x53: {  	_ =	shalt  }
0x54: {  	_ =	shalt  }
0x55: {  	_ =	shalt  }
0x56: {  	_ =	shalt  }
0x57: {  	_ =	shalt  }
0x58: {  	_ =	shalt  }
0x59: {  	_ =	shalt  }
0x5a: {  	_ =	shalt  }
0x5b: {  	_ =	shalt  }
0x5c: {  	_ =	shalt  }
0x5d: {  	_ =	shalt  }
0x5e: {  	_ =	shalt  }
0x5f: {  	_ =	shalt  }
0x60: {  	_ =	shalt  }
0x61: {  	_ =	shalt  }
0x62: {  	_ =	shalt  }
0x63: {  	_ =	shalt  }
0x64: {  	_ =	shalt  }
0x65: {  	_ =	shalt  }
0x66: {  	_ =	shalt  }
0x67: {  	_ =	shalt  }
0x68: {  	_ =	shalt  }
0x69: {  	_ =	shalt  }
0x6a: {  	_ =	shalt  }
0x6b: {  	_ =	shalt  }
0x6c: {  	_ =	shalt  }
0x6d: {  	_ =	shalt  }
0x6e: {  	_ =	shalt  }
0x6f: {  	_ =	shalt  }
0x70: {  	_ =	shalt  }
0x71: {  	_ =	shalt  }
0x72: {  	_ =	shalt  }
0x73: {  	_ =	shalt  }
0x74: {  	_ =	shalt  }
0x75: {  	_ =	shalt  }
0x76: {  	_ =	shalt  }
0x77: {  	_ =	shalt  }
0x78: {  	_ =	shalt  }
0x79: {  	_ =	shalt  }
0x7a: {  	_ =	shalt  }
0x7b: {  	_ =	shalt  }
0x7c: {  	_ =	shalt  }
0x7d: {  	_ =	shalt  }
0x7e: {  	_ =	shalt  }
0x7f: {  	_ =	shalt  }
0x80: {  	_ =	shalt  }
0x81: {  	_ =	shalt  }
0x82: {  	_ =	shalt  }
0x83: {  	_ =	shalt  }
0x84: {  	_ =	shalt  }
0x85: {  	_ =	shalt  }
0x86: {  	_ =	shalt  }
0x87: {  	_ =	shalt  }
.Lfunc_end0:
.L_simem_size_0:
called_computation_lowered:
.L_overlay_start_0:
0x88: {  	s2 =	sld [smem:$0x3FD9]  }
0x89: {  	s3 =	sld [smem:$0x3FFE];
	_ =	sdelay $0x1  }
0x8a: {  	s1 =	srdreg.scid  }
0x8b: {  	s0 =	sand.u32 $0x1, s1  }
0x8c: {  	s17 =	sshll.u32 s0, $0xA;
	s2 =	sadd.s32 s3, s2  }
0x8d: {  	s2 =	sadd.s32 s2, s17  }
0x8e: {  	[smem:$0x3FC0] =	sst s2  }
0x8f: {  	_ = 	snop  }
0x90: {  	(tm) =	ssettm $0x1  }
0x91: {  	s18 =	sld [smem:$0x3FFB];
	_ =	sdelay $0x3  }
0x92: {  	_ =	strace s18  }
0x93: {  	s2 =	sld [smem:$0x3FFC];
	_ =	sdelay $0x3  }
0x94: {  	_ =	strace s2  }
0x95: {  	s2 =	sld [smem:$0x3FFD];
	_ =	sdelay $0x3  }
0x96: {  	_ =	strace s2  }
0x97: {  	_ =	strace $0x8FFFFFFF  }
0x98: {  	s19 =	sld [smem:$0x3FDB];
	_ =	sdelay $0x1  }
0x99: {  	s20 =	simm.s32 $_scs_section_size  }
0x9a: {  	s4 =	simm.s32 $_size__tile_overlayer_lowered;
	s5 =	simm.s32 $_tile_overlayer_lowered  }
0x9b: {  	s6 =	simm.s32 $0x1BFF;
	s21 =	sshll.u32 s5, $0x1;
	s3 =	sadd.s32 s20, s19  }
0x9c: {  	s22 =	simm.s32 $0x0;
	s4 =	sshll.u32 s4, $0x1;
	s5 =	sadd.s32 s21, s3  }
0x9d: {  	[timem:s22], [sflag:s6] =	dma.local [hbm:s5], s4  }
0x9e: {  	_ =	swait.ge [sflag:s6], s4  }
0x9f: {  	s4 =	ssub.s32 $0x0, s4;
	[sflag:s6] =	ssyncset.done $0x0  }
0xa0: {  	[sflag:s6] =	ssyncadd.s32 s4;
	_ =	sdelay $0x1  }
0xa1: {  	s23 =	simm.s32 $0x1B8B  }
0xa2: {  	_ =	swait.ge [sflag:s23], $0x1  }
0xa3: {  	[sflag:s23] =	ssyncset.done $0x0  }
0xa4: {  	[sflag:s23] =	ssyncadd.s32 $0xFFFFFFFF  }
0xa5: {  	s4 =	sld [smem:$0x0]  }
0xa6: {  	s5 =	sand.u32 $0xFFFFFFFE, s1  }
0xa7: {  	p0 =	sne.s32 s1, s5  }
0xa8: {  	s5 =	sshll.u32 @p0 s5, $0xE  }
0xa9: {  	s5 =	sadd.s32 @p0 $0x11B8D, s5;
	s6 =	sshll.u32 @p0 s4, $0x11  }
0xaa: {  	s5 =	sor.u32 @p0 s6, s5  }
0xab: {  	[sflag:s5] =	ssyncadd.remote.s32 @p0 $0x1;
	_ =	sdelay $0x1  }
0xac: {  	s5 =	simm.s32 @p0 $0x1B8D  }
0xad: {  	_ =	swait.eq @p0 [sflag:s5], $0x1  }
0xae: {  	[sflag:s5] =	ssyncadd.s32 @p0 $0xFFFFFFFF  }
0xaf: {  	s6 =	sshll.u32 @!p0 s1, $0xE  }
0xb0: {  	s6 =	sor.u32 @!p0 $0x4000, s6;
	s5 =	simm.s32 @!p0 $0x1B8D  }
0xb1: {  	s4 =	sshll.u32 @!p0 s4, $0x11;
	s6 =	sadd.s32 @!p0 $0x11B8D, s6;
	_ =	swait.eq @!p0 [sflag:s5], $0x1  }
0xb2: {  	s4 =	sor.u32 @!p0 s4, s6;
	[sflag:s5] =	ssyncadd.s32 @!p0 $0xFFFFFFFF  }
0xb3: {  	s25 =	simm.s32 $0x1B8E;
	s24 =	sld [smem:$0x3FFE];
	[sflag:s4] =	ssyncadd.remote.s32 @!p0 $0x1  }
0xb4: {  	s26 =	simm.s32 $execute0_lowered;
	[smem:$0x3FD2] =	sst s25  }
0xb5: {  	s5 =	sshll.u32 s26, $0x1;
	_ =	strace $0x80000049;
	[dreg:$0x1] =	wrdreg $0xFFFFFFFF  }
0xb6: {  	s28 =	simm.s32 $_size_execute0_lowered;
	s3 =	sadd.s32 s3, s5;
	[dreg:$0x0] =	wrdreg $0x0  }
0xb7: {  	s5 =	sshll.u32 s28, $0x1;
	[dreg:$0x2] =	wrdreg s3  }
0xb8: {  	[dreg:$0x3] =	wrdreg s5  }
0xb9: {  	[dreg:$0x4] =	wrdreg $0xC0  }
0xba: {  	_ =	task [dreg:s22], $0x5FFFF  }
0xbb: {  	[dreg:$0x1] =	wrdreg $0xFFFFFFFF  }
0xbc: {  	[dreg:$0x0] =	wrdreg $0x60  }
0xbd: {  	[dreg:$0x2] =	wrdreg s24  }
0xbe: {  	[dreg:$0x3] =	wrdreg $0x9  }
0xbf: {  	_ =	task.clear_ibuf [dreg:s22], $0x4FFFF;
	_ =	strace $0x90000049  }
0xc0: {  	s29 =	simm.s32 $0x9;
	_ =	strace $0x8000004B  }
0xc1: {  	_ =	swait.ge [sflag:s29], $0x1  }
0xc2: {  	[sflag:s29] =	ssyncadd.s32 $0xFFFFFFFF  }
0xc3: {  	_ =	strace $0x9000004B  }
0xc4: {  	_ =	sfence  }
0xc5: {  	s30 =	sld [smem:$0x0];
	_ =	sdelay $0x2  }
0xc6: {  	s31 =	sshll.u32 s1, $0xD;
	s1 =	sshrl.u32 s1, $0x2  }
0xc7: {  	s4 =	sand.u32 $0x4000, s31;
	s1 =	sadd.s32 s1, s30  }
0xc8: {  	s0 =	sor.u32 s4, s0;
	s1 =	sshll.u32 s1, $0x11  }
0xc9: {  	s0 =	sor.u32 s1, s0  }
0xca: {  	s0 =	sadd.s32 $0x8F2B, s0  }
0xcb: {  	[sflag:s0] =	ssyncadd.remote.s32 $0x1  }
0xcc: {  	_ =	sfence.sel $0xFFFF  }
0xcd: {  	[dreg:$0x0] =	wrdreg $0xFFFFFFFF;
	(pc) =	sbr.abs _section_cstart, $3  }
0xce: {  	[dreg:$0x1] =	wrdreg $0xFFFFFFFF  }
0xcf: {  	_ =	task.clear_ibuf [dreg:s22], $0x2FFFF;
	_ =	strace $0x9FFFFFFF  }
0xd0: {  	(tm) =	ssettm $0x7FFFFFFF  }
0xd1: {  	_ =	shalt  }
tec
execute0_lowered:
.L_overlay_start_1:
0x0: {  	(tag) =	ssettag $0x1  }
0x1: {  	s5 =	rddreg [dreg:$0x0];
	s2 =	simm.s32 $0x0;
	s3 =	srdreg.scid  }
0x2: {  	s0 =	stileid.u32;
	s19 =	simm.s32 $0x4100;
	s20 =	simm.s32 $0x1  }
0x3: {  	s21 =	simm.s32 $0x2;
	s22 =	simm.s32 $0x3;
	s23 =	simm.s32 $0x4  }
0x4: {  	s28 =	simm.s32 $0x0;
	[smem:$0x7FF] =	sst s2;
	s12 =	smul.u32 $0x96000, s0  }
0x5: {  	s8 =	sand.u32 $0x1, s3;
	s24 =	sshll.u32 s0, $0x1;
	s15 =	smul.u32 $0x12C0, s0  }
0x6: {  	s3 =	sadd.s32 $0x3200, s5;
	s4 =	sadd.s32 $0x16F400, s5;
	s14 =	smul.u32 $0x4B000, s8  }
0x7: {  	s13 =	sadd.s32 $0x174000, s5;
	s6 =	sor.u32 s8, s24;
	s18 =	smul.u32 $0x960, s8  }
0x8: {  	_ =	strace $0x8000004A;
	s7 =	ssub.s32 $0x2, s8;
	s9 =	smul.u32 $0x960, s6  }
0x9: {  	s24 =	simm.s32 $0x8100;
	s10 =	sshrl.u32 s7, $0x1;
	s6 =	smul.u32 $0x4B000, s6  }
0xa: {  	s11 =	ssub.s32 s7, s10;
	s12 =	sadd.s32 s14, s12;
	s30 =	sadd.s32 s18, s15  }
0xb: {  	s18 =	simm.s32 $0x4080;
	s25 =	sshrl.u32 s9, $0x3;
	s26 =	sshrl.u32 s6, $0x3  }
0xc: {  	s9 =	sadd.s32 $0x900, s9;
	s11 =	smax.u32 s11, $0x1;
	s12 =	sshrl.u32 s12, $0x3  }
0xd: {  	s15 =	sadd.s32 $0x180, s30;
	s31 =	sshll.u32 s30, $0x4;
	s14 =	sadd.s32 $0x100, s30  }
0xe: {  	s5 =	sadd.s32 s4, s25;
	s29 =	sadd.s32 s13, s26;
	s16 =	sshrl.u32 s9, $0x3  }
0xf: {  	s17 =	sshll.u32 s9, $0x4;
	s12 =	sadd.s32 s12, s13;
	s15 =	sshrl.u32 s15, $0x3  }
0x10: {  	s25 =	simm.s32 $0x60;
	s26 =	simm.s32 $0x8160;
	s6 =	sadd.s32 $0x10, s5  }
0x11: {  	s7 =	sadd.s32 $0x8000, s29;
	s8 =	sadd.s32 $0x8800, s29;
	s9 =	sadd.s32 s4, s16  }
0x12: {  	s10 =	sadd.s32 s13, s17;
	s16 =	sadd.s32 s13, s31;
	s13 =	sadd.s32 s15, s4  }
0x13: {  	s17 =	simm.s32 $0x80;
	s15 =	sadd.s32 $0x800, s16;
	s16 =	simm.s32 $0x5  }
.LBB2_1:
0x14: {  	[tilespmem:s2], [sflag:$0x5] =	stream.linear.gather [hbm4b:s5+s2], $0x80, $0x38;
	[tilespmem:$0xB160] =	vst v63  }
0x15: {  	_ =	swait.ge [sflag:s16], $0x80  }
0x16: {  	[sflag:s16] =	ssyncset.done $0x0  }
0x17: {  	[sflag:s16] =	ssyncadd.s32 $0xFFFFFF80  }
0x18: {  	[tilespmem:s17], [sflag:$0x1] =	stream.indirect.gather [hbm4b:s3+s17], $0x80, s2, s17, $0xb8;
	[tilespmem:$0xB160] =	vst v63  }
0x19: {  	_ = 	snop  }
0x1a: {  	[tilespmem:s18], [sflag:$0x5] =	stream.linear.gather [hbm4b:s6+s2], $0x80, $0x38;
	[tilespmem:$0xB160] =	vst v63  }
0x1b: {  	_ =	swait.ge [sflag:s16], $0x80  }
0x1c: {  	[sflag:s16] =	ssyncset.done $0x0  }
0x1d: {  	[sflag:s16] =	ssyncadd.s32 $0xFFFFFF80  }
0x1e: {  	[tilespmem:s19], [sflag:$0x2] =	stream.indirect.gather [hbm4b:s3+s17], $0x80, s18, s17, $0xb8;
	[tilespmem:$0xB160] =	vst v63  }
0x1f: {  	_ =	swait.ge [sflag:s20], $0x4000  }
0x20: {  	[sflag:s20] =	ssyncset.done $0x0  }
0x21: {  	s29 =	sadd.s32 $0x0, s12;
	[sflag:s20] =	ssyncadd.s32 $0xFFFFC000  }
0x22: {  	[hbm4b:s29+s2] =	stream.linear.scatter [tilespmem:s17], [sflag:$0x3], $0x4000, $0x38;
	[tilespmem:$0xB160] =	vst v63  }
0x23: {  	_ =	swait.ge [sflag:s21], $0x4000  }
0x24: {  	[sflag:s21] =	ssyncset.done $0x0  }
0x25: {  	s29 =	sadd.s32 $0x0, s15;
	[sflag:s21] =	ssyncadd.s32 $0xFFFFC000  }
0x26: {  	[hbm4b:s29+s2] =	stream.linear.scatter [tilespmem:s19], [sflag:$0x4], $0x4000, $0x38;
	[tilespmem:$0xB160] =	vst v63  }
0x27: {  	_ =	swait.ge [sflag:s22], $0x4000  }
0x28: {  	s29 =	sshrl.u32 s14, $0x3;
	[sflag:s22] =	ssyncset.done $0x0  }
0x29: {  	s29 =	sadd.s32 s4, s29;
	[sflag:s22] =	ssyncadd.s32 $0xFFFFC000  }
0x2a: {  	[tilespmem:s2], [sflag:$0x5] =	stream.linear.gather [hbm4b:s29+s2], $0x80, $0x38;
	[tilespmem:$0xB160] =	vst v63  }
0x2b: {  	_ =	swait.ge [sflag:s16], $0x80  }
0x2c: {  	[sflag:s16] =	ssyncset.done $0x0  }
0x2d: {  	[sflag:s16] =	ssyncadd.s32 $0xFFFFFF80  }
0x2e: {  	[tilespmem:s17], [sflag:$0x1] =	stream.indirect.gather [hbm4b:s3+s17], $0x80, s2, s17, $0xb8;
	[tilespmem:$0xB160] =	vst v63  }
0x2f: {  	_ =	swait.ge [sflag:s23], $0x4000  }
0x30: {  	[sflag:s23] =	ssyncset.done $0x0  }
0x31: {  	[sflag:s23] =	ssyncadd.s32 $0xFFFFC000  }
0x32: {  	[tilespmem:s18], [sflag:$0x5] =	stream.linear.gather [hbm4b:s13+s2], $0x80, $0x38;
	[tilespmem:$0xB160] =	vst v63  }
0x33: {  	_ =	swait.ge [sflag:s16], $0x80  }
0x34: {  	s30 =	sadd.s32 $0x20, s13;
	[sflag:s16] =	ssyncset.done $0x0  }
0x35: {  	s31 =	sadd.s32 $0x100, s14;
	s29 =	simm.s32 $0x1000;
	[sflag:s16] =	ssyncadd.s32 $0xFFFFFF80  }
.LBB2_2:
0x36: {  	[tilespmem:s19], [sflag:$0x2] =	stream.indirect.gather [hbm4b:s3+s17], $0x80, s18, s17, $0xb8;
	[tilespmem:$0xB160] =	vst v63  }
0x37: {  	s0 =	smov.u32 s29  }
0x38: {  	p0 =	sne.s32 s29, $0x7000;
	s29 =	sadd.s32 $0x1000, s29;
	_ =	swait.ge [sflag:s20], $0x4000  }
0x39: {  	[sflag:s20] =	ssyncset.done $0x0  }
0x3a: {  	s1 =	sadd.s32 s0, s12;
	[sflag:s20] =	ssyncadd.s32 $0xFFFFC000  }
0x3b: {  	[hbm4b:s1+s2] =	stream.linear.scatter [tilespmem:s17], [sflag:$0x3], $0x4000, $0x38;
	[tilespmem:$0xB160] =	vst v63  }
0x3c: {  	_ =	swait.ge [sflag:s21], $0x4000  }
0x3d: {  	[sflag:s21] =	ssyncset.done $0x0  }
0x3e: {  	s0 =	sadd.s32 s0, s15;
	[sflag:s21] =	ssyncadd.s32 $0xFFFFC000  }
0x3f: {  	[hbm4b:s0+s2] =	stream.linear.scatter [tilespmem:s19], [sflag:$0x4], $0x4000, $0x38;
	[tilespmem:$0xB160] =	vst v63  }
0x40: {  	_ =	swait.ge [sflag:s22], $0x4000  }
0x41: {  	s0 =	sshrl.u32 s31, $0x3;
	[sflag:s22] =	ssyncset.done $0x0  }
0x42: {  	s0 =	sadd.s32 s4, s0;
	[sflag:s22] =	ssyncadd.s32 $0xFFFFC000  }
0x43: {  	[tilespmem:s2], [sflag:$0x5] =	stream.linear.gather [hbm4b:s0+s2], $0x80, $0x38;
	[tilespmem:$0xB160] =	vst v63  }
0x44: {  	_ =	swait.ge [sflag:s16], $0x80  }
0x45: {  	[sflag:s16] =	ssyncset.done $0x0  }
0x46: {  	[sflag:s16] =	ssyncadd.s32 $0xFFFFFF80  }
0x47: {  	[tilespmem:s17], [sflag:$0x1] =	stream.indirect.gather [hbm4b:s3+s17], $0x80, s2, s17, $0xb8;
	[tilespmem:$0xB160] =	vst v63  }
0x48: {  	_ =	swait.ge [sflag:s23], $0x4000  }
0x49: {  	[sflag:s23] =	ssyncset.done $0x0  }
.Ltmp0:
0x4a: {  	[sflag:s23] =	ssyncadd.s32 $0xFFFFC000;
	(pc) =	sbr.rel @p0 .LBB2_2-.Ltmp0, $4  }
0x4b: {  	[tilespmem:s18], [sflag:$0x5] =	stream.linear.gather [hbm4b:s30+s2], $0x80, $0x38;
	[tilespmem:$0xB160] =	vst v63  }
0x4c: {  	_ =	swait.ge [sflag:s16], $0x80  }
0x4d: {  	[sflag:s16] =	ssyncset.done $0x0  }
0x4e: {  	s31 =	sadd.s32 $0x100, s31;
	s30 =	sadd.s32 $0x20, s30;
	[sflag:s16] =	ssyncadd.s32 $0xFFFFFF80  }
0x4f: {  	[tilespmem:s19], [sflag:$0x2] =	stream.indirect.gather [hbm4b:s3+s17], $0x80, s18, s17, $0xb8;
	[tilespmem:$0xB160] =	vst v63  }
0x50: {  	_ =	swait.ge [sflag:s20], $0x4000  }
0x51: {  	[sflag:s20] =	ssyncset.done $0x0  }
0x52: {  	[sflag:s20] =	ssyncadd.s32 $0xFFFFC000  }
0x53: {  	[hbm4b:s7+s2] =	stream.linear.scatter [tilespmem:s17], [sflag:$0x3], $0x4000, $0x38;
	[tilespmem:$0xB160] =	vst v63  }
0x54: {  	_ =	swait.ge [sflag:s21], $0x4000  }
0x55: {  	[sflag:s21] =	ssyncset.done $0x0  }
0x56: {  	[sflag:s21] =	ssyncadd.s32 $0xFFFFC000  }
0x57: {  	[hbm4b:s8+s2] =	stream.linear.scatter [tilespmem:s19], [sflag:$0x4], $0x4000, $0x38;
	[tilespmem:$0xB160] =	vst v63  }
0x58: {  	_ = 	snop  }
0x59: {  	[tilespmem:s24], [sflag:$0x5] =	stream.linear.gather [hbm4b:s9+s2], $0x60, $0x38;
	[tilespmem:$0xB160] =	vst v63  }
0x5a: {  	_ =	swait.ge [sflag:s16], $0x60  }
0x5b: {  	[sflag:s16] =	ssyncset.done $0x0  }
0x5c: {  	[sflag:s16] =	ssyncadd.s32 $0xFFFFFFA0  }
0x5d: {  	[tilespmem:s26], [sflag:$0x1] =	stream.indirect.gather [hbm4b:s3+s25], $0x80, s24, s25, $0xb8;
	[tilespmem:$0xB160] =	vst v63  }
0x5e: {  	_ =	swait.ge [sflag:s20], $0x3000  }
0x5f: {  	[sflag:s20] =	ssyncset.done $0x0  }
0x60: {  	[sflag:s20] =	ssyncadd.s32 $0xFFFFD000  }
0x61: {  	[hbm4b:s10+s2] =	stream.linear.scatter [tilespmem:s26], [sflag:$0x5], $0x3000, $0x38;
	[tilespmem:$0xB160] =	vst v63  }
0x62: {  	_ =	swait.ge [sflag:s16], $0x3000  }
0x63: {  	[sflag:s16] =	ssyncset.done $0x0  }
0x64: {  	s28 =	sadd.s32 $0x1, s28;
	[sflag:s16] =	ssyncadd.s32 $0xFFFFD000  }
0x65: {  	p0 =	sne.s32 s28, s11;
	_ =	swait.ge [sflag:s23], $0x4000  }
.Ltmp1:
0x66: {  	[sflag:s23] =	ssyncset.done $0x0;
	(pc) =	sbr.rel @p0 .LBB2_1-.Ltmp1, $4  }
0x67: {  	[sflag:s23] =	ssyncadd.s32 $0xFFFFC000  }
0x68: {  	_ =	swait.ge [sflag:s22], $0x4000  }
0x69: {  	[sflag:s22] =	ssyncset.done $0x0  }
0x6a: {  	[sflag:s22] =	ssyncadd.s32 $0xFFFFC000  }
0x6b: {  	_ =	sfence.sel $0x180000  }
0x6c: {  	[bflag:$0x0] =	sbarrier.arrive $0xFFFF  }
0x6d: {  	_ =	strace $0x9000004A  }
0x6e: {  	s0 =	stileid.u32;
	[bflag:$0x2] =	sbarrier.arrive $0xFFFF  }
0x6f: {  	p0 =	sne.s32 s0, $0x0;
	s0 =	rddreg [dreg:$0x1]  }
0x70: {  	s0 =	sadd.s32 @!p0 $0x100000, s0  }
0x71: {  	[sflag:s0] =	ssyncadd.tile.s32 @!p0 $0x1;
	_ =	shalt  }
.Lfunc_end2:
_tile_overlayer_lowered:
.L_overlay_start_2:
0x72: {  	(tag) =	ssettag $0x2  }
0x73: {  	s0 =	rddreg [dreg:$0x0];
	s2 =	stileid.u32  }
0x74: {  	s1 =	rddreg [dreg:$0x1];
	p0 =	sne.s32 s2, $0x0  }
0x75: {  	s3 =	rddreg [dreg:$0x2];
	[bflag:$0x3] =	sbarrier.arrive $0xFFFF;
	s2 =	simm.s32 @!p0 $0x1C05  }
0x76: {  	[timem:s3], [sflag:s2] =	dma.local @!p0 [hbm:s0], s1  }
0x77: {  	s0 =	simm.s32 @!p0 $0x5  }
0x78: {  	_ =	swait.ge @!p0 [sflag:s0], s1  }
0x79: {  	s1 =	ssub.s32 @!p0 $0x0, s1;
	[sflag:s0] =	ssyncset.done @!p0 $0x0  }
0x7a: {  	[sflag:s0] =	ssyncadd.s32 @!p0 s1  }
0x7b: {  	[bflag:$0x3] =	sbarrier.arrive $0xFFFF  }
0x7c: {  	_ =	shalt  }

</sc_bundles>
